<compile_context>
chip_gen: v7x
topology: tpu7x:2x2x1
jax: 0.10.2.dev20260603
libtpu: 0.0.44.dev20260713+nightly
codegen_flags: <defaults>
</compile_context>

<pallas_src>
import functools

import jax
import jax.numpy as jnp
from jax import lax
from jax.experimental import pallas as pl
from jax.experimental.pallas import tpu as pltpu
from jax.experimental.pallas import tpu_sc as plsc

NC = 2
NS = 16
NW = NC * NS

_CHA = 2048
_OCH = 4096
_CHB = 4096
_RING = 7


def _bf16_round(v):
  bits = plsc.bitcast(v, jnp.uint32)
  rnd = bits + jnp.uint32(0x7FFF) + ((bits >> jnp.uint32(16)) & jnp.uint32(1))
  return plsc.bitcast(rnd & jnp.uint32(0xFFFF0000), jnp.float32)


def _proj_kernel(n_pad, n_real, W, H):
  per_w = n_pad // NW
  nch = per_w // _CHA
  nodma = per_w // _OCH
  mesh = plsc.VectorSubcoreMesh(core_axis_name="c", subcore_axis_name="s")

  @functools.partial(
      pl.kernel,
      out_type=[jax.ShapeDtypeStruct((n_pad,), jnp.int32),
                jax.ShapeDtypeStruct((n_pad,), jnp.float32),
                jax.ShapeDtypeStruct((n_pad,), jnp.float32),
                jax.ShapeDtypeStruct((NW * 16,), jnp.int32)],
      mesh=mesh,
      compiler_params=pltpu.CompilerParams(needs_layout_passes=False),
      scratch_types=[pltpu.VMEM((18 * 16,), jnp.float32),
                     pltpu.VMEM((2 * _CHA,), jnp.float32),
                     pltpu.VMEM((2 * _CHA,), jnp.float32),
                     pltpu.VMEM((2 * _CHA,), jnp.float32),
                     pltpu.VMEM((2 * _CHA,), jnp.float32),
                     pltpu.VMEM((per_w,), jnp.int32),
                     pltpu.VMEM((per_w,), jnp.float32),
                     pltpu.VMEM((per_w,), jnp.float32),
                     pltpu.VMEM((16,), jnp.int32),
                     pltpu.SemaphoreType.DMA,
                     pltpu.SemaphoreType.DMA,
                     pltpu.SemaphoreType.DMA,
                     pltpu.SemaphoreType.DMA],
  )
  def proj(x_hbm, y_hbm, z_hbm, w_hbm, par_hbm,
           flat_hbm, vz_hbm, vi_hbm, cnt_hbm,
           pbuf, xbuf, ybuf, zbuf2, wbuf, fbuf, zbuf, ibuf, cbuf,
           semx, semy, semz, semw):
    wid = lax.axis_index("s") * NC + lax.axis_index("c")
    pltpu.sync_copy(par_hbm, pbuf)
    par = [pbuf[pl.ds(k * 16, 16)] for k in range(18)]
    iota = lax.iota(jnp.int32, 16)
    wbase = wid * per_w

    def start_fetch(cidx, boff):
      off = wbase + cidx * _CHA
      pltpu.async_copy(x_hbm.at[pl.ds(off, _CHA)],
                       xbuf.at[pl.ds(boff, _CHA)], semx)
      pltpu.async_copy(y_hbm.at[pl.ds(off, _CHA)],
                       ybuf.at[pl.ds(boff, _CHA)], semy)
      pltpu.async_copy(z_hbm.at[pl.ds(off, _CHA)],
                       zbuf2.at[pl.ds(boff, _CHA)], semz)
      pltpu.async_copy(w_hbm.at[pl.ds(off, _CHA)],
                       wbuf.at[pl.ds(boff, _CHA)], semw)

    start_fetch(0, 0)

    def chunk_body(cidx, cnt_vec):
      boff = (cidx % 2) * _CHA

      @pl.when(cidx + 1 < nch)
      def _():
        start_fetch(cidx + 1, _CHA - boff)

      off = wbase + cidx * _CHA
      pltpu.make_async_copy(x_hbm.at[pl.ds(off, _CHA)],
                            xbuf.at[pl.ds(boff, _CHA)], semx).wait()
      pltpu.make_async_copy(y_hbm.at[pl.ds(off, _CHA)],
                            ybuf.at[pl.ds(boff, _CHA)], semy).wait()
      pltpu.make_async_copy(z_hbm.at[pl.ds(off, _CHA)],
                            zbuf2.at[pl.ds(boff, _CHA)], semz).wait()
      pltpu.make_async_copy(w_hbm.at[pl.ds(off, _CHA)],
                            wbuf.at[pl.ds(boff, _CHA)], semw).wait()

      def one_vreg(voff, gidoff, cnt_vec):
        x = xbuf[pl.ds(voff, 16)]
        y = ybuf[pl.ds(voff, 16)]
        z = zbuf2[pl.ds(voff, 16)]
        inten = wbuf[pl.ds(voff, 16)]
        cam0 = x * par[0] + y * par[1] + z * par[2] + par[3]
        cam1 = x * par[4] + y * par[5] + z * par[6] + par[7]
        cam2 = x * par[8] + y * par[9] + z * par[10] + par[11]
        c0 = _bf16_round(cam0)
        c1 = _bf16_round(cam1)
        c2 = _bf16_round(cam2)
        unum = c0 * par[12] + c1 * par[13] + c2 * par[14]
        vnum = c0 * par[15] + c1 * par[16] + c2 * par[17]
        zsafe = jnp.where(jnp.abs(cam2) > 1e-6, cam2, jnp.float32(1e-6))
        u = unum / zsafe
        v = vnum / zsafe
        mask = ((cam2 > 0.1) & (u >= 0.0) & (u < float(W))
                & (v >= 0.0) & (v < float(H)))
        gid = gidoff + iota
        mask = mask & (gid < n_real)
        ui = jnp.clip(u, 0.0, float(W - 1)).astype(jnp.int32)
        vi = jnp.clip(v, 0.0, float(H - 1)).astype(jnp.int32)
        flat = vi * W + ui
        mi = mask.astype(jnp.int32)
        prefix = plsc.cumsum(mi) - mi
        dst = cnt_vec + prefix
        plsc.store_scatter(fbuf, [dst], flat, mask=mask)
        plsc.store_scatter(zbuf, [dst], cam2, mask=mask)
        plsc.store_scatter(ibuf, [dst], inten, mask=mask)
        return cnt_vec + plsc.all_reduce_population_count(mask)

      def vec_body(j, cnt_vec):
        return one_vreg(boff + j * 16, off + j * 16, cnt_vec)

      return plsc.parallel_loop(0, _CHA // 16, carry=cnt_vec)(vec_body)

    cnt_vec = lax.fori_loop(0, nch, chunk_body,
                            jnp.zeros((16,), jnp.int32))
    cbuf[pl.ds(0, 16)] = cnt_vec
    pltpu.sync_copy(cbuf, cnt_hbm.at[pl.ds(wid * 16, 16)])
    cnt = cnt_vec[0]
    for k in range(nodma):
      @pl.when(k * _OCH < cnt)
      def _():
        pltpu.sync_copy(fbuf.at[pl.ds(k * _OCH, _OCH)],
                        flat_hbm.at[pl.ds(wbase + k * _OCH, _OCH)])
        pltpu.sync_copy(zbuf.at[pl.ds(k * _OCH, _OCH)],
                        vz_hbm.at[pl.ds(wbase + k * _OCH, _OCH)])
        pltpu.sync_copy(ibuf.at[pl.ds(k * _OCH, _OCH)],
                        vi_hbm.at[pl.ds(wbase + k * _OCH, _OCH)])

  return proj


def _scatter_kernel(n_pad, W, H):
  band = (H // NW) * W
  per_w = n_pad // NW
  assert W & (W - 1) == 0 and W % 128 == 0
  _shw = W.bit_length() - 1
  mesh = plsc.VectorSubcoreMesh(core_axis_name="c", subcore_axis_name="s")

  @functools.partial(
      pl.kernel,
      out_type=jax.ShapeDtypeStruct((H * W * 2,), jnp.float32),
      mesh=mesh,
      compiler_params=pltpu.CompilerParams(needs_layout_passes=False),
      scratch_types=[pltpu.VMEM((_RING * _CHB,), jnp.int32),
                     pltpu.VMEM((_RING * _CHB,), jnp.float32),
                     pltpu.VMEM((_RING * _CHB,), jnp.float32),
                     pltpu.VMEM((2 * band,), jnp.float32),
                     pltpu.VMEM((NW * 16,), jnp.int32),
                     pltpu.SemaphoreType.DMA,
                     pltpu.SemaphoreType.DMA,
                     pltpu.SemaphoreType.DMA],
  )
  def scat(flat_hbm, vz_hbm, vi_hbm, cnt_hbm, zeros_hbm, out_hbm,
           fbuf, zbuf, ibuf, obuf, ctbuf, semf, semz, semi):
    wid = lax.axis_index("s") * NC + lax.axis_index("c")
    base = wid * band
    iota = lax.iota(jnp.int32, 16)
    pltpu.sync_copy(zeros_hbm, obuf)
    pltpu.sync_copy(cnt_hbm, ctbuf)

    def start_fetch(r, boff):
      off = r * per_w
      pltpu.async_copy(flat_hbm.at[pl.ds(off, _CHB)],
                       fbuf.at[pl.ds(boff, _CHB)], semf)
      pltpu.async_copy(vz_hbm.at[pl.ds(off, _CHB)],
                       zbuf.at[pl.ds(boff, _CHB)], semz)
      pltpu.async_copy(vi_hbm.at[pl.ds(off, _CHB)],
                       ibuf.at[pl.ds(boff, _CHB)], semi)

    def process(boff, nvalid):
      nv = (nvalid + 15) // 16

      def vec_body(j, _):
        s = boff + j * 16
        f = fbuf[pl.ds(s, 16)]
        t = f - base
        m = plsc.bitcast(t, jnp.uint32) < jnp.uint32(band)
        m = m & ((j * 16 + iota) < nvalid)
        col = t & jnp.int32(W - 1)
        pos = (((t >> _shw) << (_shw + 1)) + ((col >> 7) << 8)
               + (col & jnp.int32(127)))
        zval = zbuf[pl.ds(s, 16)]
        ival = ibuf[pl.ds(s, 16)]
        plsc.store_scatter(obuf, [pos], zval, mask=m)
        plsc.store_scatter(obuf, [pos + 128], ival, mask=m)
        return 0

      lax.fori_loop(0, nv, vec_body, 0)

    for r0 in range(_RING):
      start_fetch(r0, r0 * _CHB)

    def region_body(r, _):
      boff = (r % _RING) * _CHB
      off = r * per_w
      pltpu.make_async_copy(flat_hbm.at[pl.ds(off, _CHB)],
                            fbuf.at[pl.ds(boff, _CHB)], semf).wait()
      pltpu.make_async_copy(vz_hbm.at[pl.ds(off, _CHB)],
                            zbuf.at[pl.ds(boff, _CHB)], semz).wait()
      pltpu.make_async_copy(vi_hbm.at[pl.ds(off, _CHB)],
                            ibuf.at[pl.ds(boff, _CHB)], semi).wait()
      cnt_row = ctbuf[pl.ds(r * 16, 16)]
      cnt = cnt_row[0]
      process(boff, jnp.minimum(cnt, _CHB))

      def extra_body(c, _):
        coff = off + c * _CHB
        pltpu.sync_copy(flat_hbm.at[pl.ds(coff, _CHB)],
                        fbuf.at[pl.ds(boff, _CHB)])
        pltpu.sync_copy(vz_hbm.at[pl.ds(coff, _CHB)],
                        zbuf.at[pl.ds(boff, _CHB)])
        pltpu.sync_copy(vi_hbm.at[pl.ds(coff, _CHB)],
                        ibuf.at[pl.ds(boff, _CHB)])
        process(boff, jnp.minimum(cnt - c * _CHB, _CHB))
        return 0

      nchr = (cnt + _CHB - 1) // _CHB
      lax.fori_loop(1, nchr, extra_body, 0)

      @pl.when(r + _RING < NW)
      def _():
        start_fetch(r + _RING, boff)

      return 0

    lax.fori_loop(0, NW, region_body, 0)
    pltpu.sync_copy(obuf, out_hbm.at[pl.ds(wid * 2 * band, 2 * band)])

  return scat


def kernel(cloud, image, intrinsic, extrinsic):
  H, W = image.shape[0], image.shape[1]
  n = cloud.shape[0]
  gran = NW * _CHA
  n_pad = ((n + gran - 1) // gran) * gran
  cloud_p = cloud
  if n_pad != n:
    cloud_p = jnp.concatenate(
        [cloud, jnp.zeros((n_pad - n, 4), cloud.dtype)], axis=0)
  xs = cloud_p[:, 0].astype(jnp.bfloat16).astype(jnp.float32)
  ys = cloud_p[:, 1].astype(jnp.bfloat16).astype(jnp.float32)
  zs = cloud_p[:, 2].astype(jnp.bfloat16).astype(jnp.float32)
  ws = cloud_p[:, 3]
  E = extrinsic.astype(jnp.float32).astype(jnp.bfloat16).astype(jnp.float32)
  I = intrinsic.astype(jnp.float32).astype(jnp.bfloat16).astype(jnp.float32)
  scal = jnp.concatenate([E[0, :], E[1, :], E[2, :], I[0, :3], I[1, :3]])
  par = jnp.repeat(scal, 16)
  flat, vz, vi, cnts = _proj_kernel(n_pad, n, W, H)(xs, ys, zs, ws, par)
  zeros_band = jnp.zeros((2 * (H // NW) * W,), jnp.float32)
  out = _scatter_kernel(n_pad, W, H)(flat, vz, vi, cnts, zeros_band)
  return (out.reshape(H, W // 128, 2, 128)
          .transpose(0, 1, 3, 2).reshape(H, W, 2))

# --- scband reference (transcript-rebuilt; emitter-appended) ---
"""Pipeline reference for scband-front-image-fusion-82918638617039 (READ-ONLY COPY).

The authoritative reference and input builder live on the scoring server;
editing this copy changes nothing except your own understanding.
"""

import jax, jax.numpy as jnp
import numpy as np

WIDTH = 1024
HEIGHT = 512
INTRINSIC = np.array([[500.0, 0.0, 512.0], [0.0, 500.0, 256.0], [0.0, 0.0, 1.0]], dtype=np.float32)
EXTRINSIC = np.eye(4, dtype=np.float32)


def setup_inputs(seed: int = 0) -> dict:
    key = jax.random.key(seed)
    k1, k2 = jax.random.split(key)
    cloud = jax.random.normal(k1, (1000000, 4), dtype=jnp.float32)
    image = jax.random.uniform(k2, (HEIGHT, WIDTH, 3), dtype=jnp.float32)
    return {
        "cloud": cloud,
        "image": image,
        "intrinsic": jnp.asarray(INTRINSIC),
        "extrinsic": jnp.asarray(EXTRINSIC),
    }


def reference(cloud, image, intrinsic, extrinsic):
    # make_front_proj: project lidar cloud into a front-view image plane and
    # scatter (depth, intensity) into an HxWx2 buffer.
    H = image.shape[0]
    W = image.shape[1]
    xyz = cloud[:, :3]
    intensity = cloud[:, 3]
    ones = jnp.ones((cloud.shape[0], 1), dtype=cloud.dtype)
    pts_h = jnp.concatenate([xyz, ones], axis=1)  # [N, 4]
    cam = pts_h @ extrinsic.T  # [N, 4] camera-frame homogeneous
    cam3 = cam[:, :3]
    z = cam3[:, 2]
    uvw = cam3 @ intrinsic.T  # [N, 3]
    z_safe = jnp.where(jnp.abs(z) > 1e-6, z, 1e-6)
    u = uvw[:, 0] / z_safe
    v = uvw[:, 1] / z_safe
    ui = jnp.floor(u).astype(jnp.int32)
    vi = jnp.floor(v).astype(jnp.int32)
    mask = (z > 0.1) & (ui >= 0) & (ui < W) & (vi >= 0) & (vi < H)
    # route invalid points to a dummy overflow row
    flat = jnp.where(mask, vi * W + ui, H * W)
    maskf = mask.astype(cloud.dtype)
    vals = jnp.stack([z * maskf, intensity * maskf], axis=-1)  # [N, 2]
    front = jnp.zeros((H * W + 1, 2), dtype=cloud.dtype).at[flat].set(vals)
    front = front[: H * W].reshape(H, W, 2)
    return front

if __name__ == "__main__":
    import jax
    _d = setup_inputs()
    print(jax.jit(kernel)(*tuple(_d.values())))

</pallas_src>

<mosaic_0001>
#map = affine_map<(d0, d1) -> (0)>
module attributes {stable_mosaic.version = 14 : i64} {
  func.func @proj(%arg0: i32, %arg1: i32, %arg2: memref<1048576xf32, #tpu.memory_space<hbm>>, %arg3: memref<1048576xf32, #tpu.memory_space<hbm>>, %arg4: memref<1048576xf32, #tpu.memory_space<hbm>>, %arg5: memref<1048576xf32, #tpu.memory_space<hbm>>, %arg6: memref<288xf32, #tpu.memory_space<hbm>>, %arg7: memref<1048576xi32, #tpu.memory_space<hbm>>, %arg8: memref<1048576xf32, #tpu.memory_space<hbm>>, %arg9: memref<1048576xf32, #tpu.memory_space<hbm>>, %arg10: memref<512xi32, #tpu.memory_space<hbm>>, %arg11: memref<288xf32, #tpu.memory_space<vmem>>, %arg12: memref<4096xf32, #tpu.memory_space<vmem>>, %arg13: memref<4096xf32, #tpu.memory_space<vmem>>, %arg14: memref<4096xf32, #tpu.memory_space<vmem>>, %arg15: memref<4096xf32, #tpu.memory_space<vmem>>, %arg16: memref<32768xi32, #tpu.memory_space<vmem>>, %arg17: memref<32768xf32, #tpu.memory_space<vmem>>, %arg18: memref<32768xf32, #tpu.memory_space<vmem>>, %arg19: memref<16xi32, #tpu.memory_space<vmem>>, %arg20: memref<!tpu.dma_semaphore, #tpu.memory_space<semaphore_mem>>, %arg21: memref<!tpu.dma_semaphore, #tpu.memory_space<semaphore_mem>>, %arg22: memref<!tpu.dma_semaphore, #tpu.memory_space<semaphore_mem>>, %arg23: memref<!tpu.dma_semaphore, #tpu.memory_space<semaphore_mem>>) attributes {dimension_semantics = [#tpu.dimension_semantics<core_parallel>, #tpu.dimension_semantics<subcore_parallel>], iteration_bounds = array<i64: 2, 16>, scalar_prefetch = 0 : i64, scratch_operands = 13 : i64, tpu.core_type = #tpu.core_type<sc_vector_subcore>, window_params = [{transform_indices = #map}, {transform_indices = #map}, {transform_indices = #map}, {transform_indices = #map}, {transform_indices = #map}, {transform_indices = #map}, {transform_indices = #map}, {transform_indices = #map}, {transform_indices = #map}]} {
    %mul3A = arith.constant 2 : i32
    %mul3A_0 = arith.muli %arg1, %mul3A : i32
    %add3A = arith.addi %mul3A_0, %arg0 : i32
    "tpu.region"() ({
      %run_scoped3A = tpu.sem_alloc : memref<!tpu.dma_semaphore, #tpu.memory_space<semaphore_mem>>
      tpu.enqueue_dma source(%arg6 : memref<288xf32, #tpu.memory_space<hbm>>) target(%arg11 : memref<288xf32, #tpu.memory_space<vmem>>) target_semaphore(%run_scoped3A : memref<!tpu.dma_semaphore, #tpu.memory_space<semaphore_mem>>)
      tpu.wait_dma2 semaphore(%run_scoped3A : memref<!tpu.dma_semaphore, #tpu.memory_space<semaphore_mem>>) src(%arg6 : memref<288xf32, #tpu.memory_space<hbm>>) dst(%arg11 : memref<288xf32, #tpu.memory_space<vmem>>)
      tpu.yield
    }) : () -> ()
    %get3A = arith.constant 0 : index
    %get3A_1 = tpu.vector_load %arg11[%get3A] {strides = array<i32>} : memref<288xf32, #tpu.memory_space<vmem>>, vector<16xf32>,
    %get3A_2 = arith.constant 16 : index
    %get3A_3 = tpu.vector_load %arg11[%get3A_2] {strides = array<i32>} : memref<288xf32, #tpu.memory_space<vmem>>, vector<16xf32>,
    %get3A_4 = arith.constant 32 : index
    %get3A_5 = tpu.vector_load %arg11[%get3A_4] {strides = array<i32>} : memref<288xf32, #tpu.memory_space<vmem>>, vector<16xf32>,
    %get3A_6 = arith.constant 48 : index
    %get3A_7 = tpu.vector_load %arg11[%get3A_6] {strides = array<i32>} : memref<288xf32, #tpu.memory_space<vmem>>, vector<16xf32>,
    %get3A_8 = arith.constant 64 : index
    %get3A_9 = tpu.vector_load %arg11[%get3A_8] {strides = array<i32>} : memref<288xf32, #tpu.memory_space<vmem>>, vector<16xf32>,
    %get3A_10 = arith.constant 80 : index
    %get3A_11 = tpu.vector_load %arg11[%get3A_10] {strides = array<i32>} : memref<288xf32, #tpu.memory_space<vmem>>, vector<16xf32>,
    %get3A_12 = arith.constant 96 : index
    %get3A_13 = tpu.vector_load %arg11[%get3A_12] {strides = array<i32>} : memref<288xf32, #tpu.memory_space<vmem>>, vector<16xf32>,
    %get3A_14 = arith.constant 112 : index
    %get3A_15 = tpu.vector_load %arg11[%get3A_14] {strides = array<i32>} : memref<288xf32, #tpu.memory_space<vmem>>, vector<16xf32>,
    %get3A_16 = arith.constant 128 : index
    %get3A_17 = tpu.vector_load %arg11[%get3A_16] {strides = array<i32>} : memref<288xf32, #tpu.memory_space<vmem>>, vector<16xf32>,
    %get3A_18 = arith.constant 144 : index
    %get3A_19 = tpu.vector_load %arg11[%get3A_18] {strides = array<i32>} : memref<288xf32, #tpu.memory_space<vmem>>, vector<16xf32>,
    %get3A_20 = arith.constant 160 : index
    %get3A_21 = tpu.vector_load %arg11[%get3A_20] {strides = array<i32>} : memref<288xf32, #tpu.memory_space<vmem>>, vector<16xf32>,
    %get3A_22 = arith.constant 176 : index
    %get3A_23 = tpu.vector_load %arg11[%get3A_22] {strides = array<i32>} : memref<288xf32, #tpu.memory_space<vmem>>, vector<16xf32>,
    %get3A_24 = arith.constant 192 : index
    %get3A_25 = tpu.vector_load %arg11[%get3A_24] {strides = array<i32>} : memref<288xf32, #tpu.memory_space<vmem>>, vector<16xf32>,
    %get3A_26 = arith.constant 208 : index
    %get3A_27 = tpu.vector_load %arg11[%get3A_26] {strides = array<i32>} : memref<288xf32, #tpu.memory_space<vmem>>, vector<16xf32>,
    %get3A_28 = arith.constant 224 : index
    %get3A_29 = tpu.vector_load %arg11[%get3A_28] {strides = array<i32>} : memref<288xf32, #tpu.memory_space<vmem>>, vector<16xf32>,
    %get3A_30 = arith.constant 240 : index
    %get3A_31 = tpu.vector_load %arg11[%get3A_30] {strides = array<i32>} : memref<288xf32, #tpu.memory_space<vmem>>, vector<16xf32>,
    %get3A_32 = arith.constant 256 : index
    %get3A_33 = tpu.vector_load %arg11[%get3A_32] {strides = array<i32>} : memref<288xf32, #tpu.memory_space<vmem>>, vector<16xf32>,
    %get3A_34 = arith.constant 272 : index
    %get3A_35 = tpu.vector_load %arg11[%get3A_34] {strides = array<i32>} : memref<288xf32, #tpu.memory_space<vmem>>, vector<16xf32>,
    %iota3A = tpu.iota {dimensions = array<i32: 0>} : vector<16xi32>
    %mul3A_36 = arith.constant 32768 : i32
    %mul3A_37 = arith.muli %add3A, %mul3A_36 : i32
    %add3A_38 = arith.constant 0 : i32
    %add3A_39 = arith.addi %mul3A_37, %add3A_38 : i32
    %dma_start3A = arith.constant 0 : i32
    %dma_start3A_40 = tpu.memref_slice %arg12[%dma_start3A] : memref<4096xf32, #tpu.memory_space<vmem>> -> memref<2048xf32, #tpu.memory_space<vmem>>
    %dma_start3A_41 = tpu.memref_slice %arg2[%add3A_39] : memref<1048576xf32, #tpu.memory_space<hbm>> -> memref<2048xf32, #tpu.memory_space<hbm>>
    %dma_start3A_42 = arith.constant 0 : i32
    %dma_start3A_43 = tpu.memref_slice %arg12[%dma_start3A_42] : memref<4096xf32, #tpu.memory_space<vmem>> -> memref<2048xf32, #tpu.memory_space<vmem>>
    %dma_start3A_44 = tpu.memref_slice %arg2[%add3A_39] : memref<1048576xf32, #tpu.memory_space<hbm>> -> memref<2048xf32, #tpu.memory_space<hbm>>
    tpu.enqueue_dma source(%dma_start3A_44 : memref<2048xf32, #tpu.memory_space<hbm>>) target(%dma_start3A_43 : memref<2048xf32, #tpu.memory_space<vmem>>) target_semaphore(%arg20 : memref<!tpu.dma_semaphore, #tpu.memory_space<semaphore_mem>>)
    %dma_start3A_45 = arith.constant 0 : i32
    %dma_start3A_46 = tpu.memref_slice %arg13[%dma_start3A_45] : memref<4096xf32, #tpu.memory_space<vmem>> -> memref<2048xf32, #tpu.memory_space<vmem>>
    %dma_start3A_47 = tpu.memref_slice %arg3[%add3A_39] : memref<1048576xf32, #tpu.memory_space<hbm>> -> memref<2048xf32, #tpu.memory_space<hbm>>
    %dma_start3A_48 = arith.constant 0 : i32
    %dma_start3A_49 = tpu.memref_slice %arg13[%dma_start3A_48] : memref<4096xf32, #tpu.memory_space<vmem>> -> memref<2048xf32, #tpu.memory_space<vmem>>
    %dma_start3A_50 = tpu.memref_slice %arg3[%add3A_39] : memref<1048576xf32, #tpu.memory_space<hbm>> -> memref<2048xf32, #tpu.memory_space<hbm>>
    tpu.enqueue_dma source(%dma_start3A_50 : memref<2048xf32, #tpu.memory_space<hbm>>) target(%dma_start3A_49 : memref<2048xf32, #tpu.memory_space<vmem>>) target_semaphore(%arg21 : memref<!tpu.dma_semaphore, #tpu.memory_space<semaphore_mem>>)
    %dma_start3A_51 = arith.constant 0 : i32
    %dma_start3A_52 = tpu.memref_slice %arg14[%dma_start3A_51] : memref<4096xf32, #tpu.memory_space<vmem>> -> memref<2048xf32, #tpu.memory_space<vmem>>
    %dma_start3A_53 = tpu.memref_slice %arg4[%add3A_39] : memref<1048576xf32, #tpu.memory_space<hbm>> -> memref<2048xf32, #tpu.memory_space<hbm>>
    %dma_start3A_54 = arith.constant 0 : i32
    %dma_start3A_55 = tpu.memref_slice %arg14[%dma_start3A_54] : memref<4096xf32, #tpu.memory_space<vmem>> -> memref<2048xf32, #tpu.memory_space<vmem>>
    %dma_start3A_56 = tpu.memref_slice %arg4[%add3A_39] : memref<1048576xf32, #tpu.memory_space<hbm>> -> memref<2048xf32, #tpu.memory_space<hbm>>
    tpu.enqueue_dma source(%dma_start3A_56 : memref<2048xf32, #tpu.memory_space<hbm>>) target(%dma_start3A_55 : memref<2048xf32, #tpu.memory_space<vmem>>) target_semaphore(%arg22 : memref<!tpu.dma_semaphore, #tpu.memory_space<semaphore_mem>>)
    %dma_start3A_57 = arith.constant 0 : i32
    %dma_start3A_58 = tpu.memref_slice %arg15[%dma_start3A_57] : memref<4096xf32, #tpu.memory_space<vmem>> -> memref<2048xf32, #tpu.memory_space<vmem>>
    %dma_start3A_59 = tpu.memref_slice %arg5[%add3A_39] : memref<1048576xf32, #tpu.memory_space<hbm>> -> memref<2048xf32, #tpu.memory_space<hbm>>
    %dma_start3A_60 = arith.constant 0 : i32
    %dma_start3A_61 = tpu.memref_slice %arg15[%dma_start3A_60] : memref<4096xf32, #tpu.memory_space<vmem>> -> memref<2048xf32, #tpu.memory_space<vmem>>
    %dma_start3A_62 = tpu.memref_slice %arg5[%add3A_39] : memref<1048576xf32, #tpu.memory_space<hbm>> -> memref<2048xf32, #tpu.memory_space<hbm>>
    tpu.enqueue_dma source(%dma_start3A_62 : memref<2048xf32, #tpu.memory_space<hbm>>) target(%dma_start3A_61 : memref<2048xf32, #tpu.memory_space<vmem>>) target_semaphore(%arg23 : memref<!tpu.dma_semaphore, #tpu.memory_space<semaphore_mem>>)
    %broadcast_in_dim3A = arith.constant 0 : i32
    %broadcast_in_dim3A_63 = vector.broadcast %broadcast_in_dim3A : i32 to vector<16xi32>
    %scan3A = arith.constant 0 : i32
    %scan3A_64 = arith.constant 16 : i32
    %scan3A_65 = arith.addi %scan3A, %scan3A_64 : i32
    %scan3A_66 = arith.constant 1 : i32
    %scan3A_67 = scf.for %scan3A_109 = %scan3A to %scan3A_65 step %scan3A_66 iter_args(%scan3A_110 = %broadcast_in_dim3A_63) -> (vector<16xi32>)  : i32 {
      %jit3A = arith.constant 2 : i32
      %eq3A = arith.constant 0 : i32
      %eq3A_111 = arith.cmpi eq, %jit3A, %eq3A : i32
      %jit3A_112 = arith.constant 1 : i32
      %select_n3A = arith.select %eq3A_111, %jit3A_112, %jit3A : i32
      %rem3A = arith.remsi %scan3A_109, %select_n3A : i32
      %ne3A = arith.constant 0 : i32
      %ne3A_113 = arith.cmpi ne, %rem3A, %ne3A : i32
      %lt3A = arith.constant 0 : i32
      %lt3A_114 = arith.cmpi slt, %rem3A, %lt3A : i32
      %lt3A_115 = arith.constant 0 : i32
      %lt3A_116 = arith.cmpi slt, %select_n3A, %lt3A_115 : i32
      %ne3A_117 = arith.xori %lt3A_114, %lt3A_116 : i1
      %and3A = arith.andi %ne3A_117, %ne3A_113 : i1
      %add3A_118 = arith.addi %rem3A, %select_n3A : i32
      %select_n3A_119 = arith.select %and3A, %add3A_118, %rem3A : i32
      %mul3A_120 = arith.constant 2048 : i32
      %mul3A_121 = arith.muli %select_n3A_119, %mul3A_120 : i32
      %add3A_122 = arith.constant 1 : i32
      %add3A_123 = arith.addi %scan3A_109, %add3A_122 : i32
      %lt3A_124 = arith.constant 16 : i32
      %lt3A_125 = arith.cmpi slt, %add3A_123, %lt3A_124 : i32
      %convert_element_type3A_126 = arith.extui %lt3A_125 : i1 to i32
      %cond3A_127 = arith.constant 0 : i32
      %cond3A_128 = arith.cmpi ne, %convert_element_type3A_126, %cond3A_127 : i32
      scf.if %cond3A_128 {
        %add3A_150 = arith.constant 1 : i32
        %add3A_151 = arith.addi %scan3A_109, %add3A_150 : i32
        %sub3A = arith.constant 2048 : i32
        %sub3A_152 = arith.subi %sub3A, %mul3A_121 : i32
        %mul3A_153 = arith.constant 2048 : i32
        %mul3A_154 = arith.muli %add3A_151, %mul3A_153 : i32
        %add3A_155 = arith.addi %mul3A_37, %mul3A_154 : i32
        %dma_start3A_156 = tpu.memref_slice %arg12[%sub3A_152] : memref<4096xf32, #tpu.memory_space<vmem>> -> memref<2048xf32, #tpu.memory_space<vmem>>
        %dma_start3A_157 = tpu.memref_slice %arg2[%add3A_155] : memref<1048576xf32, #tpu.memory_space<hbm>> -> memref<2048xf32, #tpu.memory_space<hbm>>
        %dma_start3A_158 = tpu.memref_slice %arg12[%sub3A_152] : memref<4096xf32, #tpu.memory_space<vmem>> -> memref<2048xf32, #tpu.memory_space<vmem>>
        %dma_start3A_159 = tpu.memref_slice %arg2[%add3A_155] : memref<1048576xf32, #tpu.memory_space<hbm>> -> memref<2048xf32, #tpu.memory_space<hbm>>
        tpu.enqueue_dma source(%dma_start3A_159 : memref<2048xf32, #tpu.memory_space<hbm>>) target(%dma_start3A_158 : memref<2048xf32, #tpu.memory_space<vmem>>) target_semaphore(%arg20 : memref<!tpu.dma_semaphore, #tpu.memory_space<semaphore_mem>>)
        %dma_start3A_160 = tpu.memref_slice %arg13[%sub3A_152] : memref<4096xf32, #tpu.memory_space<vmem>> -> memref<2048xf32, #tpu.memory_space<vmem>>
        %dma_start3A_161 = tpu.memref_slice %arg3[%add3A_155] : memref<1048576xf32, #tpu.memory_space<hbm>> -> memref<2048xf32, #tpu.memory_space<hbm>>
        %dma_start3A_162 = tpu.memref_slice %arg13[%sub3A_152] : memref<4096xf32, #tpu.memory_space<vmem>> -> memref<2048xf32, #tpu.memory_space<vmem>>
        %dma_start3A_163 = tpu.memref_slice %arg3[%add3A_155] : memref<1048576xf32, #tpu.memory_space<hbm>> -> memref<2048xf32, #tpu.memory_space<hbm>>
        tpu.enqueue_dma source(%dma_start3A_163 : memref<2048xf32, #tpu.memory_space<hbm>>) target(%dma_start3A_162 : memref<2048xf32, #tpu.memory_space<vmem>>) target_semaphore(%arg21 : memref<!tpu.dma_semaphore, #tpu.memory_space<semaphore_mem>>)
        %dma_start3A_164 = tpu.memref_slice %arg14[%sub3A_152] : memref<4096xf32, #tpu.memory_space<vmem>> -> memref<2048xf32, #tpu.memory_space<vmem>>
        %dma_start3A_165 = tpu.memref_slice %arg4[%add3A_155] : memref<1048576xf32, #tpu.memory_space<hbm>> -> memref<2048xf32, #tpu.memory_space<hbm>>
        %dma_start3A_166 = tpu.memref_slice %arg14[%sub3A_152] : memref<4096xf32, #tpu.memory_space<vmem>> -> memref<2048xf32, #tpu.memory_space<vmem>>
        %dma_start3A_167 = tpu.memref_slice %arg4[%add3A_155] : memref<1048576xf32, #tpu.memory_space<hbm>> -> memref<2048xf32, #tpu.memory_space<hbm>>
        tpu.enqueue_dma source(%dma_start3A_167 : memref<2048xf32, #tpu.memory_space<hbm>>) target(%dma_start3A_166 : memref<2048xf32, #tpu.memory_space<vmem>>) target_semaphore(%arg22 : memref<!tpu.dma_semaphore, #tpu.memory_space<semaphore_mem>>)
        %dma_start3A_168 = tpu.memref_slice %arg15[%sub3A_152] : memref<4096xf32, #tpu.memory_space<vmem>> -> memref<2048xf32, #tpu.memory_space<vmem>>
        %dma_start3A_169 = tpu.memref_slice %arg5[%add3A_155] : memref<1048576xf32, #tpu.memory_space<hbm>> -> memref<2048xf32, #tpu.memory_space<hbm>>
        %dma_start3A_170 = tpu.memref_slice %arg15[%sub3A_152] : memref<4096xf32, #tpu.memory_space<vmem>> -> memref<2048xf32, #tpu.memory_space<vmem>>
        %dma_start3A_171 = tpu.memref_slice %arg5[%add3A_155] : memref<1048576xf32, #tpu.memory_space<hbm>> -> memref<2048xf32, #tpu.memory_space<hbm>>
        tpu.enqueue_dma source(%dma_start3A_171 : memref<2048xf32, #tpu.memory_space<hbm>>) target(%dma_start3A_170 : memref<2048xf32, #tpu.memory_space<vmem>>) target_semaphore(%arg23 : memref<!tpu.dma_semaphore, #tpu.memory_space<semaphore_mem>>)
      } else {
      }
      %mul3A_129 = arith.constant 2048 : i32
      %mul3A_130 = arith.muli %scan3A_109, %mul3A_129 : i32
      %add3A_131 = arith.addi %mul3A_37, %mul3A_130 : i32
      %dma_wait3A = tpu.memref_slice %arg12[%mul3A_121] : memref<4096xf32, #tpu.memory_space<vmem>> -> memref<2048xf32, #tpu.memory_space<vmem>>
      %dma_wait3A_132 = tpu.memref_slice %arg2[%add3A_131] : memref<1048576xf32, #tpu.memory_space<hbm>> -> memref<2048xf32, #tpu.memory_space<hbm>>
      %dma_wait3A_133 = tpu.memref_slice %arg12[%mul3A_121] : memref<4096xf32, #tpu.memory_space<vmem>> -> memref<2048xf32, #tpu.memory_space<vmem>>
      %dma_wait3A_134 = tpu.memref_slice %arg2[%add3A_131] : memref<1048576xf32, #tpu.memory_space<hbm>> -> memref<2048xf32, #tpu.memory_space<hbm>>
      tpu.wait_dma2 semaphore(%arg20 : memref<!tpu.dma_semaphore, #tpu.memory_space<semaphore_mem>>) src(%dma_wait3A_134 : memref<2048xf32, #tpu.memory_space<hbm>>) dst(%dma_wait3A_133 : memref<2048xf32, #tpu.memory_space<vmem>>)
      %dma_wait3A_135 = tpu.memref_slice %arg13[%mul3A_121] : memref<4096xf32, #tpu.memory_space<vmem>> -> memref<2048xf32, #tpu.memory_space<vmem>>
      %dma_wait3A_136 = tpu.memref_slice %arg3[%add3A_131] : memref<1048576xf32, #tpu.memory_space<hbm>> -> memref<2048xf32, #tpu.memory_space<hbm>>
      %dma_wait3A_137 = tpu.memref_slice %arg13[%mul3A_121] : memref<4096xf32, #tpu.memory_space<vmem>> -> memref<2048xf32, #tpu.memory_space<vmem>>
      %dma_wait3A_138 = tpu.memref_slice %arg3[%add3A_131] : memref<1048576xf32, #tpu.memory_space<hbm>> -> memref<2048xf32, #tpu.memory_space<hbm>>
      tpu.wait_dma2 semaphore(%arg21 : memref<!tpu.dma_semaphore, #tpu.memory_space<semaphore_mem>>) src(%dma_wait3A_138 : memref<2048xf32, #tpu.memory_space<hbm>>) dst(%dma_wait3A_137 : memref<2048xf32, #tpu.memory_space<vmem>>)
      %dma_wait3A_139 = tpu.memref_slice %arg14[%mul3A_121] : memref<4096xf32, #tpu.memory_space<vmem>> -> memref<2048xf32, #tpu.memory_space<vmem>>
      %dma_wait3A_140 = tpu.memref_slice %arg4[%add3A_131] : memref<1048576xf32, #tpu.memory_space<hbm>> -> memref<2048xf32, #tpu.memory_space<hbm>>
      %dma_wait3A_141 = tpu.memref_slice %arg14[%mul3A_121] : memref<4096xf32, #tpu.memory_space<vmem>> -> memref<2048xf32, #tpu.memory_space<vmem>>
      %dma_wait3A_142 = tpu.memref_slice %arg4[%add3A_131] : memref<1048576xf32, #tpu.memory_space<hbm>> -> memref<2048xf32, #tpu.memory_space<hbm>>
      tpu.wait_dma2 semaphore(%arg22 : memref<!tpu.dma_semaphore, #tpu.memory_space<semaphore_mem>>) src(%dma_wait3A_142 : memref<2048xf32, #tpu.memory_space<hbm>>) dst(%dma_wait3A_141 : memref<2048xf32, #tpu.memory_space<vmem>>)
      %dma_wait3A_143 = tpu.memref_slice %arg15[%mul3A_121] : memref<4096xf32, #tpu.memory_space<vmem>> -> memref<2048xf32, #tpu.memory_space<vmem>>
      %dma_wait3A_144 = tpu.memref_slice %arg5[%add3A_131] : memref<1048576xf32, #tpu.memory_space<hbm>> -> memref<2048xf32, #tpu.memory_space<hbm>>
      %dma_wait3A_145 = tpu.memref_slice %arg15[%mul3A_121] : memref<4096xf32, #tpu.memory_space<vmem>> -> memref<2048xf32, #tpu.memory_space<vmem>>
      %dma_wait3A_146 = tpu.memref_slice %arg5[%add3A_131] : memref<1048576xf32, #tpu.memory_space<hbm>> -> memref<2048xf32, #tpu.memory_space<hbm>>
      tpu.wait_dma2 semaphore(%arg23 : memref<!tpu.dma_semaphore, #tpu.memory_space<semaphore_mem>>) src(%dma_wait3A_146 : memref<2048xf32, #tpu.memory_space<hbm>>) dst(%dma_wait3A_145 : memref<2048xf32, #tpu.memory_space<vmem>>)
      %parallel_loop3A = arith.constant 0 : i32
      %parallel_loop3A_147 = arith.constant 128 : i32
      %parallel_loop3A_148 = arith.constant 1 : i32
      %parallel_loop3A_149 = scf.for %parallel_loop3A_150 = %parallel_loop3A to %parallel_loop3A_147 step %parallel_loop3A_148 iter_args(%parallel_loop3A_151 = %scan3A_110) -> (vector<16xi32>)  : i32 {
        %parallel_loop3A_152 = arith.constant 16 : i32
        %parallel_loop3A_153 = arith.muli %parallel_loop3A_150, %parallel_loop3A_152 : i32
        %parallel_loop3A_154 = arith.addi %mul3A_121, %parallel_loop3A_153 : i32
        %parallel_loop3A_155 = arith.constant 16 : i32
        %parallel_loop3A_156 = arith.muli %parallel_loop3A_150, %parallel_loop3A_155 : i32
        %parallel_loop3A_157 = arith.addi %add3A_131, %parallel_loop3A_156 : i32
        %parallel_loop3A_158 = arith.index_cast %parallel_loop3A_154 : i32 to index
        %parallel_loop3A_159 = tpu.vector_load %arg12[%parallel_loop3A_158] {strides = array<i32>} : memref<4096xf32, #tpu.memory_space<vmem>>, vector<16xf32>,
        %parallel_loop3A_160 = arith.index_cast %parallel_loop3A_154 : i32 to index
        %parallel_loop3A_161 = tpu.vector_load %arg13[%parallel_loop3A_160] {strides = array<i32>} : memref<4096xf32, #tpu.memory_space<vmem>>, vector<16xf32>,
        %parallel_loop3A_162 = arith.index_cast %parallel_loop3A_154 : i32 to index
        %parallel_loop3A_163 = tpu.vector_load %arg14[%parallel_loop3A_162] {strides = array<i32>} : memref<4096xf32, #tpu.memory_space<vmem>>, vector<16xf32>,
        %parallel_loop3A_164 = arith.index_cast %parallel_loop3A_154 : i32 to index
        %parallel_loop3A_165 = tpu.vector_load %arg15[%parallel_loop3A_164] {strides = array<i32>} : memref<4096xf32, #tpu.memory_space<vmem>>, vector<16xf32>,
        %parallel_loop3A_166 = arith.mulf %parallel_loop3A_159, %get3A_1 : vector<16xf32>
        %parallel_loop3A_167 = arith.mulf %parallel_loop3A_161, %get3A_3 : vector<16xf32>
        %parallel_loop3A_168 = arith.addf %parallel_loop3A_166, %parallel_loop3A_167 : vector<16xf32>
        %parallel_loop3A_169 = arith.mulf %parallel_loop3A_163, %get3A_5 : vector<16xf32>
        %parallel_loop3A_170 = arith.addf %parallel_loop3A_168, %parallel_loop3A_169 : vector<16xf32>
        %parallel_loop3A_171 = arith.addf %parallel_loop3A_170, %get3A_7 : vector<16xf32>
        %parallel_loop3A_172 = arith.mulf %parallel_loop3A_159, %get3A_9 : vector<16xf32>
        %parallel_loop3A_173 = arith.mulf %parallel_loop3A_161, %get3A_11 : vector<16xf32>
        %parallel_loop3A_174 = arith.addf %parallel_loop3A_172, %parallel_loop3A_173 : vector<16xf32>
        %parallel_loop3A_175 = arith.mulf %parallel_loop3A_163, %get3A_13 : vector<16xf32>
        %parallel_loop3A_176 = arith.addf %parallel_loop3A_174, %parallel_loop3A_175 : vector<16xf32>
        %parallel_loop3A_177 = arith.addf %parallel_loop3A_176, %get3A_15 : vector<16xf32>
        %parallel_loop3A_178 = arith.mulf %parallel_loop3A_159, %get3A_17 : vector<16xf32>
        %parallel_loop3A_179 = arith.mulf %parallel_loop3A_161, %get3A_19 : vector<16xf32>
        %parallel_loop3A_180 = arith.addf %parallel_loop3A_178, %parallel_loop3A_179 : vector<16xf32>
        %parallel_loop3A_181 = arith.mulf %parallel_loop3A_163, %get3A_21 : vector<16xf32>
        %parallel_loop3A_182 = arith.addf %parallel_loop3A_180, %parallel_loop3A_181 : vector<16xf32>
        %parallel_loop3A_183 = arith.addf %parallel_loop3A_182, %get3A_23 : vector<16xf32>
        %parallel_loop3A_184 = vector.bitcast %parallel_loop3A_171 : vector<16xf32> to vector<16xi32>
        %parallel_loop3A_185 = arith.constant 32767 : i32
        %parallel_loop3A_186 = vector.broadcast %parallel_loop3A_185 : i32 to vector<16xi32>
        %parallel_loop3A_187 = arith.addi %parallel_loop3A_184, %parallel_loop3A_186 : vector<16xi32>
        %parallel_loop3A_188 = arith.constant 16 : i32
        %parallel_loop3A_189 = vector.broadcast %parallel_loop3A_188 : i32 to vector<16xi32>
        %parallel_loop3A_190 = arith.shrui %parallel_loop3A_184, %parallel_loop3A_189 : vector<16xi32>
        %parallel_loop3A_191 = arith.constant 1 : i32
        %parallel_loop3A_192 = vector.broadcast %parallel_loop3A_191 : i32 to vector<16xi32>
        %parallel_loop3A_193 = arith.andi %parallel_loop3A_190, %parallel_loop3A_192 : vector<16xi32>
        %parallel_loop3A_194 = arith.addi %parallel_loop3A_187, %parallel_loop3A_193 : vector<16xi32>
        %parallel_loop3A_195 = arith.constant -65536 : i32
        %parallel_loop3A_196 = vector.broadcast %parallel_loop3A_195 : i32 to vector<16xi32>
        %parallel_loop3A_197 = arith.andi %parallel_loop3A_194, %parallel_loop3A_196 : vector<16xi32>
        %parallel_loop3A_198 = vector.bitcast %parallel_loop3A_197 : vector<16xi32> to vector<16xf32>
        %parallel_loop3A_199 = vector.bitcast %parallel_loop3A_177 : vector<16xf32> to vector<16xi32>
        %parallel_loop3A_200 = arith.constant 32767 : i32
        %parallel_loop3A_201 = vector.broadcast %parallel_loop3A_200 : i32 to vector<16xi32>
        %parallel_loop3A_202 = arith.addi %parallel_loop3A_199, %parallel_loop3A_201 : vector<16xi32>
        %parallel_loop3A_203 = arith.constant 16 : i32
        %parallel_loop3A_204 = vector.broadcast %parallel_loop3A_203 : i32 to vector<16xi32>
        %parallel_loop3A_205 = arith.shrui %parallel_loop3A_199, %parallel_loop3A_204 : vector<16xi32>
        %parallel_loop3A_206 = arith.constant 1 : i32
        %parallel_loop3A_207 = vector.broadcast %parallel_loop3A_206 : i32 to vector<16xi32>
        %parallel_loop3A_208 = arith.andi %parallel_loop3A_205, %parallel_loop3A_207 : vector<16xi32>
        %parallel_loop3A_209 = arith.addi %parallel_loop3A_202, %parallel_loop3A_208 : vector<16xi32>
        %parallel_loop3A_210 = arith.constant -65536 : i32
        %parallel_loop3A_211 = vector.broadcast %parallel_loop3A_210 : i32 to vector<16xi32>
        %parallel_loop3A_212 = arith.andi %parallel_loop3A_209, %parallel_loop3A_211 : vector<16xi32>
        %parallel_loop3A_213 = vector.bitcast %parallel_loop3A_212 : vector<16xi32> to vector<16xf32>
        %parallel_loop3A_214 = vector.bitcast %parallel_loop3A_183 : vector<16xf32> to vector<16xi32>
        %parallel_loop3A_215 = arith.constant 32767 : i32
        %parallel_loop3A_216 = vector.broadcast %parallel_loop3A_215 : i32 to vector<16xi32>
        %parallel_loop3A_217 = arith.addi %parallel_loop3A_214, %parallel_loop3A_216 : vector<16xi32>
        %parallel_loop3A_218 = arith.constant 16 : i32
        %parallel_loop3A_219 = vector.broadcast %parallel_loop3A_218 : i32 to vector<16xi32>
        %parallel_loop3A_220 = arith.shrui %parallel_loop3A_214, %parallel_loop3A_219 : vector<16xi32>
        %parallel_loop3A_221 = arith.constant 1 : i32
        %parallel_loop3A_222 = vector.broadcast %parallel_loop3A_221 : i32 to vector<16xi32>
        %parallel_loop3A_223 = arith.andi %parallel_loop3A_220, %parallel_loop3A_222 : vector<16xi32>
        %parallel_loop3A_224 = arith.addi %parallel_loop3A_217, %parallel_loop3A_223 : vector<16xi32>
        %parallel_loop3A_225 = arith.constant -65536 : i32
        %parallel_loop3A_226 = vector.broadcast %parallel_loop3A_225 : i32 to vector<16xi32>
        %parallel_loop3A_227 = arith.andi %parallel_loop3A_224, %parallel_loop3A_226 : vector<16xi32>
        %parallel_loop3A_228 = vector.bitcast %parallel_loop3A_227 : vector<16xi32> to vector<16xf32>
        %parallel_loop3A_229 = arith.mulf %parallel_loop3A_198, %get3A_25 : vector<16xf32>
        %parallel_loop3A_230 = arith.mulf %parallel_loop3A_213, %get3A_27 : vector<16xf32>
        %parallel_loop3A_231 = arith.addf %parallel_loop3A_229, %parallel_loop3A_230 : vector<16xf32>
        %parallel_loop3A_232 = arith.mulf %parallel_loop3A_228, %get3A_29 : vector<16xf32>
        %parallel_loop3A_233 = arith.addf %parallel_loop3A_231, %parallel_loop3A_232 : vector<16xf32>
        %parallel_loop3A_234 = arith.mulf %parallel_loop3A_198, %get3A_31 : vector<16xf32>
        %parallel_loop3A_235 = arith.mulf %parallel_loop3A_213, %get3A_33 : vector<16xf32>
        %parallel_loop3A_236 = arith.addf %parallel_loop3A_234, %parallel_loop3A_235 : vector<16xf32>
        %parallel_loop3A_237 = arith.mulf %parallel_loop3A_228, %get3A_35 : vector<16xf32>
        %parallel_loop3A_238 = arith.addf %parallel_loop3A_236, %parallel_loop3A_237 : vector<16xf32>
        %parallel_loop3A_239 = math.absf %parallel_loop3A_183 : vector<16xf32>
        %parallel_loop3A_240 = arith.constant 9.99999997E-7 : f32
        %parallel_loop3A_241 = vector.broadcast %parallel_loop3A_240 : f32 to vector<16xf32>
        %parallel_loop3A_242 = arith.cmpf ogt, %parallel_loop3A_239, %parallel_loop3A_241 : vector<16xf32>
        %parallel_loop3A_243 = arith.constant 9.99999997E-7 : f32
        %parallel_loop3A_244 = vector.broadcast %parallel_loop3A_243 : f32 to vector<16xf32>
        %parallel_loop3A_245 = arith.select %parallel_loop3A_242, %parallel_loop3A_183, %parallel_loop3A_244 : vector<16xi1>, vector<16xf32>
        %parallel_loop3A_246 = arith.divf %parallel_loop3A_233, %parallel_loop3A_245 : vector<16xf32>
        %parallel_loop3A_247 = arith.divf %parallel_loop3A_238, %parallel_loop3A_245 : vector<16xf32>
        %parallel_loop3A_248 = arith.constant 1.000000e-01 : f32
        %parallel_loop3A_249 = vector.broadcast %parallel_loop3A_248 : f32 to vector<16xf32>
        %parallel_loop3A_250 = arith.cmpf ogt, %parallel_loop3A_183, %parallel_loop3A_249 : vector<16xf32>
        %parallel_loop3A_251 = arith.constant 0.000000e+00 : f32
        %parallel_loop3A_252 = vector.broadcast %parallel_loop3A_251 : f32 to vector<16xf32>
        %parallel_loop3A_253 = arith.cmpf oge, %parallel_loop3A_246, %parallel_loop3A_252 : vector<16xf32>
        %parallel_loop3A_254 = arith.andi %parallel_loop3A_250, %parallel_loop3A_253 : vector<16xi1>
        %parallel_loop3A_255 = arith.constant 1.024000e+03 : f32
        %parallel_loop3A_256 = vector.broadcast %parallel_loop3A_255 : f32 to vector<16xf32>
        %parallel_loop3A_257 = arith.cmpf olt, %parallel_loop3A_246, %parallel_loop3A_256 : vector<16xf32>
        %parallel_loop3A_258 = arith.andi %parallel_loop3A_254, %parallel_loop3A_257 : vector<16xi1>
        %parallel_loop3A_259 = arith.constant 0.000000e+00 : f32
        %parallel_loop3A_260 = vector.broadcast %parallel_loop3A_259 : f32 to vector<16xf32>
        %parallel_loop3A_261 = arith.cmpf oge, %parallel_loop3A_247, %parallel_loop3A_260 : vector<16xf32>
        %parallel_loop3A_262 = arith.andi %parallel_loop3A_258, %parallel_loop3A_261 : vector<16xi1>
        %parallel_loop3A_263 = arith.constant 5.120000e+02 : f32
        %parallel_loop3A_264 = vector.broadcast %parallel_loop3A_263 : f32 to vector<16xf32>
        %parallel_loop3A_265 = arith.cmpf olt, %parallel_loop3A_247, %parallel_loop3A_264 : vector<16xf32>
        %parallel_loop3A_266 = arith.andi %parallel_loop3A_262, %parallel_loop3A_265 : vector<16xi1>
        %parallel_loop3A_267 = vector.broadcast %parallel_loop3A_157 : i32 to vector<16xi32>
        %parallel_loop3A_268 = arith.addi %parallel_loop3A_267, %iota3A : vector<16xi32>
        %parallel_loop3A_269 = arith.constant 1000000 : i32
        %parallel_loop3A_270 = vector.broadcast %parallel_loop3A_269 : i32 to vector<16xi32>
        %parallel_loop3A_271 = arith.cmpi slt, %parallel_loop3A_268, %parallel_loop3A_270 : vector<16xi32>
        %parallel_loop3A_272 = arith.andi %parallel_loop3A_266, %parallel_loop3A_271 : vector<16xi1>
        %parallel_loop3A_273 = arith.constant 0.000000e+00 : f32
        %parallel_loop3A_274 = arith.constant 1.023000e+03 : f32
        %parallel_loop3A_275 = vector.broadcast %parallel_loop3A_273 : f32 to vector<16xf32>
        %parallel_loop3A_276 = arith.maximumf %parallel_loop3A_275, %parallel_loop3A_246 : vector<16xf32>
        %parallel_loop3A_277 = vector.broadcast %parallel_loop3A_274 : f32 to vector<16xf32>
        %parallel_loop3A_278 = arith.minimumf %parallel_loop3A_277, %parallel_loop3A_276 : vector<16xf32>
        %parallel_loop3A_279 = arith.fptosi %parallel_loop3A_278 : vector<16xf32> to vector<16xi32>
        %parallel_loop3A_280 = arith.constant 0.000000e+00 : f32
        %parallel_loop3A_281 = arith.constant 5.110000e+02 : f32
        %parallel_loop3A_282 = vector.broadcast %parallel_loop3A_280 : f32 to vector<16xf32>
        %parallel_loop3A_283 = arith.maximumf %parallel_loop3A_282, %parallel_loop3A_247 : vector<16xf32>
        %parallel_loop3A_284 = vector.broadcast %parallel_loop3A_281 : f32 to vector<16xf32>
        %parallel_loop3A_285 = arith.minimumf %parallel_loop3A_284, %parallel_loop3A_283 : vector<16xf32>
        %parallel_loop3A_286 = arith.fptosi %parallel_loop3A_285 : vector<16xf32> to vector<16xi32>
        %parallel_loop3A_287 = arith.constant 1024 : i32
        %parallel_loop3A_288 = vector.broadcast %parallel_loop3A_287 : i32 to vector<16xi32>
        %parallel_loop3A_289 = arith.muli %parallel_loop3A_286, %parallel_loop3A_288 : vector<16xi32>
        %parallel_loop3A_290 = arith.addi %parallel_loop3A_289, %parallel_loop3A_279 : vector<16xi32>
        %parallel_loop3A_291 = arith.extui %parallel_loop3A_272 : vector<16xi1> to vector<16xi32>
        %parallel_loop3A_292 = arith.constant true
        %parallel_loop3A_293 = vector.broadcast %parallel_loop3A_292 : i1 to vector<16xi1>
        %parallel_loop3A_294 = tpu.scan <sum>, %parallel_loop3A_291 masked %parallel_loop3A_293 : vector<16xi32>, vector<16xi1> -> vector<16xi32>
        %parallel_loop3A_295 = arith.subi %parallel_loop3A_294, %parallel_loop3A_291 : vector<16xi32>
        %parallel_loop3A_296 = arith.addi %parallel_loop3A_151, %parallel_loop3A_295 : vector<16xi32>
        tpu.vector_store_idx %arg16[%parallel_loop3A_296], %parallel_loop3A_290 masked %parallel_loop3A_272 : memref<32768xi32, #tpu.memory_space<vmem>>[vector<16xi32>], vector<16xi32>, vector<16xi1>
        tpu.vector_store_idx %arg17[%parallel_loop3A_296], %parallel_loop3A_183 masked %parallel_loop3A_272 : memref<32768xf32, #tpu.memory_space<vmem>>[vector<16xi32>], vector<16xf32>, vector<16xi1>
        tpu.vector_store_idx %arg18[%parallel_loop3A_296], %parallel_loop3A_165 masked %parallel_loop3A_272 : memref<32768xf32, #tpu.memory_space<vmem>>[vector<16xi32>], vector<16xf32>, vector<16xi1>
        %parallel_loop3A_297 = tpu.all_reduce %parallel_loop3A_272 {dim = 0 : i64, kind = #tpu.reduction_kind<sum>} : vector<16xi1> -> vector<16xi32>
        %parallel_loop3A_298 = arith.addi %parallel_loop3A_151, %parallel_loop3A_297 : vector<16xi32>
        scf.yield %parallel_loop3A_298 : vector<16xi32>
      } {sc.loop_unroll_factor = 1 : i64, sc.parallel_access}
      scf.yield %parallel_loop3A_149 : vector<16xi32>
    }
    %scan3A_68 = arith.constant 16 : i32
    %swap3A = arith.constant 0 : index
    %swap3A_69 = tpu.vector_load %arg19[%swap3A] {strides = array<i32>} : memref<16xi32, #tpu.memory_space<vmem>>, vector<16xi32>,
    tpu.vector_store %arg19[%swap3A], %scan3A_67 {strides = array<i32>} : memref<16xi32, #tpu.memory_space<vmem>>, vector<16xi32>,
    %mul3A_70 = arith.constant 16 : i32
    %mul3A_71 = arith.muli %add3A, %mul3A_70 : i32
    "tpu.region"() ({
      %run_scoped3A = tpu.sem_alloc : memref<!tpu.dma_semaphore, #tpu.memory_space<semaphore_mem>>
      %dma_start3A_109 = tpu.memref_slice %arg10[%mul3A_71] : memref<512xi32, #tpu.memory_space<hbm>> -> memref<16xi32, #tpu.memory_space<hbm>>
      %dma_start3A_110 = tpu.memref_slice %arg10[%mul3A_71] : memref<512xi32, #tpu.memory_space<hbm>> -> memref<16xi32, #tpu.memory_space<hbm>>
      tpu.enqueue_dma source(%arg19 : memref<16xi32, #tpu.memory_space<vmem>>) target(%dma_start3A_110 : memref<16xi32, #tpu.memory_space<hbm>>) target_semaphore(%run_scoped3A : memref<!tpu.dma_semaphore, #tpu.memory_space<semaphore_mem>>)
      %dma_wait3A = tpu.memref_slice %arg10[%mul3A_71] : memref<512xi32, #tpu.memory_space<hbm>> -> memref<16xi32, #tpu.memory_space<hbm>>
      %dma_wait3A_111 = tpu.memref_slice %arg10[%mul3A_71] : memref<512xi32, #tpu.memory_space<hbm>> -> memref<16xi32, #tpu.memory_space<hbm>>
      tpu.wait_dma2 semaphore(%run_scoped3A : memref<!tpu.dma_semaphore, #tpu.memory_space<semaphore_mem>>) src(%arg19 : memref<16xi32, #tpu.memory_space<vmem>>) dst(%dma_wait3A_111 : memref<16xi32, #tpu.memory_space<hbm>>)
      tpu.yield
    }) : () -> ()
    %slice3A = vector.extract_strided_slice %scan3A_67 {offsets = [0], sizes = [1], strides = [1]} : vector<16xi32> to vector<1xi32>
    %squeeze3A = vector.extract %slice3A[0] : i32 from vector<1xi32>
    %gt3A = arith.constant 0 : i32
    %gt3A_72 = arith.cmpi sgt, %squeeze3A, %gt3A : i32
    %convert_element_type3A = arith.extui %gt3A_72 : i1 to i32
    %cond3A = arith.constant 0 : i32
    %cond3A_73 = arith.cmpi ne, %convert_element_type3A, %cond3A : i32
    scf.if %cond3A_73 {
      %add3A_109 = arith.constant 0 : i32
      %add3A_110 = arith.addi %mul3A_37, %add3A_109 : i32
      "tpu.region"() ({
        %run_scoped3A = tpu.sem_alloc : memref<!tpu.dma_semaphore, #tpu.memory_space<semaphore_mem>>
        %dma_start3A_115 = arith.constant 0 : i32
        %dma_start3A_116 = tpu.memref_slice %arg16[%dma_start3A_115] : memref<32768xi32, #tpu.memory_space<vmem>> -> memref<4096xi32, #tpu.memory_space<vmem>>
        %dma_start3A_117 = tpu.memref_slice %arg7[%add3A_110] : memref<1048576xi32, #tpu.memory_space<hbm>> -> memref<4096xi32, #tpu.memory_space<hbm>>
        %dma_start3A_118 = tpu.memref_slice %arg7[%add3A_110] : memref<1048576xi32, #tpu.memory_space<hbm>> -> memref<4096xi32, #tpu.memory_space<hbm>>
        %dma_start3A_119 = arith.constant 0 : i32
        %dma_start3A_120 = tpu.memref_slice %arg16[%dma_start3A_119] : memref<32768xi32, #tpu.memory_space<vmem>> -> memref<4096xi32, #tpu.memory_space<vmem>>
        tpu.enqueue_dma source(%dma_start3A_120 : memref<4096xi32, #tpu.memory_space<vmem>>) target(%dma_start3A_118 : memref<4096xi32, #tpu.memory_space<hbm>>) target_semaphore(%run_scoped3A : memref<!tpu.dma_semaphore, #tpu.memory_space<semaphore_mem>>)
        %dma_wait3A = arith.constant 0 : i32
        %dma_wait3A_121 = tpu.memref_slice %arg16[%dma_wait3A] : memref<32768xi32, #tpu.memory_space<vmem>> -> memref<4096xi32, #tpu.memory_space<vmem>>
        %dma_wait3A_122 = tpu.memref_slice %arg7[%add3A_110] : memref<1048576xi32, #tpu.memory_space<hbm>> -> memref<4096xi32, #tpu.memory_space<hbm>>
        %dma_wait3A_123 = tpu.memref_slice %arg7[%add3A_110] : memref<1048576xi32, #tpu.memory_space<hbm>> -> memref<4096xi32, #tpu.memory_space<hbm>>
        %dma_wait3A_124 = arith.constant 0 : i32
        %dma_wait3A_125 = tpu.memref_slice %arg16[%dma_wait3A_124] : memref<32768xi32, #tpu.memory_space<vmem>> -> memref<4096xi32, #tpu.memory_space<vmem>>
        tpu.wait_dma2 semaphore(%run_scoped3A : memref<!tpu.dma_semaphore, #tpu.memory_space<semaphore_mem>>) src(%dma_wait3A_125 : memref<4096xi32, #tpu.memory_space<vmem>>) dst(%dma_wait3A_123 : memref<4096xi32, #tpu.memory_space<hbm>>)
        tpu.yield
      }) : () -> ()
      %add3A_111 = arith.constant 0 : i32
      %add3A_112 = arith.addi %mul3A_37, %add3A_111 : i32
      "tpu.region"() ({
        %run_scoped3A = tpu.sem_alloc : memref<!tpu.dma_semaphore, #tpu.memory_space<semaphore_mem>>
        %dma_start3A_115 = arith.constant 0 : i32
        %dma_start3A_116 = tpu.memref_slice %arg17[%dma_start3A_115] : memref<32768xf32, #tpu.memory_space<vmem>> -> memref<4096xf32, #tpu.memory_space<vmem>>
        %dma_start3A_117 = tpu.memref_slice %arg8[%add3A_112] : memref<1048576xf32, #tpu.memory_space<hbm>> -> memref<4096xf32, #tpu.memory_space<hbm>>
        %dma_start3A_118 = tpu.memref_slice %arg8[%add3A_112] : memref<1048576xf32, #tpu.memory_space<hbm>> -> memref<4096xf32, #tpu.memory_space<hbm>>
        %dma_start3A_119 = arith.constant 0 : i32
        %dma_start3A_120 = tpu.memref_slice %arg17[%dma_start3A_119] : memref<32768xf32, #tpu.memory_space<vmem>> -> memref<4096xf32, #tpu.memory_space<vmem>>
        tpu.enqueue_dma source(%dma_start3A_120 : memref<4096xf32, #tpu.memory_space<vmem>>) target(%dma_start3A_118 : memref<4096xf32, #tpu.memory_space<hbm>>) target_semaphore(%run_scoped3A : memref<!tpu.dma_semaphore, #tpu.memory_space<semaphore_mem>>)
        %dma_wait3A = arith.constant 0 : i32
        %dma_wait3A_121 = tpu.memref_slice %arg17[%dma_wait3A] : memref<32768xf32, #tpu.memory_space<vmem>> -> memref<4096xf32, #tpu.memory_space<vmem>>
        %dma_wait3A_122 = tpu.memref_slice %arg8[%add3A_112] : memref<1048576xf32, #tpu.memory_space<hbm>> -> memref<4096xf32, #tpu.memory_space<hbm>>
        %dma_wait3A_123 = tpu.memref_slice %arg8[%add3A_112] : memref<1048576xf32, #tpu.memory_space<hbm>> -> memref<4096xf32, #tpu.memory_space<hbm>>
        %dma_wait3A_124 = arith.constant 0 : i32
        %dma_wait3A_125 = tpu.memref_slice %arg17[%dma_wait3A_124] : memref<32768xf32, #tpu.memory_space<vmem>> -> memref<4096xf32, #tpu.memory_space<vmem>>
        tpu.wait_dma2 semaphore(%run_scoped3A : memref<!tpu.dma_semaphore, #tpu.memory_space<semaphore_mem>>) src(%dma_wait3A_125 : memref<4096xf32, #tpu.memory_space<vmem>>) dst(%dma_wait3A_123 : memref<4096xf32, #tpu.memory_space<hbm>>)
        tpu.yield
      }) : () -> ()
      %add3A_113 = arith.constant 0 : i32
      %add3A_114 = arith.addi %mul3A_37, %add3A_113 : i32
      "tpu.region"() ({
        %run_scoped3A = tpu.sem_alloc : memref<!tpu.dma_semaphore, #tpu.memory_space<semaphore_mem>>
        %dma_start3A_115 = arith.constant 0 : i32
        %dma_start3A_116 = tpu.memref_slice %arg18[%dma_start3A_115] : memref<32768xf32, #tpu.memory_space<vmem>> -> memref<4096xf32, #tpu.memory_space<vmem>>
        %dma_start3A_117 = tpu.memref_slice %arg9[%add3A_114] : memref<1048576xf32, #tpu.memory_space<hbm>> -> memref<4096xf32, #tpu.memory_space<hbm>>
        %dma_start3A_118 = tpu.memref_slice %arg9[%add3A_114] : memref<1048576xf32, #tpu.memory_space<hbm>> -> memref<4096xf32, #tpu.memory_space<hbm>>
        %dma_start3A_119 = arith.constant 0 : i32
        %dma_start3A_120 = tpu.memref_slice %arg18[%dma_start3A_119] : memref<32768xf32, #tpu.memory_space<vmem>> -> memref<4096xf32, #tpu.memory_space<vmem>>
        tpu.enqueue_dma source(%dma_start3A_120 : memref<4096xf32, #tpu.memory_space<vmem>>) target(%dma_start3A_118 : memref<4096xf32, #tpu.memory_space<hbm>>) target_semaphore(%run_scoped3A : memref<!tpu.dma_semaphore, #tpu.memory_space<semaphore_mem>>)
        %dma_wait3A = arith.constant 0 : i32
        %dma_wait3A_121 = tpu.memref_slice %arg18[%dma_wait3A] : memref<32768xf32, #tpu.memory_space<vmem>> -> memref<4096xf32, #tpu.memory_space<vmem>>
        %dma_wait3A_122 = tpu.memref_slice %arg9[%add3A_114] : memref<1048576xf32, #tpu.memory_space<hbm>> -> memref<4096xf32, #tpu.memory_space<hbm>>
        %dma_wait3A_123 = tpu.memref_slice %arg9[%add3A_114] : memref<1048576xf32, #tpu.memory_space<hbm>> -> memref<4096xf32, #tpu.memory_space<hbm>>
        %dma_wait3A_124 = arith.constant 0 : i32
        %dma_wait3A_125 = tpu.memref_slice %arg18[%dma_wait3A_124] : memref<32768xf32, #tpu.memory_space<vmem>> -> memref<4096xf32, #tpu.memory_space<vmem>>
        tpu.wait_dma2 semaphore(%run_scoped3A : memref<!tpu.dma_semaphore, #tpu.memory_space<semaphore_mem>>) src(%dma_wait3A_125 : memref<4096xf32, #tpu.memory_space<vmem>>) dst(%dma_wait3A_123 : memref<4096xf32, #tpu.memory_space<hbm>>)
        tpu.yield
      }) : () -> ()
    } else {
    }
    %gt3A_74 = arith.constant 4096 : i32
    %gt3A_75 = arith.cmpi sgt, %squeeze3A, %gt3A_74 : i32
    %convert_element_type3A_76 = arith.extui %gt3A_75 : i1 to i32
    %cond3A_77 = arith.constant 0 : i32
    %cond3A_78 = arith.cmpi ne, %convert_element_type3A_76, %cond3A_77 : i32
    scf.if %cond3A_78 {
      %add3A_109 = arith.constant 4096 : i32
      %add3A_110 = arith.addi %mul3A_37, %add3A_109 : i32
      "tpu.region"() ({
        %run_scoped3A = tpu.sem_alloc : memref<!tpu.dma_semaphore, #tpu.memory_space<semaphore_mem>>
        %dma_start3A_115 = arith.constant 4096 : i32
        %dma_start3A_116 = tpu.memref_slice %arg16[%dma_start3A_115] : memref<32768xi32, #tpu.memory_space<vmem>> -> memref<4096xi32, #tpu.memory_space<vmem>>
        %dma_start3A_117 = tpu.memref_slice %arg7[%add3A_110] : memref<1048576xi32, #tpu.memory_space<hbm>> -> memref<4096xi32, #tpu.memory_space<hbm>>
        %dma_start3A_118 = tpu.memref_slice %arg7[%add3A_110] : memref<1048576xi32, #tpu.memory_space<hbm>> -> memref<4096xi32, #tpu.memory_space<hbm>>
        %dma_start3A_119 = arith.constant 4096 : i32
        %dma_start3A_120 = tpu.memref_slice %arg16[%dma_start3A_119] : memref<32768xi32, #tpu.memory_space<vmem>> -> memref<4096xi32, #tpu.memory_space<vmem>>
        tpu.enqueue_dma source(%dma_start3A_120 : memref<4096xi32, #tpu.memory_space<vmem>>) target(%dma_start3A_118 : memref<4096xi32, #tpu.memory_space<hbm>>) target_semaphore(%run_scoped3A : memref<!tpu.dma_semaphore, #tpu.memory_space<semaphore_mem>>)
        %dma_wait3A = arith.constant 4096 : i32
        %dma_wait3A_121 = tpu.memref_slice %arg16[%dma_wait3A] : memref<32768xi32, #tpu.memory_space<vmem>> -> memref<4096xi32, #tpu.memory_space<vmem>>
        %dma_wait3A_122 = tpu.memref_slice %arg7[%add3A_110] : memref<1048576xi32, #tpu.memory_space<hbm>> -> memref<4096xi32, #tpu.memory_space<hbm>>
        %dma_wait3A_123 = tpu.memref_slice %arg7[%add3A_110] : memref<1048576xi32, #tpu.memory_space<hbm>> -> memref<4096xi32, #tpu.memory_space<hbm>>
        %dma_wait3A_124 = arith.constant 4096 : i32
        %dma_wait3A_125 = tpu.memref_slice %arg16[%dma_wait3A_124] : memref<32768xi32, #tpu.memory_space<vmem>> -> memref<4096xi32, #tpu.memory_space<vmem>>
        tpu.wait_dma2 semaphore(%run_scoped3A : memref<!tpu.dma_semaphore, #tpu.memory_space<semaphore_mem>>) src(%dma_wait3A_125 : memref<4096xi32, #tpu.memory_space<vmem>>) dst(%dma_wait3A_123 : memref<4096xi32, #tpu.memory_space<hbm>>)
        tpu.yield
      }) : () -> ()
      %add3A_111 = arith.constant 4096 : i32
      %add3A_112 = arith.addi %mul3A_37, %add3A_111 : i32
      "tpu.region"() ({
        %run_scoped3A = tpu.sem_alloc : memref<!tpu.dma_semaphore, #tpu.memory_space<semaphore_mem>>
        %dma_start3A_115 = arith.constant 4096 : i32
        %dma_start3A_116 = tpu.memref_slice %arg17[%dma_start3A_115] : memref<32768xf32, #tpu.memory_space<vmem>> -> memref<4096xf32, #tpu.memory_space<vmem>>
        %dma_start3A_117 = tpu.memref_slice %arg8[%add3A_112] : memref<1048576xf32, #tpu.memory_space<hbm>> -> memref<4096xf32, #tpu.memory_space<hbm>>
        %dma_start3A_118 = tpu.memref_slice %arg8[%add3A_112] : memref<1048576xf32, #tpu.memory_space<hbm>> -> memref<4096xf32, #tpu.memory_space<hbm>>
        %dma_start3A_119 = arith.constant 4096 : i32
        %dma_start3A_120 = tpu.memref_slice %arg17[%dma_start3A_119] : memref<32768xf32, #tpu.memory_space<vmem>> -> memref<4096xf32, #tpu.memory_space<vmem>>
        tpu.enqueue_dma source(%dma_start3A_120 : memref<4096xf32, #tpu.memory_space<vmem>>) target(%dma_start3A_118 : memref<4096xf32, #tpu.memory_space<hbm>>) target_semaphore(%run_scoped3A : memref<!tpu.dma_semaphore, #tpu.memory_space<semaphore_mem>>)
        %dma_wait3A = arith.constant 4096 : i32
        %dma_wait3A_121 = tpu.memref_slice %arg17[%dma_wait3A] : memref<32768xf32, #tpu.memory_space<vmem>> -> memref<4096xf32, #tpu.memory_space<vmem>>
        %dma_wait3A_122 = tpu.memref_slice %arg8[%add3A_112] : memref<1048576xf32, #tpu.memory_space<hbm>> -> memref<4096xf32, #tpu.memory_space<hbm>>
        %dma_wait3A_123 = tpu.memref_slice %arg8[%add3A_112] : memref<1048576xf32, #tpu.memory_space<hbm>> -> memref<4096xf32, #tpu.memory_space<hbm>>
        %dma_wait3A_124 = arith.constant 4096 : i32
        %dma_wait3A_125 = tpu.memref_slice %arg17[%dma_wait3A_124] : memref<32768xf32, #tpu.memory_space<vmem>> -> memref<4096xf32, #tpu.memory_space<vmem>>
        tpu.wait_dma2 semaphore(%run_scoped3A : memref<!tpu.dma_semaphore, #tpu.memory_space<semaphore_mem>>) src(%dma_wait3A_125 : memref<4096xf32, #tpu.memory_space<vmem>>) dst(%dma_wait3A_123 : memref<4096xf32, #tpu.memory_space<hbm>>)
        tpu.yield
      }) : () -> ()
      %add3A_113 = arith.constant 4096 : i32
      %add3A_114 = arith.addi %mul3A_37, %add3A_113 : i32
      "tpu.region"() ({
        %run_scoped3A = tpu.sem_alloc : memref<!tpu.dma_semaphore, #tpu.memory_space<semaphore_mem>>
        %dma_start3A_115 = arith.constant 4096 : i32
        %dma_start3A_116 = tpu.memref_slice %arg18[%dma_start3A_115] : memref<32768xf32, #tpu.memory_space<vmem>> -> memref<4096xf32, #tpu.memory_space<vmem>>
        %dma_start3A_117 = tpu.memref_slice %arg9[%add3A_114] : memref<1048576xf32, #tpu.memory_space<hbm>> -> memref<4096xf32, #tpu.memory_space<hbm>>
        %dma_start3A_118 = tpu.memref_slice %arg9[%add3A_114] : memref<1048576xf32, #tpu.memory_space<hbm>> -> memref<4096xf32, #tpu.memory_space<hbm>>
        %dma_start3A_119 = arith.constant 4096 : i32
        %dma_start3A_120 = tpu.memref_slice %arg18[%dma_start3A_119] : memref<32768xf32, #tpu.memory_space<vmem>> -> memref<4096xf32, #tpu.memory_space<vmem>>
        tpu.enqueue_dma source(%dma_start3A_120 : memref<4096xf32, #tpu.memory_space<vmem>>) target(%dma_start3A_118 : memref<4096xf32, #tpu.memory_space<hbm>>) target_semaphore(%run_scoped3A : memref<!tpu.dma_semaphore, #tpu.memory_space<semaphore_mem>>)
        %dma_wait3A = arith.constant 4096 : i32
        %dma_wait3A_121 = tpu.memref_slice %arg18[%dma_wait3A] : memref<32768xf32, #tpu.memory_space<vmem>> -> memref<4096xf32, #tpu.memory_space<vmem>>
        %dma_wait3A_122 = tpu.memref_slice %arg9[%add3A_114] : memref<1048576xf32, #tpu.memory_space<hbm>> -> memref<4096xf32, #tpu.memory_space<hbm>>
        %dma_wait3A_123 = tpu.memref_slice %arg9[%add3A_114] : memref<1048576xf32, #tpu.memory_space<hbm>> -> memref<4096xf32, #tpu.memory_space<hbm>>
        %dma_wait3A_124 = arith.constant 4096 : i32
        %dma_wait3A_125 = tpu.memref_slice %arg18[%dma_wait3A_124] : memref<32768xf32, #tpu.memory_space<vmem>> -> memref<4096xf32, #tpu.memory_space<vmem>>
        tpu.wait_dma2 semaphore(%run_scoped3A : memref<!tpu.dma_semaphore, #tpu.memory_space<semaphore_mem>>) src(%dma_wait3A_125 : memref<4096xf32, #tpu.memory_space<vmem>>) dst(%dma_wait3A_123 : memref<4096xf32, #tpu.memory_space<hbm>>)
        tpu.yield
      }) : () -> ()
    } else {
    }
    %gt3A_79 = arith.constant 8192 : i32
    %gt3A_80 = arith.cmpi sgt, %squeeze3A, %gt3A_79 : i32
    %convert_element_type3A_81 = arith.extui %gt3A_80 : i1 to i32
    %cond3A_82 = arith.constant 0 : i32
    %cond3A_83 = arith.cmpi ne, %convert_element_type3A_81, %cond3A_82 : i32
    scf.if %cond3A_83 {
      %add3A_109 = arith.constant 8192 : i32
      %add3A_110 = arith.addi %mul3A_37, %add3A_109 : i32
      "tpu.region"() ({
        %run_scoped3A = tpu.sem_alloc : memref<!tpu.dma_semaphore, #tpu.memory_space<semaphore_mem>>
        %dma_start3A_115 = arith.constant 8192 : i32
        %dma_start3A_116 = tpu.memref_slice %arg16[%dma_start3A_115] : memref<32768xi32, #tpu.memory_space<vmem>> -> memref<4096xi32, #tpu.memory_space<vmem>>
        %dma_start3A_117 = tpu.memref_slice %arg7[%add3A_110] : memref<1048576xi32, #tpu.memory_space<hbm>> -> memref<4096xi32, #tpu.memory_space<hbm>>
        %dma_start3A_118 = tpu.memref_slice %arg7[%add3A_110] : memref<1048576xi32, #tpu.memory_space<hbm>> -> memref<4096xi32, #tpu.memory_space<hbm>>
        %dma_start3A_119 = arith.constant 8192 : i32
        %dma_start3A_120 = tpu.memref_slice %arg16[%dma_start3A_119] : memref<32768xi32, #tpu.memory_space<vmem>> -> memref<4096xi32, #tpu.memory_space<vmem>>
        tpu.enqueue_dma source(%dma_start3A_120 : memref<4096xi32, #tpu.memory_space<vmem>>) target(%dma_start3A_118 : memref<4096xi32, #tpu.memory_space<hbm>>) target_semaphore(%run_scoped3A : memref<!tpu.dma_semaphore, #tpu.memory_space<semaphore_mem>>)
        %dma_wait3A = arith.constant 8192 : i32
        %dma_wait3A_121 = tpu.memref_slice %arg16[%dma_wait3A] : memref<32768xi32, #tpu.memory_space<vmem>> -> memref<4096xi32, #tpu.memory_space<vmem>>
        %dma_wait3A_122 = tpu.memref_slice %arg7[%add3A_110] : memref<1048576xi32, #tpu.memory_space<hbm>> -> memref<4096xi32, #tpu.memory_space<hbm>>
        %dma_wait3A_123 = tpu.memref_slice %arg7[%add3A_110] : memref<1048576xi32, #tpu.memory_space<hbm>> -> memref<4096xi32, #tpu.memory_space<hbm>>
        %dma_wait3A_124 = arith.constant 8192 : i32
        %dma_wait3A_125 = tpu.memref_slice %arg16[%dma_wait3A_124] : memref<32768xi32, #tpu.memory_space<vmem>> -> memref<4096xi32, #tpu.memory_space<vmem>>
        tpu.wait_dma2 semaphore(%run_scoped3A : memref<!tpu.dma_semaphore, #tpu.memory_space<semaphore_mem>>) src(%dma_wait3A_125 : memref<4096xi32, #tpu.memory_space<vmem>>) dst(%dma_wait3A_123 : memref<4096xi32, #tpu.memory_space<hbm>>)
        tpu.yield
      }) : () -> ()
      %add3A_111 = arith.constant 8192 : i32
      %add3A_112 = arith.addi %mul3A_37, %add3A_111 : i32
      "tpu.region"() ({
        %run_scoped3A = tpu.sem_alloc : memref<!tpu.dma_semaphore, #tpu.memory_space<semaphore_mem>>
        %dma_start3A_115 = arith.constant 8192 : i32
        %dma_start3A_116 = tpu.memref_slice %arg17[%dma_start3A_115] : memref<32768xf32, #tpu.memory_space<vmem>> -> memref<4096xf32, #tpu.memory_space<vmem>>
        %dma_start3A_117 = tpu.memref_slice %arg8[%add3A_112] : memref<1048576xf32, #tpu.memory_space<hbm>> -> memref<4096xf32, #tpu.memory_space<hbm>>
        %dma_start3A_118 = tpu.memref_slice %arg8[%add3A_112] : memref<1048576xf32, #tpu.memory_space<hbm>> -> memref<4096xf32, #tpu.memory_space<hbm>>
        %dma_start3A_119 = arith.constant 8192 : i32
        %dma_start3A_120 = tpu.memref_slice %arg17[%dma_start3A_119] : memref<32768xf32, #tpu.memory_space<vmem>> -> memref<4096xf32, #tpu.memory_space<vmem>>
        tpu.enqueue_dma source(%dma_start3A_120 : memref<4096xf32, #tpu.memory_space<vmem>>) target(%dma_start3A_118 : memref<4096xf32, #tpu.memory_space<hbm>>) target_semaphore(%run_scoped3A : memref<!tpu.dma_semaphore, #tpu.memory_space<semaphore_mem>>)
        %dma_wait3A = arith.constant 8192 : i32
        %dma_wait3A_121 = tpu.memref_slice %arg17[%dma_wait3A] : memref<32768xf32, #tpu.memory_space<vmem>> -> memref<4096xf32, #tpu.memory_space<vmem>>
        %dma_wait3A_122 = tpu.memref_slice %arg8[%add3A_112] : memref<1048576xf32, #tpu.memory_space<hbm>> -> memref<4096xf32, #tpu.memory_space<hbm>>
        %dma_wait3A_123 = tpu.memref_slice %arg8[%add3A_112] : memref<1048576xf32, #tpu.memory_space<hbm>> -> memref<4096xf32, #tpu.memory_space<hbm>>
        %dma_wait3A_124 = arith.constant 8192 : i32
        %dma_wait3A_125 = tpu.memref_slice %arg17[%dma_wait3A_124] : memref<32768xf32, #tpu.memory_space<vmem>> -> memref<4096xf32, #tpu.memory_space<vmem>>
        tpu.wait_dma2 semaphore(%run_scoped3A : memref<!tpu.dma_semaphore, #tpu.memory_space<semaphore_mem>>) src(%dma_wait3A_125 : memref<4096xf32, #tpu.memory_space<vmem>>) dst(%dma_wait3A_123 : memref<4096xf32, #tpu.memory_space<hbm>>)
        tpu.yield
      }) : () -> ()
      %add3A_113 = arith.constant 8192 : i32
      %add3A_114 = arith.addi %mul3A_37, %add3A_113 : i32
      "tpu.region"() ({
        %run_scoped3A = tpu.sem_alloc : memref<!tpu.dma_semaphore, #tpu.memory_space<semaphore_mem>>
        %dma_start3A_115 = arith.constant 8192 : i32
        %dma_start3A_116 = tpu.memref_slice %arg18[%dma_start3A_115] : memref<32768xf32, #tpu.memory_space<vmem>> -> memref<4096xf32, #tpu.memory_space<vmem>>
        %dma_start3A_117 = tpu.memref_slice %arg9[%add3A_114] : memref<1048576xf32, #tpu.memory_space<hbm>> -> memref<4096xf32, #tpu.memory_space<hbm>>
        %dma_start3A_118 = tpu.memref_slice %arg9[%add3A_114] : memref<1048576xf32, #tpu.memory_space<hbm>> -> memref<4096xf32, #tpu.memory_space<hbm>>
        %dma_start3A_119 = arith.constant 8192 : i32
        %dma_start3A_120 = tpu.memref_slice %arg18[%dma_start3A_119] : memref<32768xf32, #tpu.memory_space<vmem>> -> memref<4096xf32, #tpu.memory_space<vmem>>
        tpu.enqueue_dma source(%dma_start3A_120 : memref<4096xf32, #tpu.memory_space<vmem>>) target(%dma_start3A_118 : memref<4096xf32, #tpu.memory_space<hbm>>) target_semaphore(%run_scoped3A : memref<!tpu.dma_semaphore, #tpu.memory_space<semaphore_mem>>)
        %dma_wait3A = arith.constant 8192 : i32
        %dma_wait3A_121 = tpu.memref_slice %arg18[%dma_wait3A] : memref<32768xf32, #tpu.memory_space<vmem>> -> memref<4096xf32, #tpu.memory_space<vmem>>
        %dma_wait3A_122 = tpu.memref_slice %arg9[%add3A_114] : memref<1048576xf32, #tpu.memory_space<hbm>> -> memref<4096xf32, #tpu.memory_space<hbm>>
        %dma_wait3A_123 = tpu.memref_slice %arg9[%add3A_114] : memref<1048576xf32, #tpu.memory_space<hbm>> -> memref<4096xf32, #tpu.memory_space<hbm>>
        %dma_wait3A_124 = arith.constant 8192 : i32
        %dma_wait3A_125 = tpu.memref_slice %arg18[%dma_wait3A_124] : memref<32768xf32, #tpu.memory_space<vmem>> -> memref<4096xf32, #tpu.memory_space<vmem>>
        tpu.wait_dma2 semaphore(%run_scoped3A : memref<!tpu.dma_semaphore, #tpu.memory_space<semaphore_mem>>) src(%dma_wait3A_125 : memref<4096xf32, #tpu.memory_space<vmem>>) dst(%dma_wait3A_123 : memref<4096xf32, #tpu.memory_space<hbm>>)
        tpu.yield
      }) : () -> ()
    } else {
    }
    %gt3A_84 = arith.constant 12288 : i32
    %gt3A_85 = arith.cmpi sgt, %squeeze3A, %gt3A_84 : i32
    %convert_element_type3A_86 = arith.extui %gt3A_85 : i1 to i32
    %cond3A_87 = arith.constant 0 : i32
    %cond3A_88 = arith.cmpi ne, %convert_element_type3A_86, %cond3A_87 : i32
    scf.if %cond3A_88 {
      %add3A_109 = arith.constant 12288 : i32
      %add3A_110 = arith.addi %mul3A_37, %add3A_109 : i32
      "tpu.region"() ({
        %run_scoped3A = tpu.sem_alloc : memref<!tpu.dma_semaphore, #tpu.memory_space<semaphore_mem>>
        %dma_start3A_115 = arith.constant 12288 : i32
        %dma_start3A_116 = tpu.memref_slice %arg16[%dma_start3A_115] : memref<32768xi32, #tpu.memory_space<vmem>> -> memref<4096xi32, #tpu.memory_space<vmem>>
        %dma_start3A_117 = tpu.memref_slice %arg7[%add3A_110] : memref<1048576xi32, #tpu.memory_space<hbm>> -> memref<4096xi32, #tpu.memory_space<hbm>>
        %dma_start3A_118 = tpu.memref_slice %arg7[%add3A_110] : memref<1048576xi32, #tpu.memory_space<hbm>> -> memref<4096xi32, #tpu.memory_space<hbm>>
        %dma_start3A_119 = arith.constant 12288 : i32
        %dma_start3A_120 = tpu.memref_slice %arg16[%dma_start3A_119] : memref<32768xi32, #tpu.memory_space<vmem>> -> memref<4096xi32, #tpu.memory_space<vmem>>
        tpu.enqueue_dma source(%dma_start3A_120 : memref<4096xi32, #tpu.memory_space<vmem>>) target(%dma_start3A_118 : memref<4096xi32, #tpu.memory_space<hbm>>) target_semaphore(%run_scoped3A : memref<!tpu.dma_semaphore, #tpu.memory_space<semaphore_mem>>)
        %dma_wait3A = arith.constant 12288 : i32
        %dma_wait3A_121 = tpu.memref_slice %arg16[%dma_wait3A] : memref<32768xi32, #tpu.memory_space<vmem>> -> memref<4096xi32, #tpu.memory_space<vmem>>
        %dma_wait3A_122 = tpu.memref_slice %arg7[%add3A_110] : memref<1048576xi32, #tpu.memory_space<hbm>> -> memref<4096xi32, #tpu.memory_space<hbm>>
        %dma_wait3A_123 = tpu.memref_slice %arg7[%add3A_110] : memref<1048576xi32, #tpu.memory_space<hbm>> -> memref<4096xi32, #tpu.memory_space<hbm>>
        %dma_wait3A_124 = arith.constant 12288 : i32
        %dma_wait3A_125 = tpu.memref_slice %arg16[%dma_wait3A_124] : memref<32768xi32, #tpu.memory_space<vmem>> -> memref<4096xi32, #tpu.memory_space<vmem>>
        tpu.wait_dma2 semaphore(%run_scoped3A : memref<!tpu.dma_semaphore, #tpu.memory_space<semaphore_mem>>) src(%dma_wait3A_125 : memref<4096xi32, #tpu.memory_space<vmem>>) dst(%dma_wait3A_123 : memref<4096xi32, #tpu.memory_space<hbm>>)
        tpu.yield
      }) : () -> ()
      %add3A_111 = arith.constant 12288 : i32
      %add3A_112 = arith.addi %mul3A_37, %add3A_111 : i32
      "tpu.region"() ({
        %run_scoped3A = tpu.sem_alloc : memref<!tpu.dma_semaphore, #tpu.memory_space<semaphore_mem>>
        %dma_start3A_115 = arith.constant 12288 : i32
        %dma_start3A_116 = tpu.memref_slice %arg17[%dma_start3A_115] : memref<32768xf32, #tpu.memory_space<vmem>> -> memref<4096xf32, #tpu.memory_space<vmem>>
        %dma_start3A_117 = tpu.memref_slice %arg8[%add3A_112] : memref<1048576xf32, #tpu.memory_space<hbm>> -> memref<4096xf32, #tpu.memory_space<hbm>>
        %dma_start3A_118 = tpu.memref_slice %arg8[%add3A_112] : memref<1048576xf32, #tpu.memory_space<hbm>> -> memref<4096xf32, #tpu.memory_space<hbm>>
        %dma_start3A_119 = arith.constant 12288 : i32
        %dma_start3A_120 = tpu.memref_slice %arg17[%dma_start3A_119] : memref<32768xf32, #tpu.memory_space<vmem>> -> memref<4096xf32, #tpu.memory_space<vmem>>
        tpu.enqueue_dma source(%dma_start3A_120 : memref<4096xf32, #tpu.memory_space<vmem>>) target(%dma_start3A_118 : memref<4096xf32, #tpu.memory_space<hbm>>) target_semaphore(%run_scoped3A : memref<!tpu.dma_semaphore, #tpu.memory_space<semaphore_mem>>)
        %dma_wait3A = arith.constant 12288 : i32
        %dma_wait3A_121 = tpu.memref_slice %arg17[%dma_wait3A] : memref<32768xf32, #tpu.memory_space<vmem>> -> memref<4096xf32, #tpu.memory_space<vmem>>
        %dma_wait3A_122 = tpu.memref_slice %arg8[%add3A_112] : memref<1048576xf32, #tpu.memory_space<hbm>> -> memref<4096xf32, #tpu.memory_space<hbm>>
        %dma_wait3A_123 = tpu.memref_slice %arg8[%add3A_112] : memref<1048576xf32, #tpu.memory_space<hbm>> -> memref<4096xf32, #tpu.memory_space<hbm>>
        %dma_wait3A_124 = arith.constant 12288 : i32
        %dma_wait3A_125 = tpu.memref_slice %arg17[%dma_wait3A_124] : memref<32768xf32, #tpu.memory_space<vmem>> -> memref<4096xf32, #tpu.memory_space<vmem>>
        tpu.wait_dma2 semaphore(%run_scoped3A : memref<!tpu.dma_semaphore, #tpu.memory_space<semaphore_mem>>) src(%dma_wait3A_125 : memref<4096xf32, #tpu.memory_space<vmem>>) dst(%dma_wait3A_123 : memref<4096xf32, #tpu.memory_space<hbm>>)
        tpu.yield
      }) : () -> ()
      %add3A_113 = arith.constant 12288 : i32
      %add3A_114 = arith.addi %mul3A_37, %add3A_113 : i32
      "tpu.region"() ({
        %run_scoped3A = tpu.sem_alloc : memref<!tpu.dma_semaphore, #tpu.memory_space<semaphore_mem>>
        %dma_start3A_115 = arith.constant 12288 : i32
        %dma_start3A_116 = tpu.memref_slice %arg18[%dma_start3A_115] : memref<32768xf32, #tpu.memory_space<vmem>> -> memref<4096xf32, #tpu.memory_space<vmem>>
        %dma_start3A_117 = tpu.memref_slice %arg9[%add3A_114] : memref<1048576xf32, #tpu.memory_space<hbm>> -> memref<4096xf32, #tpu.memory_space<hbm>>
        %dma_start3A_118 = tpu.memref_slice %arg9[%add3A_114] : memref<1048576xf32, #tpu.memory_space<hbm>> -> memref<4096xf32, #tpu.memory_space<hbm>>
        %dma_start3A_119 = arith.constant 12288 : i32
        %dma_start3A_120 = tpu.memref_slice %arg18[%dma_start3A_119] : memref<32768xf32, #tpu.memory_space<vmem>> -> memref<4096xf32, #tpu.memory_space<vmem>>
        tpu.enqueue_dma source(%dma_start3A_120 : memref<4096xf32, #tpu.memory_space<vmem>>) target(%dma_start3A_118 : memref<4096xf32, #tpu.memory_space<hbm>>) target_semaphore(%run_scoped3A : memref<!tpu.dma_semaphore, #tpu.memory_space<semaphore_mem>>)
        %dma_wait3A = arith.constant 12288 : i32
        %dma_wait3A_121 = tpu.memref_slice %arg18[%dma_wait3A] : memref<32768xf32, #tpu.memory_space<vmem>> -> memref<4096xf32, #tpu.memory_space<vmem>>
        %dma_wait3A_122 = tpu.memref_slice %arg9[%add3A_114] : memref<1048576xf32, #tpu.memory_space<hbm>> -> memref<4096xf32, #tpu.memory_space<hbm>>
        %dma_wait3A_123 = tpu.memref_slice %arg9[%add3A_114] : memref<1048576xf32, #tpu.memory_space<hbm>> -> memref<4096xf32, #tpu.memory_space<hbm>>
        %dma_wait3A_124 = arith.constant 12288 : i32
        %dma_wait3A_125 = tpu.memref_slice %arg18[%dma_wait3A_124] : memref<32768xf32, #tpu.memory_space<vmem>> -> memref<4096xf32, #tpu.memory_space<vmem>>
        tpu.wait_dma2 semaphore(%run_scoped3A : memref<!tpu.dma_semaphore, #tpu.memory_space<semaphore_mem>>) src(%dma_wait3A_125 : memref<4096xf32, #tpu.memory_space<vmem>>) dst(%dma_wait3A_123 : memref<4096xf32, #tpu.memory_space<hbm>>)
        tpu.yield
      }) : () -> ()
    } else {
    }
    %gt3A_89 = arith.constant 16384 : i32
    %gt3A_90 = arith.cmpi sgt, %squeeze3A, %gt3A_89 : i32
    %convert_element_type3A_91 = arith.extui %gt3A_90 : i1 to i32
    %cond3A_92 = arith.constant 0 : i32
    %cond3A_93 = arith.cmpi ne, %convert_element_type3A_91, %cond3A_92 : i32
    scf.if %cond3A_93 {
      %add3A_109 = arith.constant 16384 : i32
      %add3A_110 = arith.addi %mul3A_37, %add3A_109 : i32
      "tpu.region"() ({
        %run_scoped3A = tpu.sem_alloc : memref<!tpu.dma_semaphore, #tpu.memory_space<semaphore_mem>>
        %dma_start3A_115 = arith.constant 16384 : i32
        %dma_start3A_116 = tpu.memref_slice %arg16[%dma_start3A_115] : memref<32768xi32, #tpu.memory_space<vmem>> -> memref<4096xi32, #tpu.memory_space<vmem>>
        %dma_start3A_117 = tpu.memref_slice %arg7[%add3A_110] : memref<1048576xi32, #tpu.memory_space<hbm>> -> memref<4096xi32, #tpu.memory_space<hbm>>
        %dma_start3A_118 = tpu.memref_slice %arg7[%add3A_110] : memref<1048576xi32, #tpu.memory_space<hbm>> -> memref<4096xi32, #tpu.memory_space<hbm>>
        %dma_start3A_119 = arith.constant 16384 : i32
        %dma_start3A_120 = tpu.memref_slice %arg16[%dma_start3A_119] : memref<32768xi32, #tpu.memory_space<vmem>> -> memref<4096xi32, #tpu.memory_space<vmem>>
        tpu.enqueue_dma source(%dma_start3A_120 : memref<4096xi32, #tpu.memory_space<vmem>>) target(%dma_start3A_118 : memref<4096xi32, #tpu.memory_space<hbm>>) target_semaphore(%run_scoped3A : memref<!tpu.dma_semaphore, #tpu.memory_space<semaphore_mem>>)
        %dma_wait3A = arith.constant 16384 : i32
        %dma_wait3A_121 = tpu.memref_slice %arg16[%dma_wait3A] : memref<32768xi32, #tpu.memory_space<vmem>> -> memref<4096xi32, #tpu.memory_space<vmem>>
        %dma_wait3A_122 = tpu.memref_slice %arg7[%add3A_110] : memref<1048576xi32, #tpu.memory_space<hbm>> -> memref<4096xi32, #tpu.memory_space<hbm>>
        %dma_wait3A_123 = tpu.memref_slice %arg7[%add3A_110] : memref<1048576xi32, #tpu.memory_space<hbm>> -> memref<4096xi32, #tpu.memory_space<hbm>>
        %dma_wait3A_124 = arith.constant 16384 : i32
        %dma_wait3A_125 = tpu.memref_slice %arg16[%dma_wait3A_124] : memref<32768xi32, #tpu.memory_space<vmem>> -> memref<4096xi32, #tpu.memory_space<vmem>>
        tpu.wait_dma2 semaphore(%run_scoped3A : memref<!tpu.dma_semaphore, #tpu.memory_space<semaphore_mem>>) src(%dma_wait3A_125 : memref<4096xi32, #tpu.memory_space<vmem>>) dst(%dma_wait3A_123 : memref<4096xi32, #tpu.memory_space<hbm>>)
        tpu.yield
      }) : () -> ()
      %add3A_111 = arith.constant 16384 : i32
      %add3A_112 = arith.addi %mul3A_37, %add3A_111 : i32
      "tpu.region"() ({
        %run_scoped3A = tpu.sem_alloc : memref<!tpu.dma_semaphore, #tpu.memory_space<semaphore_mem>>
        %dma_start3A_115 = arith.constant 16384 : i32
        %dma_start3A_116 = tpu.memref_slice %arg17[%dma_start3A_115] : memref<32768xf32, #tpu.memory_space<vmem>> -> memref<4096xf32, #tpu.memory_space<vmem>>
        %dma_start3A_117 = tpu.memref_slice %arg8[%add3A_112] : memref<1048576xf32, #tpu.memory_space<hbm>> -> memref<4096xf32, #tpu.memory_space<hbm>>
        %dma_start3A_118 = tpu.memref_slice %arg8[%add3A_112] : memref<1048576xf32, #tpu.memory_space<hbm>> -> memref<4096xf32, #tpu.memory_space<hbm>>
        %dma_start3A_119 = arith.constant 16384 : i32
        %dma_start3A_120 = tpu.memref_slice %arg17[%dma_start3A_119] : memref<32768xf32, #tpu.memory_space<vmem>> -> memref<4096xf32, #tpu.memory_space<vmem>>
        tpu.enqueue_dma source(%dma_start3A_120 : memref<4096xf32, #tpu.memory_space<vmem>>) target(%dma_start3A_118 : memref<4096xf32, #tpu.memory_space<hbm>>) target_semaphore(%run_scoped3A : memref<!tpu.dma_semaphore, #tpu.memory_space<semaphore_mem>>)
        %dma_wait3A = arith.constant 16384 : i32
        %dma_wait3A_121 = tpu.memref_slice %arg17[%dma_wait3A] : memref<32768xf32, #tpu.memory_space<vmem>> -> memref<4096xf32, #tpu.memory_space<vmem>>
        %dma_wait3A_122 = tpu.memref_slice %arg8[%add3A_112] : memref<1048576xf32, #tpu.memory_space<hbm>> -> memref<4096xf32, #tpu.memory_space<hbm>>
        %dma_wait3A_123 = tpu.memref_slice %arg8[%add3A_112] : memref<1048576xf32, #tpu.memory_space<hbm>> -> memref<4096xf32, #tpu.memory_space<hbm>>
        %dma_wait3A_124 = arith.constant 16384 : i32
        %dma_wait3A_125 = tpu.memref_slice %arg17[%dma_wait3A_124] : memref<32768xf32, #tpu.memory_space<vmem>> -> memref<4096xf32, #tpu.memory_space<vmem>>
        tpu.wait_dma2 semaphore(%run_scoped3A : memref<!tpu.dma_semaphore, #tpu.memory_space<semaphore_mem>>) src(%dma_wait3A_125 : memref<4096xf32, #tpu.memory_space<vmem>>) dst(%dma_wait3A_123 : memref<4096xf32, #tpu.memory_space<hbm>>)
        tpu.yield
      }) : () -> ()
      %add3A_113 = arith.constant 16384 : i32
      %add3A_114 = arith.addi %mul3A_37, %add3A_113 : i32
      "tpu.region"() ({
        %run_scoped3A = tpu.sem_alloc : memref<!tpu.dma_semaphore, #tpu.memory_space<semaphore_mem>>
        %dma_start3A_115 = arith.constant 16384 : i32
        %dma_start3A_116 = tpu.memref_slice %arg18[%dma_start3A_115] : memref<32768xf32, #tpu.memory_space<vmem>> -> memref<4096xf32, #tpu.memory_space<vmem>>
        %dma_start3A_117 = tpu.memref_slice %arg9[%add3A_114] : memref<1048576xf32, #tpu.memory_space<hbm>> -> memref<4096xf32, #tpu.memory_space<hbm>>
        %dma_start3A_118 = tpu.memref_slice %arg9[%add3A_114] : memref<1048576xf32, #tpu.memory_space<hbm>> -> memref<4096xf32, #tpu.memory_space<hbm>>
        %dma_start3A_119 = arith.constant 16384 : i32
        %dma_start3A_120 = tpu.memref_slice %arg18[%dma_start3A_119] : memref<32768xf32, #tpu.memory_space<vmem>> -> memref<4096xf32, #tpu.memory_space<vmem>>
        tpu.enqueue_dma source(%dma_start3A_120 : memref<4096xf32, #tpu.memory_space<vmem>>) target(%dma_start3A_118 : memref<4096xf32, #tpu.memory_space<hbm>>) target_semaphore(%run_scoped3A : memref<!tpu.dma_semaphore, #tpu.memory_space<semaphore_mem>>)
        %dma_wait3A = arith.constant 16384 : i32
        %dma_wait3A_121 = tpu.memref_slice %arg18[%dma_wait3A] : memref<32768xf32, #tpu.memory_space<vmem>> -> memref<4096xf32, #tpu.memory_space<vmem>>
        %dma_wait3A_122 = tpu.memref_slice %arg9[%add3A_114] : memref<1048576xf32, #tpu.memory_space<hbm>> -> memref<4096xf32, #tpu.memory_space<hbm>>
        %dma_wait3A_123 = tpu.memref_slice %arg9[%add3A_114] : memref<1048576xf32, #tpu.memory_space<hbm>> -> memref<4096xf32, #tpu.memory_space<hbm>>
        %dma_wait3A_124 = arith.constant 16384 : i32
        %dma_wait3A_125 = tpu.memref_slice %arg18[%dma_wait3A_124] : memref<32768xf32, #tpu.memory_space<vmem>> -> memref<4096xf32, #tpu.memory_space<vmem>>
        tpu.wait_dma2 semaphore(%run_scoped3A : memref<!tpu.dma_semaphore, #tpu.memory_space<semaphore_mem>>) src(%dma_wait3A_125 : memref<4096xf32, #tpu.memory_space<vmem>>) dst(%dma_wait3A_123 : memref<4096xf32, #tpu.memory_space<hbm>>)
        tpu.yield
      }) : () -> ()
    } else {
    }
    %gt3A_94 = arith.constant 20480 : i32
    %gt3A_95 = arith.cmpi sgt, %squeeze3A, %gt3A_94 : i32
    %convert_element_type3A_96 = arith.extui %gt3A_95 : i1 to i32
    %cond3A_97 = arith.constant 0 : i32
    %cond3A_98 = arith.cmpi ne, %convert_element_type3A_96, %cond3A_97 : i32
    scf.if %cond3A_98 {
      %add3A_109 = arith.constant 20480 : i32
      %add3A_110 = arith.addi %mul3A_37, %add3A_109 : i32
      "tpu.region"() ({
        %run_scoped3A = tpu.sem_alloc : memref<!tpu.dma_semaphore, #tpu.memory_space<semaphore_mem>>
        %dma_start3A_115 = arith.constant 20480 : i32
        %dma_start3A_116 = tpu.memref_slice %arg16[%dma_start3A_115] : memref<32768xi32, #tpu.memory_space<vmem>> -> memref<4096xi32, #tpu.memory_space<vmem>>
        %dma_start3A_117 = tpu.memref_slice %arg7[%add3A_110] : memref<1048576xi32, #tpu.memory_space<hbm>> -> memref<4096xi32, #tpu.memory_space<hbm>>
        %dma_start3A_118 = tpu.memref_slice %arg7[%add3A_110] : memref<1048576xi32, #tpu.memory_space<hbm>> -> memref<4096xi32, #tpu.memory_space<hbm>>
        %dma_start3A_119 = arith.constant 20480 : i32
        %dma_start3A_120 = tpu.memref_slice %arg16[%dma_start3A_119] : memref<32768xi32, #tpu.memory_space<vmem>> -> memref<4096xi32, #tpu.memory_space<vmem>>
        tpu.enqueue_dma source(%dma_start3A_120 : memref<4096xi32, #tpu.memory_space<vmem>>) target(%dma_start3A_118 : memref<4096xi32, #tpu.memory_space<hbm>>) target_semaphore(%run_scoped3A : memref<!tpu.dma_semaphore, #tpu.memory_space<semaphore_mem>>)
        %dma_wait3A = arith.constant 20480 : i32
        %dma_wait3A_121 = tpu.memref_slice %arg16[%dma_wait3A] : memref<32768xi32, #tpu.memory_space<vmem>> -> memref<4096xi32, #tpu.memory_space<vmem>>
        %dma_wait3A_122 = tpu.memref_slice %arg7[%add3A_110] : memref<1048576xi32, #tpu.memory_space<hbm>> -> memref<4096xi32, #tpu.memory_space<hbm>>
        %dma_wait3A_123 = tpu.memref_slice %arg7[%add3A_110] : memref<1048576xi32, #tpu.memory_space<hbm>> -> memref<4096xi32, #tpu.memory_space<hbm>>
        %dma_wait3A_124 = arith.constant 20480 : i32
        %dma_wait3A_125 = tpu.memref_slice %arg16[%dma_wait3A_124] : memref<32768xi32, #tpu.memory_space<vmem>> -> memref<4096xi32, #tpu.memory_space<vmem>>
        tpu.wait_dma2 semaphore(%run_scoped3A : memref<!tpu.dma_semaphore, #tpu.memory_space<semaphore_mem>>) src(%dma_wait3A_125 : memref<4096xi32, #tpu.memory_space<vmem>>) dst(%dma_wait3A_123 : memref<4096xi32, #tpu.memory_space<hbm>>)
        tpu.yield
      }) : () -> ()
      %add3A_111 = arith.constant 20480 : i32
      %add3A_112 = arith.addi %mul3A_37, %add3A_111 : i32
      "tpu.region"() ({
        %run_scoped3A = tpu.sem_alloc : memref<!tpu.dma_semaphore, #tpu.memory_space<semaphore_mem>>
        %dma_start3A_115 = arith.constant 20480 : i32
        %dma_start3A_116 = tpu.memref_slice %arg17[%dma_start3A_115] : memref<32768xf32, #tpu.memory_space<vmem>> -> memref<4096xf32, #tpu.memory_space<vmem>>
        %dma_start3A_117 = tpu.memref_slice %arg8[%add3A_112] : memref<1048576xf32, #tpu.memory_space<hbm>> -> memref<4096xf32, #tpu.memory_space<hbm>>
        %dma_start3A_118 = tpu.memref_slice %arg8[%add3A_112] : memref<1048576xf32, #tpu.memory_space<hbm>> -> memref<4096xf32, #tpu.memory_space<hbm>>
        %dma_start3A_119 = arith.constant 20480 : i32
        %dma_start3A_120 = tpu.memref_slice %arg17[%dma_start3A_119] : memref<32768xf32, #tpu.memory_space<vmem>> -> memref<4096xf32, #tpu.memory_space<vmem>>
        tpu.enqueue_dma source(%dma_start3A_120 : memref<4096xf32, #tpu.memory_space<vmem>>) target(%dma_start3A_118 : memref<4096xf32, #tpu.memory_space<hbm>>) target_semaphore(%run_scoped3A : memref<!tpu.dma_semaphore, #tpu.memory_space<semaphore_mem>>)
        %dma_wait3A = arith.constant 20480 : i32
        %dma_wait3A_121 = tpu.memref_slice %arg17[%dma_wait3A] : memref<32768xf32, #tpu.memory_space<vmem>> -> memref<4096xf32, #tpu.memory_space<vmem>>
        %dma_wait3A_122 = tpu.memref_slice %arg8[%add3A_112] : memref<1048576xf32, #tpu.memory_space<hbm>> -> memref<4096xf32, #tpu.memory_space<hbm>>
        %dma_wait3A_123 = tpu.memref_slice %arg8[%add3A_112] : memref<1048576xf32, #tpu.memory_space<hbm>> -> memref<4096xf32, #tpu.memory_space<hbm>>
        %dma_wait3A_124 = arith.constant 20480 : i32
        %dma_wait3A_125 = tpu.memref_slice %arg17[%dma_wait3A_124] : memref<32768xf32, #tpu.memory_space<vmem>> -> memref<4096xf32, #tpu.memory_space<vmem>>
        tpu.wait_dma2 semaphore(%run_scoped3A : memref<!tpu.dma_semaphore, #tpu.memory_space<semaphore_mem>>) src(%dma_wait3A_125 : memref<4096xf32, #tpu.memory_space<vmem>>) dst(%dma_wait3A_123 : memref<4096xf32, #tpu.memory_space<hbm>>)
        tpu.yield
      }) : () -> ()
      %add3A_113 = arith.constant 20480 : i32
      %add3A_114 = arith.addi %mul3A_37, %add3A_113 : i32
      "tpu.region"() ({
        %run_scoped3A = tpu.sem_alloc : memref<!tpu.dma_semaphore, #tpu.memory_space<semaphore_mem>>
        %dma_start3A_115 = arith.constant 20480 : i32
        %dma_start3A_116 = tpu.memref_slice %arg18[%dma_start3A_115] : memref<32768xf32, #tpu.memory_space<vmem>> -> memref<4096xf32, #tpu.memory_space<vmem>>
        %dma_start3A_117 = tpu.memref_slice %arg9[%add3A_114] : memref<1048576xf32, #tpu.memory_space<hbm>> -> memref<4096xf32, #tpu.memory_space<hbm>>
        %dma_start3A_118 = tpu.memref_slice %arg9[%add3A_114] : memref<1048576xf32, #tpu.memory_space<hbm>> -> memref<4096xf32, #tpu.memory_space<hbm>>
        %dma_start3A_119 = arith.constant 20480 : i32
        %dma_start3A_120 = tpu.memref_slice %arg18[%dma_start3A_119] : memref<32768xf32, #tpu.memory_space<vmem>> -> memref<4096xf32, #tpu.memory_space<vmem>>
        tpu.enqueue_dma source(%dma_start3A_120 : memref<4096xf32, #tpu.memory_space<vmem>>) target(%dma_start3A_118 : memref<4096xf32, #tpu.memory_space<hbm>>) target_semaphore(%run_scoped3A : memref<!tpu.dma_semaphore, #tpu.memory_space<semaphore_mem>>)
        %dma_wait3A = arith.constant 20480 : i32
        %dma_wait3A_121 = tpu.memref_slice %arg18[%dma_wait3A] : memref<32768xf32, #tpu.memory_space<vmem>> -> memref<4096xf32, #tpu.memory_space<vmem>>
        %dma_wait3A_122 = tpu.memref_slice %arg9[%add3A_114] : memref<1048576xf32, #tpu.memory_space<hbm>> -> memref<4096xf32, #tpu.memory_space<hbm>>
        %dma_wait3A_123 = tpu.memref_slice %arg9[%add3A_114] : memref<1048576xf32, #tpu.memory_space<hbm>> -> memref<4096xf32, #tpu.memory_space<hbm>>
        %dma_wait3A_124 = arith.constant 20480 : i32
        %dma_wait3A_125 = tpu.memref_slice %arg18[%dma_wait3A_124] : memref<32768xf32, #tpu.memory_space<vmem>> -> memref<4096xf32, #tpu.memory_space<vmem>>
        tpu.wait_dma2 semaphore(%run_scoped3A : memref<!tpu.dma_semaphore, #tpu.memory_space<semaphore_mem>>) src(%dma_wait3A_125 : memref<4096xf32, #tpu.memory_space<vmem>>) dst(%dma_wait3A_123 : memref<4096xf32, #tpu.memory_space<hbm>>)
        tpu.yield
      }) : () -> ()
    } else {
    }
    %gt3A_99 = arith.constant 24576 : i32
    %gt3A_100 = arith.cmpi sgt, %squeeze3A, %gt3A_99 : i32
    %convert_element_type3A_101 = arith.extui %gt3A_100 : i1 to i32
    %cond3A_102 = arith.constant 0 : i32
    %cond3A_103 = arith.cmpi ne, %convert_element_type3A_101, %cond3A_102 : i32
    scf.if %cond3A_103 {
      %add3A_109 = arith.constant 24576 : i32
      %add3A_110 = arith.addi %mul3A_37, %add3A_109 : i32
      "tpu.region"() ({
        %run_scoped3A = tpu.sem_alloc : memref<!tpu.dma_semaphore, #tpu.memory_space<semaphore_mem>>
        %dma_start3A_115 = arith.constant 24576 : i32
        %dma_start3A_116 = tpu.memref_slice %arg16[%dma_start3A_115] : memref<32768xi32, #tpu.memory_space<vmem>> -> memref<4096xi32, #tpu.memory_space<vmem>>
        %dma_start3A_117 = tpu.memref_slice %arg7[%add3A_110] : memref<1048576xi32, #tpu.memory_space<hbm>> -> memref<4096xi32, #tpu.memory_space<hbm>>
        %dma_start3A_118 = tpu.memref_slice %arg7[%add3A_110] : memref<1048576xi32, #tpu.memory_space<hbm>> -> memref<4096xi32, #tpu.memory_space<hbm>>
        %dma_start3A_119 = arith.constant 24576 : i32
        %dma_start3A_120 = tpu.memref_slice %arg16[%dma_start3A_119] : memref<32768xi32, #tpu.memory_space<vmem>> -> memref<4096xi32, #tpu.memory_space<vmem>>
        tpu.enqueue_dma source(%dma_start3A_120 : memref<4096xi32, #tpu.memory_space<vmem>>) target(%dma_start3A_118 : memref<4096xi32, #tpu.memory_space<hbm>>) target_semaphore(%run_scoped3A : memref<!tpu.dma_semaphore, #tpu.memory_space<semaphore_mem>>)
        %dma_wait3A = arith.constant 24576 : i32
        %dma_wait3A_121 = tpu.memref_slice %arg16[%dma_wait3A] : memref<32768xi32, #tpu.memory_space<vmem>> -> memref<4096xi32, #tpu.memory_space<vmem>>
        %dma_wait3A_122 = tpu.memref_slice %arg7[%add3A_110] : memref<1048576xi32, #tpu.memory_space<hbm>> -> memref<4096xi32, #tpu.memory_space<hbm>>
        %dma_wait3A_123 = tpu.memref_slice %arg7[%add3A_110] : memref<1048576xi32, #tpu.memory_space<hbm>> -> memref<4096xi32, #tpu.memory_space<hbm>>
        %dma_wait3A_124 = arith.constant 24576 : i32
        %dma_wait3A_125 = tpu.memref_slice %arg16[%dma_wait3A_124] : memref<32768xi32, #tpu.memory_space<vmem>> -> memref<4096xi32, #tpu.memory_space<vmem>>
        tpu.wait_dma2 semaphore(%run_scoped3A : memref<!tpu.dma_semaphore, #tpu.memory_space<semaphore_mem>>) src(%dma_wait3A_125 : memref<4096xi32, #tpu.memory_space<vmem>>) dst(%dma_wait3A_123 : memref<4096xi32, #tpu.memory_space<hbm>>)
        tpu.yield
      }) : () -> ()
      %add3A_111 = arith.constant 24576 : i32
      %add3A_112 = arith.addi %mul3A_37, %add3A_111 : i32
      "tpu.region"() ({
        %run_scoped3A = tpu.sem_alloc : memref<!tpu.dma_semaphore, #tpu.memory_space<semaphore_mem>>
        %dma_start3A_115 = arith.constant 24576 : i32
        %dma_start3A_116 = tpu.memref_slice %arg17[%dma_start3A_115] : memref<32768xf32, #tpu.memory_space<vmem>> -> memref<4096xf32, #tpu.memory_space<vmem>>
        %dma_start3A_117 = tpu.memref_slice %arg8[%add3A_112] : memref<1048576xf32, #tpu.memory_space<hbm>> -> memref<4096xf32, #tpu.memory_space<hbm>>
        %dma_start3A_118 = tpu.memref_slice %arg8[%add3A_112] : memref<1048576xf32, #tpu.memory_space<hbm>> -> memref<4096xf32, #tpu.memory_space<hbm>>
        %dma_start3A_119 = arith.constant 24576 : i32
        %dma_start3A_120 = tpu.memref_slice %arg17[%dma_start3A_119] : memref<32768xf32, #tpu.memory_space<vmem>> -> memref<4096xf32, #tpu.memory_space<vmem>>
        tpu.enqueue_dma source(%dma_start3A_120 : memref<4096xf32, #tpu.memory_space<vmem>>) target(%dma_start3A_118 : memref<4096xf32, #tpu.memory_space<hbm>>) target_semaphore(%run_scoped3A : memref<!tpu.dma_semaphore, #tpu.memory_space<semaphore_mem>>)
        %dma_wait3A = arith.constant 24576 : i32
        %dma_wait3A_121 = tpu.memref_slice %arg17[%dma_wait3A] : memref<32768xf32, #tpu.memory_space<vmem>> -> memref<4096xf32, #tpu.memory_space<vmem>>
        %dma_wait3A_122 = tpu.memref_slice %arg8[%add3A_112] : memref<1048576xf32, #tpu.memory_space<hbm>> -> memref<4096xf32, #tpu.memory_space<hbm>>
        %dma_wait3A_123 = tpu.memref_slice %arg8[%add3A_112] : memref<1048576xf32, #tpu.memory_space<hbm>> -> memref<4096xf32, #tpu.memory_space<hbm>>
        %dma_wait3A_124 = arith.constant 24576 : i32
        %dma_wait3A_125 = tpu.memref_slice %arg17[%dma_wait3A_124] : memref<32768xf32, #tpu.memory_space<vmem>> -> memref<4096xf32, #tpu.memory_space<vmem>>
        tpu.wait_dma2 semaphore(%run_scoped3A : memref<!tpu.dma_semaphore, #tpu.memory_space<semaphore_mem>>) src(%dma_wait3A_125 : memref<4096xf32, #tpu.memory_space<vmem>>) dst(%dma_wait3A_123 : memref<4096xf32, #tpu.memory_space<hbm>>)
        tpu.yield
      }) : () -> ()
      %add3A_113 = arith.constant 24576 : i32
      %add3A_114 = arith.addi %mul3A_37, %add3A_113 : i32
      "tpu.region"() ({
        %run_scoped3A = tpu.sem_alloc : memref<!tpu.dma_semaphore, #tpu.memory_space<semaphore_mem>>
        %dma_start3A_115 = arith.constant 24576 : i32
        %dma_start3A_116 = tpu.memref_slice %arg18[%dma_start3A_115] : memref<32768xf32, #tpu.memory_space<vmem>> -> memref<4096xf32, #tpu.memory_space<vmem>>
        %dma_start3A_117 = tpu.memref_slice %arg9[%add3A_114] : memref<1048576xf32, #tpu.memory_space<hbm>> -> memref<4096xf32, #tpu.memory_space<hbm>>
        %dma_start3A_118 = tpu.memref_slice %arg9[%add3A_114] : memref<1048576xf32, #tpu.memory_space<hbm>> -> memref<4096xf32, #tpu.memory_space<hbm>>
        %dma_start3A_119 = arith.constant 24576 : i32
        %dma_start3A_120 = tpu.memref_slice %arg18[%dma_start3A_119] : memref<32768xf32, #tpu.memory_space<vmem>> -> memref<4096xf32, #tpu.memory_space<vmem>>
        tpu.enqueue_dma source(%dma_start3A_120 : memref<4096xf32, #tpu.memory_space<vmem>>) target(%dma_start3A_118 : memref<4096xf32, #tpu.memory_space<hbm>>) target_semaphore(%run_scoped3A : memref<!tpu.dma_semaphore, #tpu.memory_space<semaphore_mem>>)
        %dma_wait3A = arith.constant 24576 : i32
        %dma_wait3A_121 = tpu.memref_slice %arg18[%dma_wait3A] : memref<32768xf32, #tpu.memory_space<vmem>> -> memref<4096xf32, #tpu.memory_space<vmem>>
        %dma_wait3A_122 = tpu.memref_slice %arg9[%add3A_114] : memref<1048576xf32, #tpu.memory_space<hbm>> -> memref<4096xf32, #tpu.memory_space<hbm>>
        %dma_wait3A_123 = tpu.memref_slice %arg9[%add3A_114] : memref<1048576xf32, #tpu.memory_space<hbm>> -> memref<4096xf32, #tpu.memory_space<hbm>>
        %dma_wait3A_124 = arith.constant 24576 : i32
        %dma_wait3A_125 = tpu.memref_slice %arg18[%dma_wait3A_124] : memref<32768xf32, #tpu.memory_space<vmem>> -> memref<4096xf32, #tpu.memory_space<vmem>>
        tpu.wait_dma2 semaphore(%run_scoped3A : memref<!tpu.dma_semaphore, #tpu.memory_space<semaphore_mem>>) src(%dma_wait3A_125 : memref<4096xf32, #tpu.memory_space<vmem>>) dst(%dma_wait3A_123 : memref<4096xf32, #tpu.memory_space<hbm>>)
        tpu.yield
      }) : () -> ()
    } else {
    }
    %gt3A_104 = arith.constant 28672 : i32
    %gt3A_105 = arith.cmpi sgt, %squeeze3A, %gt3A_104 : i32
    %convert_element_type3A_106 = arith.extui %gt3A_105 : i1 to i32
    %cond3A_107 = arith.constant 0 : i32
    %cond3A_108 = arith.cmpi ne, %convert_element_type3A_106, %cond3A_107 : i32
    scf.if %cond3A_108 {
      %add3A_109 = arith.constant 28672 : i32
      %add3A_110 = arith.addi %mul3A_37, %add3A_109 : i32
      "tpu.region"() ({
        %run_scoped3A = tpu.sem_alloc : memref<!tpu.dma_semaphore, #tpu.memory_space<semaphore_mem>>
        %dma_start3A_115 = arith.constant 28672 : i32
        %dma_start3A_116 = tpu.memref_slice %arg16[%dma_start3A_115] : memref<32768xi32, #tpu.memory_space<vmem>> -> memref<4096xi32, #tpu.memory_space<vmem>>
        %dma_start3A_117 = tpu.memref_slice %arg7[%add3A_110] : memref<1048576xi32, #tpu.memory_space<hbm>> -> memref<4096xi32, #tpu.memory_space<hbm>>
        %dma_start3A_118 = tpu.memref_slice %arg7[%add3A_110] : memref<1048576xi32, #tpu.memory_space<hbm>> -> memref<4096xi32, #tpu.memory_space<hbm>>
        %dma_start3A_119 = arith.constant 28672 : i32
        %dma_start3A_120 = tpu.memref_slice %arg16[%dma_start3A_119] : memref<32768xi32, #tpu.memory_space<vmem>> -> memref<4096xi32, #tpu.memory_space<vmem>>
        tpu.enqueue_dma source(%dma_start3A_120 : memref<4096xi32, #tpu.memory_space<vmem>>) target(%dma_start3A_118 : memref<4096xi32, #tpu.memory_space<hbm>>) target_semaphore(%run_scoped3A : memref<!tpu.dma_semaphore, #tpu.memory_space<semaphore_mem>>)
        %dma_wait3A = arith.constant 28672 : i32
        %dma_wait3A_121 = tpu.memref_slice %arg16[%dma_wait3A] : memref<32768xi32, #tpu.memory_space<vmem>> -> memref<4096xi32, #tpu.memory_space<vmem>>
        %dma_wait3A_122 = tpu.memref_slice %arg7[%add3A_110] : memref<1048576xi32, #tpu.memory_space<hbm>> -> memref<4096xi32, #tpu.memory_space<hbm>>
        %dma_wait3A_123 = tpu.memref_slice %arg7[%add3A_110] : memref<1048576xi32, #tpu.memory_space<hbm>> -> memref<4096xi32, #tpu.memory_space<hbm>>
        %dma_wait3A_124 = arith.constant 28672 : i32
        %dma_wait3A_125 = tpu.memref_slice %arg16[%dma_wait3A_124] : memref<32768xi32, #tpu.memory_space<vmem>> -> memref<4096xi32, #tpu.memory_space<vmem>>
        tpu.wait_dma2 semaphore(%run_scoped3A : memref<!tpu.dma_semaphore, #tpu.memory_space<semaphore_mem>>) src(%dma_wait3A_125 : memref<4096xi32, #tpu.memory_space<vmem>>) dst(%dma_wait3A_123 : memref<4096xi32, #tpu.memory_space<hbm>>)
        tpu.yield
      }) : () -> ()
      %add3A_111 = arith.constant 28672 : i32
      %add3A_112 = arith.addi %mul3A_37, %add3A_111 : i32
      "tpu.region"() ({
        %run_scoped3A = tpu.sem_alloc : memref<!tpu.dma_semaphore, #tpu.memory_space<semaphore_mem>>
        %dma_start3A_115 = arith.constant 28672 : i32
        %dma_start3A_116 = tpu.memref_slice %arg17[%dma_start3A_115] : memref<32768xf32, #tpu.memory_space<vmem>> -> memref<4096xf32, #tpu.memory_space<vmem>>
        %dma_start3A_117 = tpu.memref_slice %arg8[%add3A_112] : memref<1048576xf32, #tpu.memory_space<hbm>> -> memref<4096xf32, #tpu.memory_space<hbm>>
        %dma_start3A_118 = tpu.memref_slice %arg8[%add3A_112] : memref<1048576xf32, #tpu.memory_space<hbm>> -> memref<4096xf32, #tpu.memory_space<hbm>>
        %dma_start3A_119 = arith.constant 28672 : i32
        %dma_start3A_120 = tpu.memref_slice %arg17[%dma_start3A_119] : memref<32768xf32, #tpu.memory_space<vmem>> -> memref<4096xf32, #tpu.memory_space<vmem>>
        tpu.enqueue_dma source(%dma_start3A_120 : memref<4096xf32, #tpu.memory_space<vmem>>) target(%dma_start3A_118 : memref<4096xf32, #tpu.memory_space<hbm>>) target_semaphore(%run_scoped3A : memref<!tpu.dma_semaphore, #tpu.memory_space<semaphore_mem>>)
        %dma_wait3A = arith.constant 28672 : i32
        %dma_wait3A_121 = tpu.memref_slice %arg17[%dma_wait3A] : memref<32768xf32, #tpu.memory_space<vmem>> -> memref<4096xf32, #tpu.memory_space<vmem>>
        %dma_wait3A_122 = tpu.memref_slice %arg8[%add3A_112] : memref<1048576xf32, #tpu.memory_space<hbm>> -> memref<4096xf32, #tpu.memory_space<hbm>>
        %dma_wait3A_123 = tpu.memref_slice %arg8[%add3A_112] : memref<1048576xf32, #tpu.memory_space<hbm>> -> memref<4096xf32, #tpu.memory_space<hbm>>
        %dma_wait3A_124 = arith.constant 28672 : i32
        %dma_wait3A_125 = tpu.memref_slice %arg17[%dma_wait3A_124] : memref<32768xf32, #tpu.memory_space<vmem>> -> memref<4096xf32, #tpu.memory_space<vmem>>
        tpu.wait_dma2 semaphore(%run_scoped3A : memref<!tpu.dma_semaphore, #tpu.memory_space<semaphore_mem>>) src(%dma_wait3A_125 : memref<4096xf32, #tpu.memory_space<vmem>>) dst(%dma_wait3A_123 : memref<4096xf32, #tpu.memory_space<hbm>>)
        tpu.yield
      }) : () -> ()
      %add3A_113 = arith.constant 28672 : i32
      %add3A_114 = arith.addi %mul3A_37, %add3A_113 : i32
      "tpu.region"() ({
        %run_scoped3A = tpu.sem_alloc : memref<!tpu.dma_semaphore, #tpu.memory_space<semaphore_mem>>
        %dma_start3A_115 = arith.constant 28672 : i32
        %dma_start3A_116 = tpu.memref_slice %arg18[%dma_start3A_115] : memref<32768xf32, #tpu.memory_space<vmem>> -> memref<4096xf32, #tpu.memory_space<vmem>>
        %dma_start3A_117 = tpu.memref_slice %arg9[%add3A_114] : memref<1048576xf32, #tpu.memory_space<hbm>> -> memref<4096xf32, #tpu.memory_space<hbm>>
        %dma_start3A_118 = tpu.memref_slice %arg9[%add3A_114] : memref<1048576xf32, #tpu.memory_space<hbm>> -> memref<4096xf32, #tpu.memory_space<hbm>>
        %dma_start3A_119 = arith.constant 28672 : i32
        %dma_start3A_120 = tpu.memref_slice %arg18[%dma_start3A_119] : memref<32768xf32, #tpu.memory_space<vmem>> -> memref<4096xf32, #tpu.memory_space<vmem>>
        tpu.enqueue_dma source(%dma_start3A_120 : memref<4096xf32, #tpu.memory_space<vmem>>) target(%dma_start3A_118 : memref<4096xf32, #tpu.memory_space<hbm>>) target_semaphore(%run_scoped3A : memref<!tpu.dma_semaphore, #tpu.memory_space<semaphore_mem>>)
        %dma_wait3A = arith.constant 28672 : i32
        %dma_wait3A_121 = tpu.memref_slice %arg18[%dma_wait3A] : memref<32768xf32, #tpu.memory_space<vmem>> -> memref<4096xf32, #tpu.memory_space<vmem>>
        %dma_wait3A_122 = tpu.memref_slice %arg9[%add3A_114] : memref<1048576xf32, #tpu.memory_space<hbm>> -> memref<4096xf32, #tpu.memory_space<hbm>>
        %dma_wait3A_123 = tpu.memref_slice %arg9[%add3A_114] : memref<1048576xf32, #tpu.memory_space<hbm>> -> memref<4096xf32, #tpu.memory_space<hbm>>
        %dma_wait3A_124 = arith.constant 28672 : i32
        %dma_wait3A_125 = tpu.memref_slice %arg18[%dma_wait3A_124] : memref<32768xf32, #tpu.memory_space<vmem>> -> memref<4096xf32, #tpu.memory_space<vmem>>
        tpu.wait_dma2 semaphore(%run_scoped3A : memref<!tpu.dma_semaphore, #tpu.memory_space<semaphore_mem>>) src(%dma_wait3A_125 : memref<4096xf32, #tpu.memory_space<vmem>>) dst(%dma_wait3A_123 : memref<4096xf32, #tpu.memory_space<hbm>>)
        tpu.yield
      }) : () -> ()
    } else {
    }
    return
  }
}

#map = affine_map<(d0, d1) -> (0)>
module attributes {stable_mosaic.version = 14 : i64} {
  func.func @scat(%arg0: i32, %arg1: i32, %arg2: memref<1048576xi32, #tpu.memory_space<hbm>>, %arg3: memref<1048576xf32, #tpu.memory_space<hbm>>, %arg4: memref<1048576xf32, #tpu.memory_space<hbm>>, %arg5: memref<512xi32, #tpu.memory_space<hbm>>, %arg6: memref<32768xf32, #tpu.memory_space<hbm>>, %arg7: memref<1048576xf32, #tpu.memory_space<hbm>>, %arg8: memref<28672xi32, #tpu.memory_space<vmem>>, %arg9: memref<28672xf32, #tpu.memory_space<vmem>>, %arg10: memref<28672xf32, #tpu.memory_space<vmem>>, %arg11: memref<32768xf32, #tpu.memory_space<vmem>>, %arg12: memref<512xi32, #tpu.memory_space<vmem>>, %arg13: memref<!tpu.dma_semaphore, #tpu.memory_space<semaphore_mem>>, %arg14: memref<!tpu.dma_semaphore, #tpu.memory_space<semaphore_mem>>, %arg15: memref<!tpu.dma_semaphore, #tpu.memory_space<semaphore_mem>>) attributes {dimension_semantics = [#tpu.dimension_semantics<core_parallel>, #tpu.dimension_semantics<subcore_parallel>], iteration_bounds = array<i64: 2, 16>, scalar_prefetch = 0 : i64, scratch_operands = 8 : i64, tpu.core_type = #tpu.core_type<sc_vector_subcore>, window_params = [{transform_indices = #map}, {transform_indices = #map}, {transform_indices = #map}, {transform_indices = #map}, {transform_indices = #map}, {transform_indices = #map}]} {
    %mul3A = arith.constant 2 : i32
    %mul3A_0 = arith.muli %arg1, %mul3A : i32
    %add3A = arith.addi %mul3A_0, %arg0 : i32
    %mul3A_1 = arith.constant 16384 : i32
    %mul3A_2 = arith.muli %add3A, %mul3A_1 : i32
    %iota3A = tpu.iota {dimensions = array<i32: 0>} : vector<16xi32>
    "tpu.region"() ({
      %run_scoped3A = tpu.sem_alloc : memref<!tpu.dma_semaphore, #tpu.memory_space<semaphore_mem>>
      tpu.enqueue_dma source(%arg6 : memref<32768xf32, #tpu.memory_space<hbm>>) target(%arg11 : memref<32768xf32, #tpu.memory_space<vmem>>) target_semaphore(%run_scoped3A : memref<!tpu.dma_semaphore, #tpu.memory_space<semaphore_mem>>)
      tpu.wait_dma2 semaphore(%run_scoped3A : memref<!tpu.dma_semaphore, #tpu.memory_space<semaphore_mem>>) src(%arg6 : memref<32768xf32, #tpu.memory_space<hbm>>) dst(%arg11 : memref<32768xf32, #tpu.memory_space<vmem>>)
      tpu.yield
    }) : () -> ()
    "tpu.region"() ({
      %run_scoped3A = tpu.sem_alloc : memref<!tpu.dma_semaphore, #tpu.memory_space<semaphore_mem>>
      tpu.enqueue_dma source(%arg5 : memref<512xi32, #tpu.memory_space<hbm>>) target(%arg12 : memref<512xi32, #tpu.memory_space<vmem>>) target_semaphore(%run_scoped3A : memref<!tpu.dma_semaphore, #tpu.memory_space<semaphore_mem>>)
      tpu.wait_dma2 semaphore(%run_scoped3A : memref<!tpu.dma_semaphore, #tpu.memory_space<semaphore_mem>>) src(%arg5 : memref<512xi32, #tpu.memory_space<hbm>>) dst(%arg12 : memref<512xi32, #tpu.memory_space<vmem>>)
      tpu.yield
    }) : () -> ()
    %dma_start3A = arith.constant 0 : i32
    %dma_start3A_3 = tpu.memref_slice %arg8[%dma_start3A] : memref<28672xi32, #tpu.memory_space<vmem>> -> memref<4096xi32, #tpu.memory_space<vmem>>
    %dma_start3A_4 = arith.constant 0 : i32
    %dma_start3A_5 = tpu.memref_slice %arg2[%dma_start3A_4] : memref<1048576xi32, #tpu.memory_space<hbm>> -> memref<4096xi32, #tpu.memory_space<hbm>>
    %dma_start3A_6 = arith.constant 0 : i32
    %dma_start3A_7 = tpu.memref_slice %arg8[%dma_start3A_6] : memref<28672xi32, #tpu.memory_space<vmem>> -> memref<4096xi32, #tpu.memory_space<vmem>>
    %dma_start3A_8 = arith.constant 0 : i32
    %dma_start3A_9 = tpu.memref_slice %arg2[%dma_start3A_8] : memref<1048576xi32, #tpu.memory_space<hbm>> -> memref<4096xi32, #tpu.memory_space<hbm>>
    tpu.enqueue_dma source(%dma_start3A_9 : memref<4096xi32, #tpu.memory_space<hbm>>) target(%dma_start3A_7 : memref<4096xi32, #tpu.memory_space<vmem>>) target_semaphore(%arg13 : memref<!tpu.dma_semaphore, #tpu.memory_space<semaphore_mem>>)
    %dma_start3A_10 = arith.constant 0 : i32
    %dma_start3A_11 = tpu.memref_slice %arg9[%dma_start3A_10] : memref<28672xf32, #tpu.memory_space<vmem>> -> memref<4096xf32, #tpu.memory_space<vmem>>
    %dma_start3A_12 = arith.constant 0 : i32
    %dma_start3A_13 = tpu.memref_slice %arg3[%dma_start3A_12] : memref<1048576xf32, #tpu.memory_space<hbm>> -> memref<4096xf32, #tpu.memory_space<hbm>>
    %dma_start3A_14 = arith.constant 0 : i32
    %dma_start3A_15 = tpu.memref_slice %arg9[%dma_start3A_14] : memref<28672xf32, #tpu.memory_space<vmem>> -> memref<4096xf32, #tpu.memory_space<vmem>>
    %dma_start3A_16 = arith.constant 0 : i32
    %dma_start3A_17 = tpu.memref_slice %arg3[%dma_start3A_16] : memref<1048576xf32, #tpu.memory_space<hbm>> -> memref<4096xf32, #tpu.memory_space<hbm>>
    tpu.enqueue_dma source(%dma_start3A_17 : memref<4096xf32, #tpu.memory_space<hbm>>) target(%dma_start3A_15 : memref<4096xf32, #tpu.memory_space<vmem>>) target_semaphore(%arg14 : memref<!tpu.dma_semaphore, #tpu.memory_space<semaphore_mem>>)
    %dma_start3A_18 = arith.constant 0 : i32
    %dma_start3A_19 = tpu.memref_slice %arg10[%dma_start3A_18] : memref<28672xf32, #tpu.memory_space<vmem>> -> memref<4096xf32, #tpu.memory_space<vmem>>
    %dma_start3A_20 = arith.constant 0 : i32
    %dma_start3A_21 = tpu.memref_slice %arg4[%dma_start3A_20] : memref<1048576xf32, #tpu.memory_space<hbm>> -> memref<4096xf32, #tpu.memory_space<hbm>>
    %dma_start3A_22 = arith.constant 0 : i32
    %dma_start3A_23 = tpu.memref_slice %arg10[%dma_start3A_22] : memref<28672xf32, #tpu.memory_space<vmem>> -> memref<4096xf32, #tpu.memory_space<vmem>>
    %dma_start3A_24 = arith.constant 0 : i32
    %dma_start3A_25 = tpu.memref_slice %arg4[%dma_start3A_24] : memref<1048576xf32, #tpu.memory_space<hbm>> -> memref<4096xf32, #tpu.memory_space<hbm>>
    tpu.enqueue_dma source(%dma_start3A_25 : memref<4096xf32, #tpu.memory_space<hbm>>) target(%dma_start3A_23 : memref<4096xf32, #tpu.memory_space<vmem>>) target_semaphore(%arg15 : memref<!tpu.dma_semaphore, #tpu.memory_space<semaphore_mem>>)
    %dma_start3A_26 = arith.constant 4096 : i32
    %dma_start3A_27 = tpu.memref_slice %arg8[%dma_start3A_26] : memref<28672xi32, #tpu.memory_space<vmem>> -> memref<4096xi32, #tpu.memory_space<vmem>>
    %dma_start3A_28 = arith.constant 32768 : i32
    %dma_start3A_29 = tpu.memref_slice %arg2[%dma_start3A_28] : memref<1048576xi32, #tpu.memory_space<hbm>> -> memref<4096xi32, #tpu.memory_space<hbm>>
    %dma_start3A_30 = arith.constant 4096 : i32
    %dma_start3A_31 = tpu.memref_slice %arg8[%dma_start3A_30] : memref<28672xi32, #tpu.memory_space<vmem>> -> memref<4096xi32, #tpu.memory_space<vmem>>
    %dma_start3A_32 = arith.constant 32768 : i32
    %dma_start3A_33 = tpu.memref_slice %arg2[%dma_start3A_32] : memref<1048576xi32, #tpu.memory_space<hbm>> -> memref<4096xi32, #tpu.memory_space<hbm>>
    tpu.enqueue_dma source(%dma_start3A_33 : memref<4096xi32, #tpu.memory_space<hbm>>) target(%dma_start3A_31 : memref<4096xi32, #tpu.memory_space<vmem>>) target_semaphore(%arg13 : memref<!tpu.dma_semaphore, #tpu.memory_space<semaphore_mem>>)
    %dma_start3A_34 = arith.constant 4096 : i32
    %dma_start3A_35 = tpu.memref_slice %arg9[%dma_start3A_34] : memref<28672xf32, #tpu.memory_space<vmem>> -> memref<4096xf32, #tpu.memory_space<vmem>>
    %dma_start3A_36 = arith.constant 32768 : i32
    %dma_start3A_37 = tpu.memref_slice %arg3[%dma_start3A_36] : memref<1048576xf32, #tpu.memory_space<hbm>> -> memref<4096xf32, #tpu.memory_space<hbm>>
    %dma_start3A_38 = arith.constant 4096 : i32
    %dma_start3A_39 = tpu.memref_slice %arg9[%dma_start3A_38] : memref<28672xf32, #tpu.memory_space<vmem>> -> memref<4096xf32, #tpu.memory_space<vmem>>
    %dma_start3A_40 = arith.constant 32768 : i32
    %dma_start3A_41 = tpu.memref_slice %arg3[%dma_start3A_40] : memref<1048576xf32, #tpu.memory_space<hbm>> -> memref<4096xf32, #tpu.memory_space<hbm>>
    tpu.enqueue_dma source(%dma_start3A_41 : memref<4096xf32, #tpu.memory_space<hbm>>) target(%dma_start3A_39 : memref<4096xf32, #tpu.memory_space<vmem>>) target_semaphore(%arg14 : memref<!tpu.dma_semaphore, #tpu.memory_space<semaphore_mem>>)
    %dma_start3A_42 = arith.constant 4096 : i32
    %dma_start3A_43 = tpu.memref_slice %arg10[%dma_start3A_42] : memref<28672xf32, #tpu.memory_space<vmem>> -> memref<4096xf32, #tpu.memory_space<vmem>>
    %dma_start3A_44 = arith.constant 32768 : i32
    %dma_start3A_45 = tpu.memref_slice %arg4[%dma_start3A_44] : memref<1048576xf32, #tpu.memory_space<hbm>> -> memref<4096xf32, #tpu.memory_space<hbm>>
    %dma_start3A_46 = arith.constant 4096 : i32
    %dma_start3A_47 = tpu.memref_slice %arg10[%dma_start3A_46] : memref<28672xf32, #tpu.memory_space<vmem>> -> memref<4096xf32, #tpu.memory_space<vmem>>
    %dma_start3A_48 = arith.constant 32768 : i32
    %dma_start3A_49 = tpu.memref_slice %arg4[%dma_start3A_48] : memref<1048576xf32, #tpu.memory_space<hbm>> -> memref<4096xf32, #tpu.memory_space<hbm>>
    tpu.enqueue_dma source(%dma_start3A_49 : memref<4096xf32, #tpu.memory_space<hbm>>) target(%dma_start3A_47 : memref<4096xf32, #tpu.memory_space<vmem>>) target_semaphore(%arg15 : memref<!tpu.dma_semaphore, #tpu.memory_space<semaphore_mem>>)
    %dma_start3A_50 = arith.constant 8192 : i32
    %dma_start3A_51 = tpu.memref_slice %arg8[%dma_start3A_50] : memref<28672xi32, #tpu.memory_space<vmem>> -> memref<4096xi32, #tpu.memory_space<vmem>>
    %dma_start3A_52 = arith.constant 65536 : i32
    %dma_start3A_53 = tpu.memref_slice %arg2[%dma_start3A_52] : memref<1048576xi32, #tpu.memory_space<hbm>> -> memref<4096xi32, #tpu.memory_space<hbm>>
    %dma_start3A_54 = arith.constant 8192 : i32
    %dma_start3A_55 = tpu.memref_slice %arg8[%dma_start3A_54] : memref<28672xi32, #tpu.memory_space<vmem>> -> memref<4096xi32, #tpu.memory_space<vmem>>
    %dma_start3A_56 = arith.constant 65536 : i32
    %dma_start3A_57 = tpu.memref_slice %arg2[%dma_start3A_56] : memref<1048576xi32, #tpu.memory_space<hbm>> -> memref<4096xi32, #tpu.memory_space<hbm>>
    tpu.enqueue_dma source(%dma_start3A_57 : memref<4096xi32, #tpu.memory_space<hbm>>) target(%dma_start3A_55 : memref<4096xi32, #tpu.memory_space<vmem>>) target_semaphore(%arg13 : memref<!tpu.dma_semaphore, #tpu.memory_space<semaphore_mem>>)
    %dma_start3A_58 = arith.constant 8192 : i32
    %dma_start3A_59 = tpu.memref_slice %arg9[%dma_start3A_58] : memref<28672xf32, #tpu.memory_space<vmem>> -> memref<4096xf32, #tpu.memory_space<vmem>>
    %dma_start3A_60 = arith.constant 65536 : i32
    %dma_start3A_61 = tpu.memref_slice %arg3[%dma_start3A_60] : memref<1048576xf32, #tpu.memory_space<hbm>> -> memref<4096xf32, #tpu.memory_space<hbm>>
    %dma_start3A_62 = arith.constant 8192 : i32
    %dma_start3A_63 = tpu.memref_slice %arg9[%dma_start3A_62] : memref<28672xf32, #tpu.memory_space<vmem>> -> memref<4096xf32, #tpu.memory_space<vmem>>
    %dma_start3A_64 = arith.constant 65536 : i32
    %dma_start3A_65 = tpu.memref_slice %arg3[%dma_start3A_64] : memref<1048576xf32, #tpu.memory_space<hbm>> -> memref<4096xf32, #tpu.memory_space<hbm>>
    tpu.enqueue_dma source(%dma_start3A_65 : memref<4096xf32, #tpu.memory_space<hbm>>) target(%dma_start3A_63 : memref<4096xf32, #tpu.memory_space<vmem>>) target_semaphore(%arg14 : memref<!tpu.dma_semaphore, #tpu.memory_space<semaphore_mem>>)
    %dma_start3A_66 = arith.constant 8192 : i32
    %dma_start3A_67 = tpu.memref_slice %arg10[%dma_start3A_66] : memref<28672xf32, #tpu.memory_space<vmem>> -> memref<4096xf32, #tpu.memory_space<vmem>>
    %dma_start3A_68 = arith.constant 65536 : i32
    %dma_start3A_69 = tpu.memref_slice %arg4[%dma_start3A_68] : memref<1048576xf32, #tpu.memory_space<hbm>> -> memref<4096xf32, #tpu.memory_space<hbm>>
    %dma_start3A_70 = arith.constant 8192 : i32
    %dma_start3A_71 = tpu.memref_slice %arg10[%dma_start3A_70] : memref<28672xf32, #tpu.memory_space<vmem>> -> memref<4096xf32, #tpu.memory_space<vmem>>
    %dma_start3A_72 = arith.constant 65536 : i32
    %dma_start3A_73 = tpu.memref_slice %arg4[%dma_start3A_72] : memref<1048576xf32, #tpu.memory_space<hbm>> -> memref<4096xf32, #tpu.memory_space<hbm>>
    tpu.enqueue_dma source(%dma_start3A_73 : memref<4096xf32, #tpu.memory_space<hbm>>) target(%dma_start3A_71 : memref<4096xf32, #tpu.memory_space<vmem>>) target_semaphore(%arg15 : memref<!tpu.dma_semaphore, #tpu.memory_space<semaphore_mem>>)
    %dma_start3A_74 = arith.constant 12288 : i32
    %dma_start3A_75 = tpu.memref_slice %arg8[%dma_start3A_74] : memref<28672xi32, #tpu.memory_space<vmem>> -> memref<4096xi32, #tpu.memory_space<vmem>>
    %dma_start3A_76 = arith.constant 98304 : i32
    %dma_start3A_77 = tpu.memref_slice %arg2[%dma_start3A_76] : memref<1048576xi32, #tpu.memory_space<hbm>> -> memref<4096xi32, #tpu.memory_space<hbm>>
    %dma_start3A_78 = arith.constant 12288 : i32
    %dma_start3A_79 = tpu.memref_slice %arg8[%dma_start3A_78] : memref<28672xi32, #tpu.memory_space<vmem>> -> memref<4096xi32, #tpu.memory_space<vmem>>
    %dma_start3A_80 = arith.constant 98304 : i32
    %dma_start3A_81 = tpu.memref_slice %arg2[%dma_start3A_80] : memref<1048576xi32, #tpu.memory_space<hbm>> -> memref<4096xi32, #tpu.memory_space<hbm>>
    tpu.enqueue_dma source(%dma_start3A_81 : memref<4096xi32, #tpu.memory_space<hbm>>) target(%dma_start3A_79 : memref<4096xi32, #tpu.memory_space<vmem>>) target_semaphore(%arg13 : memref<!tpu.dma_semaphore, #tpu.memory_space<semaphore_mem>>)
    %dma_start3A_82 = arith.constant 12288 : i32
    %dma_start3A_83 = tpu.memref_slice %arg9[%dma_start3A_82] : memref<28672xf32, #tpu.memory_space<vmem>> -> memref<4096xf32, #tpu.memory_space<vmem>>
    %dma_start3A_84 = arith.constant 98304 : i32
    %dma_start3A_85 = tpu.memref_slice %arg3[%dma_start3A_84] : memref<1048576xf32, #tpu.memory_space<hbm>> -> memref<4096xf32, #tpu.memory_space<hbm>>
    %dma_start3A_86 = arith.constant 12288 : i32
    %dma_start3A_87 = tpu.memref_slice %arg9[%dma_start3A_86] : memref<28672xf32, #tpu.memory_space<vmem>> -> memref<4096xf32, #tpu.memory_space<vmem>>
    %dma_start3A_88 = arith.constant 98304 : i32
    %dma_start3A_89 = tpu.memref_slice %arg3[%dma_start3A_88] : memref<1048576xf32, #tpu.memory_space<hbm>> -> memref<4096xf32, #tpu.memory_space<hbm>>
    tpu.enqueue_dma source(%dma_start3A_89 : memref<4096xf32, #tpu.memory_space<hbm>>) target(%dma_start3A_87 : memref<4096xf32, #tpu.memory_space<vmem>>) target_semaphore(%arg14 : memref<!tpu.dma_semaphore, #tpu.memory_space<semaphore_mem>>)
    %dma_start3A_90 = arith.constant 12288 : i32
    %dma_start3A_91 = tpu.memref_slice %arg10[%dma_start3A_90] : memref<28672xf32, #tpu.memory_space<vmem>> -> memref<4096xf32, #tpu.memory_space<vmem>>
    %dma_start3A_92 = arith.constant 98304 : i32
    %dma_start3A_93 = tpu.memref_slice %arg4[%dma_start3A_92] : memref<1048576xf32, #tpu.memory_space<hbm>> -> memref<4096xf32, #tpu.memory_space<hbm>>
    %dma_start3A_94 = arith.constant 12288 : i32
    %dma_start3A_95 = tpu.memref_slice %arg10[%dma_start3A_94] : memref<28672xf32, #tpu.memory_space<vmem>> -> memref<4096xf32, #tpu.memory_space<vmem>>
    %dma_start3A_96 = arith.constant 98304 : i32
    %dma_start3A_97 = tpu.memref_slice %arg4[%dma_start3A_96] : memref<1048576xf32, #tpu.memory_space<hbm>> -> memref<4096xf32, #tpu.memory_space<hbm>>
    tpu.enqueue_dma source(%dma_start3A_97 : memref<4096xf32, #tpu.memory_space<hbm>>) target(%dma_start3A_95 : memref<4096xf32, #tpu.memory_space<vmem>>) target_semaphore(%arg15 : memref<!tpu.dma_semaphore, #tpu.memory_space<semaphore_mem>>)
    %dma_start3A_98 = arith.constant 16384 : i32
    %dma_start3A_99 = tpu.memref_slice %arg8[%dma_start3A_98] : memref<28672xi32, #tpu.memory_space<vmem>> -> memref<4096xi32, #tpu.memory_space<vmem>>
    %dma_start3A_100 = arith.constant 131072 : i32
    %dma_start3A_101 = tpu.memref_slice %arg2[%dma_start3A_100] : memref<1048576xi32, #tpu.memory_space<hbm>> -> memref<4096xi32, #tpu.memory_space<hbm>>
    %dma_start3A_102 = arith.constant 16384 : i32
    %dma_start3A_103 = tpu.memref_slice %arg8[%dma_start3A_102] : memref<28672xi32, #tpu.memory_space<vmem>> -> memref<4096xi32, #tpu.memory_space<vmem>>
    %dma_start3A_104 = arith.constant 131072 : i32
    %dma_start3A_105 = tpu.memref_slice %arg2[%dma_start3A_104] : memref<1048576xi32, #tpu.memory_space<hbm>> -> memref<4096xi32, #tpu.memory_space<hbm>>
    tpu.enqueue_dma source(%dma_start3A_105 : memref<4096xi32, #tpu.memory_space<hbm>>) target(%dma_start3A_103 : memref<4096xi32, #tpu.memory_space<vmem>>) target_semaphore(%arg13 : memref<!tpu.dma_semaphore, #tpu.memory_space<semaphore_mem>>)
    %dma_start3A_106 = arith.constant 16384 : i32
    %dma_start3A_107 = tpu.memref_slice %arg9[%dma_start3A_106] : memref<28672xf32, #tpu.memory_space<vmem>> -> memref<4096xf32, #tpu.memory_space<vmem>>
    %dma_start3A_108 = arith.constant 131072 : i32
    %dma_start3A_109 = tpu.memref_slice %arg3[%dma_start3A_108] : memref<1048576xf32, #tpu.memory_space<hbm>> -> memref<4096xf32, #tpu.memory_space<hbm>>
    %dma_start3A_110 = arith.constant 16384 : i32
    %dma_start3A_111 = tpu.memref_slice %arg9[%dma_start3A_110] : memref<28672xf32, #tpu.memory_space<vmem>> -> memref<4096xf32, #tpu.memory_space<vmem>>
    %dma_start3A_112 = arith.constant 131072 : i32
    %dma_start3A_113 = tpu.memref_slice %arg3[%dma_start3A_112] : memref<1048576xf32, #tpu.memory_space<hbm>> -> memref<4096xf32, #tpu.memory_space<hbm>>
    tpu.enqueue_dma source(%dma_start3A_113 : memref<4096xf32, #tpu.memory_space<hbm>>) target(%dma_start3A_111 : memref<4096xf32, #tpu.memory_space<vmem>>) target_semaphore(%arg14 : memref<!tpu.dma_semaphore, #tpu.memory_space<semaphore_mem>>)
    %dma_start3A_114 = arith.constant 16384 : i32
    %dma_start3A_115 = tpu.memref_slice %arg10[%dma_start3A_114] : memref<28672xf32, #tpu.memory_space<vmem>> -> memref<4096xf32, #tpu.memory_space<vmem>>
    %dma_start3A_116 = arith.constant 131072 : i32
    %dma_start3A_117 = tpu.memref_slice %arg4[%dma_start3A_116] : memref<1048576xf32, #tpu.memory_space<hbm>> -> memref<4096xf32, #tpu.memory_space<hbm>>
    %dma_start3A_118 = arith.constant 16384 : i32
    %dma_start3A_119 = tpu.memref_slice %arg10[%dma_start3A_118] : memref<28672xf32, #tpu.memory_space<vmem>> -> memref<4096xf32, #tpu.memory_space<vmem>>
    %dma_start3A_120 = arith.constant 131072 : i32
    %dma_start3A_121 = tpu.memref_slice %arg4[%dma_start3A_120] : memref<1048576xf32, #tpu.memory_space<hbm>> -> memref<4096xf32, #tpu.memory_space<hbm>>
    tpu.enqueue_dma source(%dma_start3A_121 : memref<4096xf32, #tpu.memory_space<hbm>>) target(%dma_start3A_119 : memref<4096xf32, #tpu.memory_space<vmem>>) target_semaphore(%arg15 : memref<!tpu.dma_semaphore, #tpu.memory_space<semaphore_mem>>)
    %dma_start3A_122 = arith.constant 20480 : i32
    %dma_start3A_123 = tpu.memref_slice %arg8[%dma_start3A_122] : memref<28672xi32, #tpu.memory_space<vmem>> -> memref<4096xi32, #tpu.memory_space<vmem>>
    %dma_start3A_124 = arith.constant 163840 : i32
    %dma_start3A_125 = tpu.memref_slice %arg2[%dma_start3A_124] : memref<1048576xi32, #tpu.memory_space<hbm>> -> memref<4096xi32, #tpu.memory_space<hbm>>
    %dma_start3A_126 = arith.constant 20480 : i32
    %dma_start3A_127 = tpu.memref_slice %arg8[%dma_start3A_126] : memref<28672xi32, #tpu.memory_space<vmem>> -> memref<4096xi32, #tpu.memory_space<vmem>>
    %dma_start3A_128 = arith.constant 163840 : i32
    %dma_start3A_129 = tpu.memref_slice %arg2[%dma_start3A_128] : memref<1048576xi32, #tpu.memory_space<hbm>> -> memref<4096xi32, #tpu.memory_space<hbm>>
    tpu.enqueue_dma source(%dma_start3A_129 : memref<4096xi32, #tpu.memory_space<hbm>>) target(%dma_start3A_127 : memref<4096xi32, #tpu.memory_space<vmem>>) target_semaphore(%arg13 : memref<!tpu.dma_semaphore, #tpu.memory_space<semaphore_mem>>)
    %dma_start3A_130 = arith.constant 20480 : i32
    %dma_start3A_131 = tpu.memref_slice %arg9[%dma_start3A_130] : memref<28672xf32, #tpu.memory_space<vmem>> -> memref<4096xf32, #tpu.memory_space<vmem>>
    %dma_start3A_132 = arith.constant 163840 : i32
    %dma_start3A_133 = tpu.memref_slice %arg3[%dma_start3A_132] : memref<1048576xf32, #tpu.memory_space<hbm>> -> memref<4096xf32, #tpu.memory_space<hbm>>
    %dma_start3A_134 = arith.constant 20480 : i32
    %dma_start3A_135 = tpu.memref_slice %arg9[%dma_start3A_134] : memref<28672xf32, #tpu.memory_space<vmem>> -> memref<4096xf32, #tpu.memory_space<vmem>>
    %dma_start3A_136 = arith.constant 163840 : i32
    %dma_start3A_137 = tpu.memref_slice %arg3[%dma_start3A_136] : memref<1048576xf32, #tpu.memory_space<hbm>> -> memref<4096xf32, #tpu.memory_space<hbm>>
    tpu.enqueue_dma source(%dma_start3A_137 : memref<4096xf32, #tpu.memory_space<hbm>>) target(%dma_start3A_135 : memref<4096xf32, #tpu.memory_space<vmem>>) target_semaphore(%arg14 : memref<!tpu.dma_semaphore, #tpu.memory_space<semaphore_mem>>)
    %dma_start3A_138 = arith.constant 20480 : i32
    %dma_start3A_139 = tpu.memref_slice %arg10[%dma_start3A_138] : memref<28672xf32, #tpu.memory_space<vmem>> -> memref<4096xf32, #tpu.memory_space<vmem>>
    %dma_start3A_140 = arith.constant 163840 : i32
    %dma_start3A_141 = tpu.memref_slice %arg4[%dma_start3A_140] : memref<1048576xf32, #tpu.memory_space<hbm>> -> memref<4096xf32, #tpu.memory_space<hbm>>
    %dma_start3A_142 = arith.constant 20480 : i32
    %dma_start3A_143 = tpu.memref_slice %arg10[%dma_start3A_142] : memref<28672xf32, #tpu.memory_space<vmem>> -> memref<4096xf32, #tpu.memory_space<vmem>>
    %dma_start3A_144 = arith.constant 163840 : i32
    %dma_start3A_145 = tpu.memref_slice %arg4[%dma_start3A_144] : memref<1048576xf32, #tpu.memory_space<hbm>> -> memref<4096xf32, #tpu.memory_space<hbm>>
    tpu.enqueue_dma source(%dma_start3A_145 : memref<4096xf32, #tpu.memory_space<hbm>>) target(%dma_start3A_143 : memref<4096xf32, #tpu.memory_space<vmem>>) target_semaphore(%arg15 : memref<!tpu.dma_semaphore, #tpu.memory_space<semaphore_mem>>)
    %dma_start3A_146 = arith.constant 24576 : i32
    %dma_start3A_147 = tpu.memref_slice %arg8[%dma_start3A_146] : memref<28672xi32, #tpu.memory_space<vmem>> -> memref<4096xi32, #tpu.memory_space<vmem>>
    %dma_start3A_148 = arith.constant 196608 : i32
    %dma_start3A_149 = tpu.memref_slice %arg2[%dma_start3A_148] : memref<1048576xi32, #tpu.memory_space<hbm>> -> memref<4096xi32, #tpu.memory_space<hbm>>
    %dma_start3A_150 = arith.constant 24576 : i32
    %dma_start3A_151 = tpu.memref_slice %arg8[%dma_start3A_150] : memref<28672xi32, #tpu.memory_space<vmem>> -> memref<4096xi32, #tpu.memory_space<vmem>>
    %dma_start3A_152 = arith.constant 196608 : i32
    %dma_start3A_153 = tpu.memref_slice %arg2[%dma_start3A_152] : memref<1048576xi32, #tpu.memory_space<hbm>> -> memref<4096xi32, #tpu.memory_space<hbm>>
    tpu.enqueue_dma source(%dma_start3A_153 : memref<4096xi32, #tpu.memory_space<hbm>>) target(%dma_start3A_151 : memref<4096xi32, #tpu.memory_space<vmem>>) target_semaphore(%arg13 : memref<!tpu.dma_semaphore, #tpu.memory_space<semaphore_mem>>)
    %dma_start3A_154 = arith.constant 24576 : i32
    %dma_start3A_155 = tpu.memref_slice %arg9[%dma_start3A_154] : memref<28672xf32, #tpu.memory_space<vmem>> -> memref<4096xf32, #tpu.memory_space<vmem>>
    %dma_start3A_156 = arith.constant 196608 : i32
    %dma_start3A_157 = tpu.memref_slice %arg3[%dma_start3A_156] : memref<1048576xf32, #tpu.memory_space<hbm>> -> memref<4096xf32, #tpu.memory_space<hbm>>
    %dma_start3A_158 = arith.constant 24576 : i32
    %dma_start3A_159 = tpu.memref_slice %arg9[%dma_start3A_158] : memref<28672xf32, #tpu.memory_space<vmem>> -> memref<4096xf32, #tpu.memory_space<vmem>>
    %dma_start3A_160 = arith.constant 196608 : i32
    %dma_start3A_161 = tpu.memref_slice %arg3[%dma_start3A_160] : memref<1048576xf32, #tpu.memory_space<hbm>> -> memref<4096xf32, #tpu.memory_space<hbm>>
    tpu.enqueue_dma source(%dma_start3A_161 : memref<4096xf32, #tpu.memory_space<hbm>>) target(%dma_start3A_159 : memref<4096xf32, #tpu.memory_space<vmem>>) target_semaphore(%arg14 : memref<!tpu.dma_semaphore, #tpu.memory_space<semaphore_mem>>)
    %dma_start3A_162 = arith.constant 24576 : i32
    %dma_start3A_163 = tpu.memref_slice %arg10[%dma_start3A_162] : memref<28672xf32, #tpu.memory_space<vmem>> -> memref<4096xf32, #tpu.memory_space<vmem>>
    %dma_start3A_164 = arith.constant 196608 : i32
    %dma_start3A_165 = tpu.memref_slice %arg4[%dma_start3A_164] : memref<1048576xf32, #tpu.memory_space<hbm>> -> memref<4096xf32, #tpu.memory_space<hbm>>
    %dma_start3A_166 = arith.constant 24576 : i32
    %dma_start3A_167 = tpu.memref_slice %arg10[%dma_start3A_166] : memref<28672xf32, #tpu.memory_space<vmem>> -> memref<4096xf32, #tpu.memory_space<vmem>>
    %dma_start3A_168 = arith.constant 196608 : i32
    %dma_start3A_169 = tpu.memref_slice %arg4[%dma_start3A_168] : memref<1048576xf32, #tpu.memory_space<hbm>> -> memref<4096xf32, #tpu.memory_space<hbm>>
    tpu.enqueue_dma source(%dma_start3A_169 : memref<4096xf32, #tpu.memory_space<hbm>>) target(%dma_start3A_167 : memref<4096xf32, #tpu.memory_space<vmem>>) target_semaphore(%arg15 : memref<!tpu.dma_semaphore, #tpu.memory_space<semaphore_mem>>)
    %scan3A = arith.constant 0 : i32
    %scan3A_170 = arith.constant 0 : i32
    %scan3A_171 = arith.constant 32 : i32
    %scan3A_172 = arith.addi %scan3A_170, %scan3A_171 : i32
    %scan3A_173 = arith.constant 1 : i32
    %scan3A_174 = scf.for %scan3A_180 = %scan3A_170 to %scan3A_172 step %scan3A_173 iter_args(%scan3A_181 = %scan3A) -> (i32)  : i32 {
      %jit3A = arith.constant 7 : i32
      %eq3A = arith.constant 0 : i32
      %eq3A_182 = arith.cmpi eq, %jit3A, %eq3A : i32
      %jit3A_183 = arith.constant 1 : i32
      %select_n3A = arith.select %eq3A_182, %jit3A_183, %jit3A : i32
      %rem3A = arith.remsi %scan3A_180, %select_n3A : i32
      %ne3A = arith.constant 0 : i32
      %ne3A_184 = arith.cmpi ne, %rem3A, %ne3A : i32
      %lt3A = arith.constant 0 : i32
      %lt3A_185 = arith.cmpi slt, %rem3A, %lt3A : i32
      %lt3A_186 = arith.constant 0 : i32
      %lt3A_187 = arith.cmpi slt, %select_n3A, %lt3A_186 : i32
      %ne3A_188 = arith.xori %lt3A_185, %lt3A_187 : i1
      %and3A = arith.andi %ne3A_188, %ne3A_184 : i1
      %add3A_189 = arith.addi %rem3A, %select_n3A : i32
      %select_n3A_190 = arith.select %and3A, %add3A_189, %rem3A : i32
      %mul3A_191 = arith.constant 4096 : i32
      %mul3A_192 = arith.muli %select_n3A_190, %mul3A_191 : i32
      %mul3A_193 = arith.constant 32768 : i32
      %mul3A_194 = arith.muli %scan3A_180, %mul3A_193 : i32
      %dma_wait3A = tpu.memref_slice %arg8[%mul3A_192] : memref<28672xi32, #tpu.memory_space<vmem>> -> memref<4096xi32, #tpu.memory_space<vmem>>
      %dma_wait3A_195 = tpu.memref_slice %arg2[%mul3A_194] : memref<1048576xi32, #tpu.memory_space<hbm>> -> memref<4096xi32, #tpu.memory_space<hbm>>
      %dma_wait3A_196 = tpu.memref_slice %arg8[%mul3A_192] : memref<28672xi32, #tpu.memory_space<vmem>> -> memref<4096xi32, #tpu.memory_space<vmem>>
      %dma_wait3A_197 = tpu.memref_slice %arg2[%mul3A_194] : memref<1048576xi32, #tpu.memory_space<hbm>> -> memref<4096xi32, #tpu.memory_space<hbm>>
      tpu.wait_dma2 semaphore(%arg13 : memref<!tpu.dma_semaphore, #tpu.memory_space<semaphore_mem>>) src(%dma_wait3A_197 : memref<4096xi32, #tpu.memory_space<hbm>>) dst(%dma_wait3A_196 : memref<4096xi32, #tpu.memory_space<vmem>>)
      %dma_wait3A_198 = tpu.memref_slice %arg9[%mul3A_192] : memref<28672xf32, #tpu.memory_space<vmem>> -> memref<4096xf32, #tpu.memory_space<vmem>>
      %dma_wait3A_199 = tpu.memref_slice %arg3[%mul3A_194] : memref<1048576xf32, #tpu.memory_space<hbm>> -> memref<4096xf32, #tpu.memory_space<hbm>>
      %dma_wait3A_200 = tpu.memref_slice %arg9[%mul3A_192] : memref<28672xf32, #tpu.memory_space<vmem>> -> memref<4096xf32, #tpu.memory_space<vmem>>
      %dma_wait3A_201 = tpu.memref_slice %arg3[%mul3A_194] : memref<1048576xf32, #tpu.memory_space<hbm>> -> memref<4096xf32, #tpu.memory_space<hbm>>
      tpu.wait_dma2 semaphore(%arg14 : memref<!tpu.dma_semaphore, #tpu.memory_space<semaphore_mem>>) src(%dma_wait3A_201 : memref<4096xf32, #tpu.memory_space<hbm>>) dst(%dma_wait3A_200 : memref<4096xf32, #tpu.memory_space<vmem>>)
      %dma_wait3A_202 = tpu.memref_slice %arg10[%mul3A_192] : memref<28672xf32, #tpu.memory_space<vmem>> -> memref<4096xf32, #tpu.memory_space<vmem>>
      %dma_wait3A_203 = tpu.memref_slice %arg4[%mul3A_194] : memref<1048576xf32, #tpu.memory_space<hbm>> -> memref<4096xf32, #tpu.memory_space<hbm>>
      %dma_wait3A_204 = tpu.memref_slice %arg10[%mul3A_192] : memref<28672xf32, #tpu.memory_space<vmem>> -> memref<4096xf32, #tpu.memory_space<vmem>>
      %dma_wait3A_205 = tpu.memref_slice %arg4[%mul3A_194] : memref<1048576xf32, #tpu.memory_space<hbm>> -> memref<4096xf32, #tpu.memory_space<hbm>>
      tpu.wait_dma2 semaphore(%arg15 : memref<!tpu.dma_semaphore, #tpu.memory_space<semaphore_mem>>) src(%dma_wait3A_205 : memref<4096xf32, #tpu.memory_space<hbm>>) dst(%dma_wait3A_204 : memref<4096xf32, #tpu.memory_space<vmem>>)
      %mul3A_206 = arith.constant 16 : i32
      %mul3A_207 = arith.muli %scan3A_180, %mul3A_206 : i32
      %get3A = arith.index_cast %mul3A_207 : i32 to index
      %get3A_208 = tpu.vector_load %arg12[%get3A] {strides = array<i32>} : memref<512xi32, #tpu.memory_space<vmem>>, vector<16xi32>,
      %slice3A = vector.extract_strided_slice %get3A_208 {offsets = [0], sizes = [1], strides = [1]} : vector<16xi32> to vector<1xi32>
      %squeeze3A = vector.extract %slice3A[0] : i32 from vector<1xi32>
      %min3A = arith.constant 4096 : i32
      %min3A_209 = arith.minsi %squeeze3A, %min3A : i32
      %add3A_210 = arith.constant 15 : i32
      %add3A_211 = arith.addi %min3A_209, %add3A_210 : i32
      %jit3A_212 = arith.constant 16 : i32
      %div3A = arith.divsi %add3A_211, %jit3A_212 : i32
      %sign3A = arith.constant 0 : i32
      %sign3A_213 = arith.cmpi sgt, %add3A_211, %sign3A : i32
      %sign3A_214 = arith.extui %sign3A_213 : i1 to i32
      %sign3A_215 = arith.constant 0 : i32
      %sign3A_216 = arith.cmpi slt, %add3A_211, %sign3A_215 : i32
      %sign3A_217 = arith.extui %sign3A_216 : i1 to i32
      %sign3A_218 = arith.subi %sign3A_214, %sign3A_217 : i32
      %sign3A_219 = arith.constant 0 : i32
      %sign3A_220 = arith.cmpi sgt, %jit3A_212, %sign3A_219 : i32
      %sign3A_221 = arith.extui %sign3A_220 : i1 to i32
      %sign3A_222 = arith.constant 0 : i32
      %sign3A_223 = arith.cmpi slt, %jit3A_212, %sign3A_222 : i32
      %sign3A_224 = arith.extui %sign3A_223 : i1 to i32
      %sign3A_225 = arith.subi %sign3A_221, %sign3A_224 : i32
      %ne3A_226 = arith.cmpi ne, %sign3A_218, %sign3A_225 : i32
      %rem3A_227 = arith.remsi %add3A_211, %jit3A_212 : i32
      %ne3A_228 = arith.constant 0 : i32
      %ne3A_229 = arith.cmpi ne, %rem3A_227, %ne3A_228 : i32
      %and3A_230 = arith.andi %ne3A_226, %ne3A_229 : i1
      %sub3A = arith.constant 1 : i32
      %sub3A_231 = arith.subi %div3A, %sub3A : i32
      %select_n3A_232 = arith.select %and3A_230, %sub3A_231, %div3A : i32
      %while3A = arith.constant 0 : i32
      %while3A_233 = arith.constant 0 : i32
      %while3A_234 = arith.subi %select_n3A_232, %while3A : i32
      %while3A_235 = arith.addi %while3A, %while3A_234 : i32
      %while3A_236 = arith.constant 1 : i32
      %while3A_237 = arith.divsi %while3A_234, %while3A_236 : i32
      %while3A_238 = arith.muli %while3A_237, %while3A_236 : i32
      %while3A_239 = arith.addi %while3A, %while3A_238 : i32
      %while3A_240 = arith.constant 1 : i32
      %while3A_241 = scf.for %while3A_290 = %while3A to %while3A_239 step %while3A_240 iter_args(%while3A_291 = %while3A_233) -> (i32)  : i32 {
        %mul3A_292 = arith.constant 16 : i32
        %mul3A_293 = arith.muli %while3A_290, %mul3A_292 : i32
        %add3A_294 = arith.addi %mul3A_192, %mul3A_293 : i32
        %get3A_295 = arith.index_cast %add3A_294 : i32 to index
        %get3A_296 = tpu.vector_load %arg8[%get3A_295] {strides = array<i32>} : memref<28672xi32, #tpu.memory_space<vmem>>, vector<16xi32>,
        %sub3A_297 = vector.broadcast %mul3A_2 : i32 to vector<16xi32>
        %sub3A_298 = arith.subi %get3A_296, %sub3A_297 : vector<16xi32>
        %bitcast3A = vector.bitcast %sub3A_298 : vector<16xi32> to vector<16xi32>
        %lt3A_299 = arith.constant 16384 : i32
        %lt3A_300 = vector.broadcast %lt3A_299 : i32 to vector<16xi32>
        %lt3A_301 = arith.cmpi ult, %bitcast3A, %lt3A_300 : vector<16xi32>
        %mul3A_302 = arith.constant 16 : i32
        %mul3A_303 = arith.muli %while3A_290, %mul3A_302 : i32
        %add3A_304 = vector.broadcast %mul3A_303 : i32 to vector<16xi32>
        %add3A_305 = arith.addi %add3A_304, %iota3A : vector<16xi32>
        %lt3A_306 = vector.broadcast %min3A_209 : i32 to vector<16xi32>
        %lt3A_307 = arith.cmpi slt, %add3A_305, %lt3A_306 : vector<16xi32>
        %and3A_308 = arith.andi %lt3A_301, %lt3A_307 : vector<16xi1>
        %and3A_309 = arith.constant 1023 : i32
        %and3A_310 = vector.broadcast %and3A_309 : i32 to vector<16xi32>
        %and3A_311 = arith.andi %sub3A_298, %and3A_310 : vector<16xi32>
        %shift_right_arithmetic3A = arith.constant 10 : i32
        %shift_right_arithmetic3A_312 = vector.broadcast %shift_right_arithmetic3A : i32 to vector<16xi32>
        %shift_right_arithmetic3A_313 = arith.shrsi %sub3A_298, %shift_right_arithmetic3A_312 : vector<16xi32>
        %shift_left3A = arith.constant 11 : i32
        %shift_left3A_314 = vector.broadcast %shift_left3A : i32 to vector<16xi32>
        %shift_left3A_315 = arith.shli %shift_right_arithmetic3A_313, %shift_left3A_314 : vector<16xi32>
        %shift_right_arithmetic3A_316 = arith.constant 7 : i32
        %shift_right_arithmetic3A_317 = vector.broadcast %shift_right_arithmetic3A_316 : i32 to vector<16xi32>
        %shift_right_arithmetic3A_318 = arith.shrsi %and3A_311, %shift_right_arithmetic3A_317 : vector<16xi32>
        %shift_left3A_319 = arith.constant 8 : i32
        %shift_left3A_320 = vector.broadcast %shift_left3A_319 : i32 to vector<16xi32>
        %shift_left3A_321 = arith.shli %shift_right_arithmetic3A_318, %shift_left3A_320 : vector<16xi32>
        %add3A_322 = arith.addi %shift_left3A_315, %shift_left3A_321 : vector<16xi32>
        %and3A_323 = arith.constant 127 : i32
        %and3A_324 = vector.broadcast %and3A_323 : i32 to vector<16xi32>
        %and3A_325 = arith.andi %and3A_311, %and3A_324 : vector<16xi32>
        %add3A_326 = arith.addi %add3A_322, %and3A_325 : vector<16xi32>
        %get3A_327 = arith.index_cast %add3A_294 : i32 to index
        %get3A_328 = tpu.vector_load %arg9[%get3A_327] {strides = array<i32>} : memref<28672xf32, #tpu.memory_space<vmem>>, vector<16xf32>,
        %get3A_329 = arith.index_cast %add3A_294 : i32 to index
        %get3A_330 = tpu.vector_load %arg10[%get3A_329] {strides = array<i32>} : memref<28672xf32, #tpu.memory_space<vmem>>, vector<16xf32>,
        tpu.vector_store_idx %arg11[%add3A_326], %get3A_328 masked %and3A_308 : memref<32768xf32, #tpu.memory_space<vmem>>[vector<16xi32>], vector<16xf32>, vector<16xi1>
        %add3A_331 = arith.constant 128 : i32
        %add3A_332 = vector.broadcast %add3A_331 : i32 to vector<16xi32>
        %add3A_333 = arith.addi %add3A_326, %add3A_332 : vector<16xi32>
        tpu.vector_store_idx %arg11[%add3A_333], %get3A_330 masked %and3A_308 : memref<32768xf32, #tpu.memory_space<vmem>>[vector<16xi32>], vector<16xf32>, vector<16xi1>
        %while3A_334 = arith.constant 0 : i32
        scf.yield %while3A_334 : i32
      }
      %while3A_242 = arith.constant 1 : i32
      %while3A_243 = scf.for %while3A_290 = %while3A_239 to %while3A_235 step %while3A_242 iter_args(%while3A_291 = %while3A_241) -> (i32)  : i32 {
        %mul3A_292 = arith.constant 16 : i32
        %mul3A_293 = arith.muli %while3A_290, %mul3A_292 : i32
        %add3A_294 = arith.addi %mul3A_192, %mul3A_293 : i32
        %get3A_295 = arith.index_cast %add3A_294 : i32 to index
        %get3A_296 = tpu.vector_load %arg8[%get3A_295] {strides = array<i32>} : memref<28672xi32, #tpu.memory_space<vmem>>, vector<16xi32>,
        %sub3A_297 = vector.broadcast %mul3A_2 : i32 to vector<16xi32>
        %sub3A_298 = arith.subi %get3A_296, %sub3A_297 : vector<16xi32>
        %bitcast3A = vector.bitcast %sub3A_298 : vector<16xi32> to vector<16xi32>
        %lt3A_299 = arith.constant 16384 : i32
        %lt3A_300 = vector.broadcast %lt3A_299 : i32 to vector<16xi32>
        %lt3A_301 = arith.cmpi ult, %bitcast3A, %lt3A_300 : vector<16xi32>
        %mul3A_302 = arith.constant 16 : i32
        %mul3A_303 = arith.muli %while3A_290, %mul3A_302 : i32
        %add3A_304 = vector.broadcast %mul3A_303 : i32 to vector<16xi32>
        %add3A_305 = arith.addi %add3A_304, %iota3A : vector<16xi32>
        %lt3A_306 = vector.broadcast %min3A_209 : i32 to vector<16xi32>
        %lt3A_307 = arith.cmpi slt, %add3A_305, %lt3A_306 : vector<16xi32>
        %and3A_308 = arith.andi %lt3A_301, %lt3A_307 : vector<16xi1>
        %and3A_309 = arith.constant 1023 : i32
        %and3A_310 = vector.broadcast %and3A_309 : i32 to vector<16xi32>
        %and3A_311 = arith.andi %sub3A_298, %and3A_310 : vector<16xi32>
        %shift_right_arithmetic3A = arith.constant 10 : i32
        %shift_right_arithmetic3A_312 = vector.broadcast %shift_right_arithmetic3A : i32 to vector<16xi32>
        %shift_right_arithmetic3A_313 = arith.shrsi %sub3A_298, %shift_right_arithmetic3A_312 : vector<16xi32>
        %shift_left3A = arith.constant 11 : i32
        %shift_left3A_314 = vector.broadcast %shift_left3A : i32 to vector<16xi32>
        %shift_left3A_315 = arith.shli %shift_right_arithmetic3A_313, %shift_left3A_314 : vector<16xi32>
        %shift_right_arithmetic3A_316 = arith.constant 7 : i32
        %shift_right_arithmetic3A_317 = vector.broadcast %shift_right_arithmetic3A_316 : i32 to vector<16xi32>
        %shift_right_arithmetic3A_318 = arith.shrsi %and3A_311, %shift_right_arithmetic3A_317 : vector<16xi32>
        %shift_left3A_319 = arith.constant 8 : i32
        %shift_left3A_320 = vector.broadcast %shift_left3A_319 : i32 to vector<16xi32>
        %shift_left3A_321 = arith.shli %shift_right_arithmetic3A_318, %shift_left3A_320 : vector<16xi32>
        %add3A_322 = arith.addi %shift_left3A_315, %shift_left3A_321 : vector<16xi32>
        %and3A_323 = arith.constant 127 : i32
        %and3A_324 = vector.broadcast %and3A_323 : i32 to vector<16xi32>
        %and3A_325 = arith.andi %and3A_311, %and3A_324 : vector<16xi32>
        %add3A_326 = arith.addi %add3A_322, %and3A_325 : vector<16xi32>
        %get3A_327 = arith.index_cast %add3A_294 : i32 to index
        %get3A_328 = tpu.vector_load %arg9[%get3A_327] {strides = array<i32>} : memref<28672xf32, #tpu.memory_space<vmem>>, vector<16xf32>,
        %get3A_329 = arith.index_cast %add3A_294 : i32 to index
        %get3A_330 = tpu.vector_load %arg10[%get3A_329] {strides = array<i32>} : memref<28672xf32, #tpu.memory_space<vmem>>, vector<16xf32>,
        tpu.vector_store_idx %arg11[%add3A_326], %get3A_328 masked %and3A_308 : memref<32768xf32, #tpu.memory_space<vmem>>[vector<16xi32>], vector<16xf32>, vector<16xi1>
        %add3A_331 = arith.constant 128 : i32
        %add3A_332 = vector.broadcast %add3A_331 : i32 to vector<16xi32>
        %add3A_333 = arith.addi %add3A_326, %add3A_332 : vector<16xi32>
        tpu.vector_store_idx %arg11[%add3A_333], %get3A_330 masked %and3A_308 : memref<32768xf32, #tpu.memory_space<vmem>>[vector<16xi32>], vector<16xf32>, vector<16xi1>
        %while3A_334 = arith.constant 0 : i32
        scf.yield %while3A_334 : i32
      }
      %add3A_244 = arith.constant 4096 : i32
      %add3A_245 = arith.addi %squeeze3A, %add3A_244 : i32
      %sub3A_246 = arith.constant 1 : i32
      %sub3A_247 = arith.subi %add3A_245, %sub3A_246 : i32
      %jit3A_248 = arith.constant 4096 : i32
      %div3A_249 = arith.divsi %sub3A_247, %jit3A_248 : i32
      %sign3A_250 = arith.constant 0 : i32
      %sign3A_251 = arith.cmpi sgt, %sub3A_247, %sign3A_250 : i32
      %sign3A_252 = arith.extui %sign3A_251 : i1 to i32
      %sign3A_253 = arith.constant 0 : i32
      %sign3A_254 = arith.cmpi slt, %sub3A_247, %sign3A_253 : i32
      %sign3A_255 = arith.extui %sign3A_254 : i1 to i32
      %sign3A_256 = arith.subi %sign3A_252, %sign3A_255 : i32
      %sign3A_257 = arith.constant 0 : i32
      %sign3A_258 = arith.cmpi sgt, %jit3A_248, %sign3A_257 : i32
      %sign3A_259 = arith.extui %sign3A_258 : i1 to i32
      %sign3A_260 = arith.constant 0 : i32
      %sign3A_261 = arith.cmpi slt, %jit3A_248, %sign3A_260 : i32
      %sign3A_262 = arith.extui %sign3A_261 : i1 to i32
      %sign3A_263 = arith.subi %sign3A_259, %sign3A_262 : i32
      %ne3A_264 = arith.cmpi ne, %sign3A_256, %sign3A_263 : i32
      %rem3A_265 = arith.remsi %sub3A_247, %jit3A_248 : i32
      %ne3A_266 = arith.constant 0 : i32
      %ne3A_267 = arith.cmpi ne, %rem3A_265, %ne3A_266 : i32
      %and3A_268 = arith.andi %ne3A_264, %ne3A_267 : i1
      %sub3A_269 = arith.constant 1 : i32
      %sub3A_270 = arith.subi %div3A_249, %sub3A_269 : i32
      %select_n3A_271 = arith.select %and3A_268, %sub3A_270, %div3A_249 : i32
      %while3A_272 = arith.constant 1 : i32
      %while3A_273 = arith.constant 0 : i32
      %while3A_274 = arith.subi %select_n3A_271, %while3A_272 : i32
      %while3A_275 = arith.addi %while3A_272, %while3A_274 : i32
      %while3A_276 = arith.constant 1 : i32
      %while3A_277 = arith.divsi %while3A_274, %while3A_276 : i32
      %while3A_278 = arith.muli %while3A_277, %while3A_276 : i32
      %while3A_279 = arith.addi %while3A_272, %while3A_278 : i32
      %while3A_280 = arith.constant 1 : i32
      %while3A_281 = scf.for %while3A_290 = %while3A_272 to %while3A_279 step %while3A_280 iter_args(%while3A_291 = %while3A_273) -> (i32)  : i32 {
        %mul3A_292 = arith.constant 4096 : i32
        %mul3A_293 = arith.muli %while3A_290, %mul3A_292 : i32
        %add3A_294 = arith.addi %mul3A_194, %mul3A_293 : i32
        "tpu.region"() ({
          %run_scoped3A = tpu.sem_alloc : memref<!tpu.dma_semaphore, #tpu.memory_space<semaphore_mem>>
          %dma_start3A_339 = tpu.memref_slice %arg8[%mul3A_192] : memref<28672xi32, #tpu.memory_space<vmem>> -> memref<4096xi32, #tpu.memory_space<vmem>>
          %dma_start3A_340 = tpu.memref_slice %arg2[%add3A_294] : memref<1048576xi32, #tpu.memory_space<hbm>> -> memref<4096xi32, #tpu.memory_space<hbm>>
          %dma_start3A_341 = tpu.memref_slice %arg8[%mul3A_192] : memref<28672xi32, #tpu.memory_space<vmem>> -> memref<4096xi32, #tpu.memory_space<vmem>>
          %dma_start3A_342 = tpu.memref_slice %arg2[%add3A_294] : memref<1048576xi32, #tpu.memory_space<hbm>> -> memref<4096xi32, #tpu.memory_space<hbm>>
          tpu.enqueue_dma source(%dma_start3A_342 : memref<4096xi32, #tpu.memory_space<hbm>>) target(%dma_start3A_341 : memref<4096xi32, #tpu.memory_space<vmem>>) target_semaphore(%run_scoped3A : memref<!tpu.dma_semaphore, #tpu.memory_space<semaphore_mem>>)
          %dma_wait3A_343 = tpu.memref_slice %arg8[%mul3A_192] : memref<28672xi32, #tpu.memory_space<vmem>> -> memref<4096xi32, #tpu.memory_space<vmem>>
          %dma_wait3A_344 = tpu.memref_slice %arg2[%add3A_294] : memref<1048576xi32, #tpu.memory_space<hbm>> -> memref<4096xi32, #tpu.memory_space<hbm>>
          %dma_wait3A_345 = tpu.memref_slice %arg8[%mul3A_192] : memref<28672xi32, #tpu.memory_space<vmem>> -> memref<4096xi32, #tpu.memory_space<vmem>>
          %dma_wait3A_346 = tpu.memref_slice %arg2[%add3A_294] : memref<1048576xi32, #tpu.memory_space<hbm>> -> memref<4096xi32, #tpu.memory_space<hbm>>
          tpu.wait_dma2 semaphore(%run_scoped3A : memref<!tpu.dma_semaphore, #tpu.memory_space<semaphore_mem>>) src(%dma_wait3A_346 : memref<4096xi32, #tpu.memory_space<hbm>>) dst(%dma_wait3A_345 : memref<4096xi32, #tpu.memory_space<vmem>>)
          tpu.yield
        }) : () -> ()
        "tpu.region"() ({
          %run_scoped3A = tpu.sem_alloc : memref<!tpu.dma_semaphore, #tpu.memory_space<semaphore_mem>>
          %dma_start3A_339 = tpu.memref_slice %arg9[%mul3A_192] : memref<28672xf32, #tpu.memory_space<vmem>> -> memref<4096xf32, #tpu.memory_space<vmem>>
          %dma_start3A_340 = tpu.memref_slice %arg3[%add3A_294] : memref<1048576xf32, #tpu.memory_space<hbm>> -> memref<4096xf32, #tpu.memory_space<hbm>>
          %dma_start3A_341 = tpu.memref_slice %arg9[%mul3A_192] : memref<28672xf32, #tpu.memory_space<vmem>> -> memref<4096xf32, #tpu.memory_space<vmem>>
          %dma_start3A_342 = tpu.memref_slice %arg3[%add3A_294] : memref<1048576xf32, #tpu.memory_space<hbm>> -> memref<4096xf32, #tpu.memory_space<hbm>>
          tpu.enqueue_dma source(%dma_start3A_342 : memref<4096xf32, #tpu.memory_space<hbm>>) target(%dma_start3A_341 : memref<4096xf32, #tpu.memory_space<vmem>>) target_semaphore(%run_scoped3A : memref<!tpu.dma_semaphore, #tpu.memory_space<semaphore_mem>>)
          %dma_wait3A_343 = tpu.memref_slice %arg9[%mul3A_192] : memref<28672xf32, #tpu.memory_space<vmem>> -> memref<4096xf32, #tpu.memory_space<vmem>>
          %dma_wait3A_344 = tpu.memref_slice %arg3[%add3A_294] : memref<1048576xf32, #tpu.memory_space<hbm>> -> memref<4096xf32, #tpu.memory_space<hbm>>
          %dma_wait3A_345 = tpu.memref_slice %arg9[%mul3A_192] : memref<28672xf32, #tpu.memory_space<vmem>> -> memref<4096xf32, #tpu.memory_space<vmem>>
          %dma_wait3A_346 = tpu.memref_slice %arg3[%add3A_294] : memref<1048576xf32, #tpu.memory_space<hbm>> -> memref<4096xf32, #tpu.memory_space<hbm>>
          tpu.wait_dma2 semaphore(%run_scoped3A : memref<!tpu.dma_semaphore, #tpu.memory_space<semaphore_mem>>) src(%dma_wait3A_346 : memref<4096xf32, #tpu.memory_space<hbm>>) dst(%dma_wait3A_345 : memref<4096xf32, #tpu.memory_space<vmem>>)
          tpu.yield
        }) : () -> ()
        "tpu.region"() ({
          %run_scoped3A = tpu.sem_alloc : memref<!tpu.dma_semaphore, #tpu.memory_space<semaphore_mem>>
          %dma_start3A_339 = tpu.memref_slice %arg10[%mul3A_192] : memref<28672xf32, #tpu.memory_space<vmem>> -> memref<4096xf32, #tpu.memory_space<vmem>>
          %dma_start3A_340 = tpu.memref_slice %arg4[%add3A_294] : memref<1048576xf32, #tpu.memory_space<hbm>> -> memref<4096xf32, #tpu.memory_space<hbm>>
          %dma_start3A_341 = tpu.memref_slice %arg10[%mul3A_192] : memref<28672xf32, #tpu.memory_space<vmem>> -> memref<4096xf32, #tpu.memory_space<vmem>>
          %dma_start3A_342 = tpu.memref_slice %arg4[%add3A_294] : memref<1048576xf32, #tpu.memory_space<hbm>> -> memref<4096xf32, #tpu.memory_space<hbm>>
          tpu.enqueue_dma source(%dma_start3A_342 : memref<4096xf32, #tpu.memory_space<hbm>>) target(%dma_start3A_341 : memref<4096xf32, #tpu.memory_space<vmem>>) target_semaphore(%run_scoped3A : memref<!tpu.dma_semaphore, #tpu.memory_space<semaphore_mem>>)
          %dma_wait3A_343 = tpu.memref_slice %arg10[%mul3A_192] : memref<28672xf32, #tpu.memory_space<vmem>> -> memref<4096xf32, #tpu.memory_space<vmem>>
          %dma_wait3A_344 = tpu.memref_slice %arg4[%add3A_294] : memref<1048576xf32, #tpu.memory_space<hbm>> -> memref<4096xf32, #tpu.memory_space<hbm>>
          %dma_wait3A_345 = tpu.memref_slice %arg10[%mul3A_192] : memref<28672xf32, #tpu.memory_space<vmem>> -> memref<4096xf32, #tpu.memory_space<vmem>>
          %dma_wait3A_346 = tpu.memref_slice %arg4[%add3A_294] : memref<1048576xf32, #tpu.memory_space<hbm>> -> memref<4096xf32, #tpu.memory_space<hbm>>
          tpu.wait_dma2 semaphore(%run_scoped3A : memref<!tpu.dma_semaphore, #tpu.memory_space<semaphore_mem>>) src(%dma_wait3A_346 : memref<4096xf32, #tpu.memory_space<hbm>>) dst(%dma_wait3A_345 : memref<4096xf32, #tpu.memory_space<vmem>>)
          tpu.yield
        }) : () -> ()
        %mul3A_295 = arith.constant 4096 : i32
        %mul3A_296 = arith.muli %while3A_290, %mul3A_295 : i32
        %sub3A_297 = arith.subi %squeeze3A, %mul3A_296 : i32
        %min3A_298 = arith.constant 4096 : i32
        %min3A_299 = arith.minsi %sub3A_297, %min3A_298 : i32
        %add3A_300 = arith.constant 15 : i32
        %add3A_301 = arith.addi %min3A_299, %add3A_300 : i32
        %jit3A_302 = arith.constant 16 : i32
        %div3A_303 = arith.divsi %add3A_301, %jit3A_302 : i32
        %sign3A_304 = arith.constant 0 : i32
        %sign3A_305 = arith.cmpi sgt, %add3A_301, %sign3A_304 : i32
        %sign3A_306 = arith.extui %sign3A_305 : i1 to i32
        %sign3A_307 = arith.constant 0 : i32
        %sign3A_308 = arith.cmpi slt, %add3A_301, %sign3A_307 : i32
        %sign3A_309 = arith.extui %sign3A_308 : i1 to i32
        %sign3A_310 = arith.subi %sign3A_306, %sign3A_309 : i32
        %sign3A_311 = arith.constant 0 : i32
        %sign3A_312 = arith.cmpi sgt, %jit3A_302, %sign3A_311 : i32
        %sign3A_313 = arith.extui %sign3A_312 : i1 to i32
        %sign3A_314 = arith.constant 0 : i32
        %sign3A_315 = arith.cmpi slt, %jit3A_302, %sign3A_314 : i32
        %sign3A_316 = arith.extui %sign3A_315 : i1 to i32
        %sign3A_317 = arith.subi %sign3A_313, %sign3A_316 : i32
        %ne3A_318 = arith.cmpi ne, %sign3A_310, %sign3A_317 : i32
        %rem3A_319 = arith.remsi %add3A_301, %jit3A_302 : i32
        %ne3A_320 = arith.constant 0 : i32
        %ne3A_321 = arith.cmpi ne, %rem3A_319, %ne3A_320 : i32
        %and3A_322 = arith.andi %ne3A_318, %ne3A_321 : i1
        %sub3A_323 = arith.constant 1 : i32
        %sub3A_324 = arith.subi %div3A_303, %sub3A_323 : i32
        %select_n3A_325 = arith.select %and3A_322, %sub3A_324, %div3A_303 : i32
        %while3A_326 = arith.constant 0 : i32
        %while3A_327 = arith.constant 0 : i32
        %while3A_328 = arith.subi %select_n3A_325, %while3A_326 : i32
        %while3A_329 = arith.addi %while3A_326, %while3A_328 : i32
        %while3A_330 = arith.constant 1 : i32
        %while3A_331 = arith.divsi %while3A_328, %while3A_330 : i32
        %while3A_332 = arith.muli %while3A_331, %while3A_330 : i32
        %while3A_333 = arith.addi %while3A_326, %while3A_332 : i32
        %while3A_334 = arith.constant 1 : i32
        %while3A_335 = scf.for %while3A_339 = %while3A_326 to %while3A_333 step %while3A_334 iter_args(%while3A_340 = %while3A_327) -> (i32)  : i32 {
          %mul3A_341 = arith.constant 16 : i32
          %mul3A_342 = arith.muli %while3A_339, %mul3A_341 : i32
          %add3A_343 = arith.addi %mul3A_192, %mul3A_342 : i32
          %get3A_344 = arith.index_cast %add3A_343 : i32 to index
          %get3A_345 = tpu.vector_load %arg8[%get3A_344] {strides = array<i32>} : memref<28672xi32, #tpu.memory_space<vmem>>, vector<16xi32>,
          %sub3A_346 = vector.broadcast %mul3A_2 : i32 to vector<16xi32>
          %sub3A_347 = arith.subi %get3A_345, %sub3A_346 : vector<16xi32>
          %bitcast3A = vector.bitcast %sub3A_347 : vector<16xi32> to vector<16xi32>
          %lt3A_348 = arith.constant 16384 : i32
          %lt3A_349 = vector.broadcast %lt3A_348 : i32 to vector<16xi32>
          %lt3A_350 = arith.cmpi ult, %bitcast3A, %lt3A_349 : vector<16xi32>
          %mul3A_351 = arith.constant 16 : i32
          %mul3A_352 = arith.muli %while3A_339, %mul3A_351 : i32
          %add3A_353 = vector.broadcast %mul3A_352 : i32 to vector<16xi32>
          %add3A_354 = arith.addi %add3A_353, %iota3A : vector<16xi32>
          %lt3A_355 = vector.broadcast %min3A_299 : i32 to vector<16xi32>
          %lt3A_356 = arith.cmpi slt, %add3A_354, %lt3A_355 : vector<16xi32>
          %and3A_357 = arith.andi %lt3A_350, %lt3A_356 : vector<16xi1>
          %and3A_358 = arith.constant 1023 : i32
          %and3A_359 = vector.broadcast %and3A_358 : i32 to vector<16xi32>
          %and3A_360 = arith.andi %sub3A_347, %and3A_359 : vector<16xi32>
          %shift_right_arithmetic3A = arith.constant 10 : i32
          %shift_right_arithmetic3A_361 = vector.broadcast %shift_right_arithmetic3A : i32 to vector<16xi32>
          %shift_right_arithmetic3A_362 = arith.shrsi %sub3A_347, %shift_right_arithmetic3A_361 : vector<16xi32>
          %shift_left3A = arith.constant 11 : i32
          %shift_left3A_363 = vector.broadcast %shift_left3A : i32 to vector<16xi32>
          %shift_left3A_364 = arith.shli %shift_right_arithmetic3A_362, %shift_left3A_363 : vector<16xi32>
          %shift_right_arithmetic3A_365 = arith.constant 7 : i32
          %shift_right_arithmetic3A_366 = vector.broadcast %shift_right_arithmetic3A_365 : i32 to vector<16xi32>
          %shift_right_arithmetic3A_367 = arith.shrsi %and3A_360, %shift_right_arithmetic3A_366 : vector<16xi32>
          %shift_left3A_368 = arith.constant 8 : i32
          %shift_left3A_369 = vector.broadcast %shift_left3A_368 : i32 to vector<16xi32>
          %shift_left3A_370 = arith.shli %shift_right_arithmetic3A_367, %shift_left3A_369 : vector<16xi32>
          %add3A_371 = arith.addi %shift_left3A_364, %shift_left3A_370 : vector<16xi32>
          %and3A_372 = arith.constant 127 : i32
          %and3A_373 = vector.broadcast %and3A_372 : i32 to vector<16xi32>
          %and3A_374 = arith.andi %and3A_360, %and3A_373 : vector<16xi32>
          %add3A_375 = arith.addi %add3A_371, %and3A_374 : vector<16xi32>
          %get3A_376 = arith.index_cast %add3A_343 : i32 to index
          %get3A_377 = tpu.vector_load %arg9[%get3A_376] {strides = array<i32>} : memref<28672xf32, #tpu.memory_space<vmem>>, vector<16xf32>,
          %get3A_378 = arith.index_cast %add3A_343 : i32 to index
          %get3A_379 = tpu.vector_load %arg10[%get3A_378] {strides = array<i32>} : memref<28672xf32, #tpu.memory_space<vmem>>, vector<16xf32>,
          tpu.vector_store_idx %arg11[%add3A_375], %get3A_377 masked %and3A_357 : memref<32768xf32, #tpu.memory_space<vmem>>[vector<16xi32>], vector<16xf32>, vector<16xi1>
          %add3A_380 = arith.constant 128 : i32
          %add3A_381 = vector.broadcast %add3A_380 : i32 to vector<16xi32>
          %add3A_382 = arith.addi %add3A_375, %add3A_381 : vector<16xi32>
          tpu.vector_store_idx %arg11[%add3A_382], %get3A_379 masked %and3A_357 : memref<32768xf32, #tpu.memory_space<vmem>>[vector<16xi32>], vector<16xf32>, vector<16xi1>
          %while3A_383 = arith.constant 0 : i32
          scf.yield %while3A_383 : i32
        }
        %while3A_336 = arith.constant 1 : i32
        %while3A_337 = scf.for %while3A_339 = %while3A_333 to %while3A_329 step %while3A_336 iter_args(%while3A_340 = %while3A_335) -> (i32)  : i32 {
          %mul3A_341 = arith.constant 16 : i32
          %mul3A_342 = arith.muli %while3A_339, %mul3A_341 : i32
          %add3A_343 = arith.addi %mul3A_192, %mul3A_342 : i32
          %get3A_344 = arith.index_cast %add3A_343 : i32 to index
          %get3A_345 = tpu.vector_load %arg8[%get3A_344] {strides = array<i32>} : memref<28672xi32, #tpu.memory_space<vmem>>, vector<16xi32>,
          %sub3A_346 = vector.broadcast %mul3A_2 : i32 to vector<16xi32>
          %sub3A_347 = arith.subi %get3A_345, %sub3A_346 : vector<16xi32>
          %bitcast3A = vector.bitcast %sub3A_347 : vector<16xi32> to vector<16xi32>
          %lt3A_348 = arith.constant 16384 : i32
          %lt3A_349 = vector.broadcast %lt3A_348 : i32 to vector<16xi32>
          %lt3A_350 = arith.cmpi ult, %bitcast3A, %lt3A_349 : vector<16xi32>
          %mul3A_351 = arith.constant 16 : i32
          %mul3A_352 = arith.muli %while3A_339, %mul3A_351 : i32
          %add3A_353 = vector.broadcast %mul3A_352 : i32 to vector<16xi32>
          %add3A_354 = arith.addi %add3A_353, %iota3A : vector<16xi32>
          %lt3A_355 = vector.broadcast %min3A_299 : i32 to vector<16xi32>
          %lt3A_356 = arith.cmpi slt, %add3A_354, %lt3A_355 : vector<16xi32>
          %and3A_357 = arith.andi %lt3A_350, %lt3A_356 : vector<16xi1>
          %and3A_358 = arith.constant 1023 : i32
          %and3A_359 = vector.broadcast %and3A_358 : i32 to vector<16xi32>
          %and3A_360 = arith.andi %sub3A_347, %and3A_359 : vector<16xi32>
          %shift_right_arithmetic3A = arith.constant 10 : i32
          %shift_right_arithmetic3A_361 = vector.broadcast %shift_right_arithmetic3A : i32 to vector<16xi32>
          %shift_right_arithmetic3A_362 = arith.shrsi %sub3A_347, %shift_right_arithmetic3A_361 : vector<16xi32>
          %shift_left3A = arith.constant 11 : i32
          %shift_left3A_363 = vector.broadcast %shift_left3A : i32 to vector<16xi32>
          %shift_left3A_364 = arith.shli %shift_right_arithmetic3A_362, %shift_left3A_363 : vector<16xi32>
          %shift_right_arithmetic3A_365 = arith.constant 7 : i32
          %shift_right_arithmetic3A_366 = vector.broadcast %shift_right_arithmetic3A_365 : i32 to vector<16xi32>
          %shift_right_arithmetic3A_367 = arith.shrsi %and3A_360, %shift_right_arithmetic3A_366 : vector<16xi32>
          %shift_left3A_368 = arith.constant 8 : i32
          %shift_left3A_369 = vector.broadcast %shift_left3A_368 : i32 to vector<16xi32>
          %shift_left3A_370 = arith.shli %shift_right_arithmetic3A_367, %shift_left3A_369 : vector<16xi32>
          %add3A_371 = arith.addi %shift_left3A_364, %shift_left3A_370 : vector<16xi32>
          %and3A_372 = arith.constant 127 : i32
          %and3A_373 = vector.broadcast %and3A_372 : i32 to vector<16xi32>
          %and3A_374 = arith.andi %and3A_360, %and3A_373 : vector<16xi32>
          %add3A_375 = arith.addi %add3A_371, %and3A_374 : vector<16xi32>
          %get3A_376 = arith.index_cast %add3A_343 : i32 to index
          %get3A_377 = tpu.vector_load %arg9[%get3A_376] {strides = array<i32>} : memref<28672xf32, #tpu.memory_space<vmem>>, vector<16xf32>,
          %get3A_378 = arith.index_cast %add3A_343 : i32 to index
          %get3A_379 = tpu.vector_load %arg10[%get3A_378] {strides = array<i32>} : memref<28672xf32, #tpu.memory_space<vmem>>, vector<16xf32>,
          tpu.vector_store_idx %arg11[%add3A_375], %get3A_377 masked %and3A_357 : memref<32768xf32, #tpu.memory_space<vmem>>[vector<16xi32>], vector<16xf32>, vector<16xi1>
          %add3A_380 = arith.constant 128 : i32
          %add3A_381 = vector.broadcast %add3A_380 : i32 to vector<16xi32>
          %add3A_382 = arith.addi %add3A_375, %add3A_381 : vector<16xi32>
          tpu.vector_store_idx %arg11[%add3A_382], %get3A_379 masked %and3A_357 : memref<32768xf32, #tpu.memory_space<vmem>>[vector<16xi32>], vector<16xf32>, vector<16xi1>
          %while3A_383 = arith.constant 0 : i32
          scf.yield %while3A_383 : i32
        }
        %while3A_338 = arith.constant 0 : i32
        scf.yield %while3A_338 : i32
      }
      %while3A_282 = arith.constant 1 : i32
      %while3A_283 = scf.for %while3A_290 = %while3A_279 to %while3A_275 step %while3A_282 iter_args(%while3A_291 = %while3A_281) -> (i32)  : i32 {
        %mul3A_292 = arith.constant 4096 : i32
        %mul3A_293 = arith.muli %while3A_290, %mul3A_292 : i32
        %add3A_294 = arith.addi %mul3A_194, %mul3A_293 : i32
        "tpu.region"() ({
          %run_scoped3A = tpu.sem_alloc : memref<!tpu.dma_semaphore, #tpu.memory_space<semaphore_mem>>
          %dma_start3A_339 = tpu.memref_slice %arg8[%mul3A_192] : memref<28672xi32, #tpu.memory_space<vmem>> -> memref<4096xi32, #tpu.memory_space<vmem>>
          %dma_start3A_340 = tpu.memref_slice %arg2[%add3A_294] : memref<1048576xi32, #tpu.memory_space<hbm>> -> memref<4096xi32, #tpu.memory_space<hbm>>
          %dma_start3A_341 = tpu.memref_slice %arg8[%mul3A_192] : memref<28672xi32, #tpu.memory_space<vmem>> -> memref<4096xi32, #tpu.memory_space<vmem>>
          %dma_start3A_342 = tpu.memref_slice %arg2[%add3A_294] : memref<1048576xi32, #tpu.memory_space<hbm>> -> memref<4096xi32, #tpu.memory_space<hbm>>
          tpu.enqueue_dma source(%dma_start3A_342 : memref<4096xi32, #tpu.memory_space<hbm>>) target(%dma_start3A_341 : memref<4096xi32, #tpu.memory_space<vmem>>) target_semaphore(%run_scoped3A : memref<!tpu.dma_semaphore, #tpu.memory_space<semaphore_mem>>)
          %dma_wait3A_343 = tpu.memref_slice %arg8[%mul3A_192] : memref<28672xi32, #tpu.memory_space<vmem>> -> memref<4096xi32, #tpu.memory_space<vmem>>
          %dma_wait3A_344 = tpu.memref_slice %arg2[%add3A_294] : memref<1048576xi32, #tpu.memory_space<hbm>> -> memref<4096xi32, #tpu.memory_space<hbm>>
          %dma_wait3A_345 = tpu.memref_slice %arg8[%mul3A_192] : memref<28672xi32, #tpu.memory_space<vmem>> -> memref<4096xi32, #tpu.memory_space<vmem>>
          %dma_wait3A_346 = tpu.memref_slice %arg2[%add3A_294] : memref<1048576xi32, #tpu.memory_space<hbm>> -> memref<4096xi32, #tpu.memory_space<hbm>>
          tpu.wait_dma2 semaphore(%run_scoped3A : memref<!tpu.dma_semaphore, #tpu.memory_space<semaphore_mem>>) src(%dma_wait3A_346 : memref<4096xi32, #tpu.memory_space<hbm>>) dst(%dma_wait3A_345 : memref<4096xi32, #tpu.memory_space<vmem>>)
          tpu.yield
        }) : () -> ()
        "tpu.region"() ({
          %run_scoped3A = tpu.sem_alloc : memref<!tpu.dma_semaphore, #tpu.memory_space<semaphore_mem>>
          %dma_start3A_339 = tpu.memref_slice %arg9[%mul3A_192] : memref<28672xf32, #tpu.memory_space<vmem>> -> memref<4096xf32, #tpu.memory_space<vmem>>
          %dma_start3A_340 = tpu.memref_slice %arg3[%add3A_294] : memref<1048576xf32, #tpu.memory_space<hbm>> -> memref<4096xf32, #tpu.memory_space<hbm>>
          %dma_start3A_341 = tpu.memref_slice %arg9[%mul3A_192] : memref<28672xf32, #tpu.memory_space<vmem>> -> memref<4096xf32, #tpu.memory_space<vmem>>
          %dma_start3A_342 = tpu.memref_slice %arg3[%add3A_294] : memref<1048576xf32, #tpu.memory_space<hbm>> -> memref<4096xf32, #tpu.memory_space<hbm>>
          tpu.enqueue_dma source(%dma_start3A_342 : memref<4096xf32, #tpu.memory_space<hbm>>) target(%dma_start3A_341 : memref<4096xf32, #tpu.memory_space<vmem>>) target_semaphore(%run_scoped3A : memref<!tpu.dma_semaphore, #tpu.memory_space<semaphore_mem>>)
          %dma_wait3A_343 = tpu.memref_slice %arg9[%mul3A_192] : memref<28672xf32, #tpu.memory_space<vmem>> -> memref<4096xf32, #tpu.memory_space<vmem>>
          %dma_wait3A_344 = tpu.memref_slice %arg3[%add3A_294] : memref<1048576xf32, #tpu.memory_space<hbm>> -> memref<4096xf32, #tpu.memory_space<hbm>>
          %dma_wait3A_345 = tpu.memref_slice %arg9[%mul3A_192] : memref<28672xf32, #tpu.memory_space<vmem>> -> memref<4096xf32, #tpu.memory_space<vmem>>
          %dma_wait3A_346 = tpu.memref_slice %arg3[%add3A_294] : memref<1048576xf32, #tpu.memory_space<hbm>> -> memref<4096xf32, #tpu.memory_space<hbm>>
          tpu.wait_dma2 semaphore(%run_scoped3A : memref<!tpu.dma_semaphore, #tpu.memory_space<semaphore_mem>>) src(%dma_wait3A_346 : memref<4096xf32, #tpu.memory_space<hbm>>) dst(%dma_wait3A_345 : memref<4096xf32, #tpu.memory_space<vmem>>)
          tpu.yield
        }) : () -> ()
        "tpu.region"() ({
          %run_scoped3A = tpu.sem_alloc : memref<!tpu.dma_semaphore, #tpu.memory_space<semaphore_mem>>
          %dma_start3A_339 = tpu.memref_slice %arg10[%mul3A_192] : memref<28672xf32, #tpu.memory_space<vmem>> -> memref<4096xf32, #tpu.memory_space<vmem>>
          %dma_start3A_340 = tpu.memref_slice %arg4[%add3A_294] : memref<1048576xf32, #tpu.memory_space<hbm>> -> memref<4096xf32, #tpu.memory_space<hbm>>
          %dma_start3A_341 = tpu.memref_slice %arg10[%mul3A_192] : memref<28672xf32, #tpu.memory_space<vmem>> -> memref<4096xf32, #tpu.memory_space<vmem>>
          %dma_start3A_342 = tpu.memref_slice %arg4[%add3A_294] : memref<1048576xf32, #tpu.memory_space<hbm>> -> memref<4096xf32, #tpu.memory_space<hbm>>
          tpu.enqueue_dma source(%dma_start3A_342 : memref<4096xf32, #tpu.memory_space<hbm>>) target(%dma_start3A_341 : memref<4096xf32, #tpu.memory_space<vmem>>) target_semaphore(%run_scoped3A : memref<!tpu.dma_semaphore, #tpu.memory_space<semaphore_mem>>)
          %dma_wait3A_343 = tpu.memref_slice %arg10[%mul3A_192] : memref<28672xf32, #tpu.memory_space<vmem>> -> memref<4096xf32, #tpu.memory_space<vmem>>
          %dma_wait3A_344 = tpu.memref_slice %arg4[%add3A_294] : memref<1048576xf32, #tpu.memory_space<hbm>> -> memref<4096xf32, #tpu.memory_space<hbm>>
          %dma_wait3A_345 = tpu.memref_slice %arg10[%mul3A_192] : memref<28672xf32, #tpu.memory_space<vmem>> -> memref<4096xf32, #tpu.memory_space<vmem>>
          %dma_wait3A_346 = tpu.memref_slice %arg4[%add3A_294] : memref<1048576xf32, #tpu.memory_space<hbm>> -> memref<4096xf32, #tpu.memory_space<hbm>>
          tpu.wait_dma2 semaphore(%run_scoped3A : memref<!tpu.dma_semaphore, #tpu.memory_space<semaphore_mem>>) src(%dma_wait3A_346 : memref<4096xf32, #tpu.memory_space<hbm>>) dst(%dma_wait3A_345 : memref<4096xf32, #tpu.memory_space<vmem>>)
          tpu.yield
        }) : () -> ()
        %mul3A_295 = arith.constant 4096 : i32
        %mul3A_296 = arith.muli %while3A_290, %mul3A_295 : i32
        %sub3A_297 = arith.subi %squeeze3A, %mul3A_296 : i32
        %min3A_298 = arith.constant 4096 : i32
        %min3A_299 = arith.minsi %sub3A_297, %min3A_298 : i32
        %add3A_300 = arith.constant 15 : i32
        %add3A_301 = arith.addi %min3A_299, %add3A_300 : i32
        %jit3A_302 = arith.constant 16 : i32
        %div3A_303 = arith.divsi %add3A_301, %jit3A_302 : i32
        %sign3A_304 = arith.constant 0 : i32
        %sign3A_305 = arith.cmpi sgt, %add3A_301, %sign3A_304 : i32
        %sign3A_306 = arith.extui %sign3A_305 : i1 to i32
        %sign3A_307 = arith.constant 0 : i32
        %sign3A_308 = arith.cmpi slt, %add3A_301, %sign3A_307 : i32
        %sign3A_309 = arith.extui %sign3A_308 : i1 to i32
        %sign3A_310 = arith.subi %sign3A_306, %sign3A_309 : i32
        %sign3A_311 = arith.constant 0 : i32
        %sign3A_312 = arith.cmpi sgt, %jit3A_302, %sign3A_311 : i32
        %sign3A_313 = arith.extui %sign3A_312 : i1 to i32
        %sign3A_314 = arith.constant 0 : i32
        %sign3A_315 = arith.cmpi slt, %jit3A_302, %sign3A_314 : i32
        %sign3A_316 = arith.extui %sign3A_315 : i1 to i32
        %sign3A_317 = arith.subi %sign3A_313, %sign3A_316 : i32
        %ne3A_318 = arith.cmpi ne, %sign3A_310, %sign3A_317 : i32
        %rem3A_319 = arith.remsi %add3A_301, %jit3A_302 : i32
        %ne3A_320 = arith.constant 0 : i32
        %ne3A_321 = arith.cmpi ne, %rem3A_319, %ne3A_320 : i32
        %and3A_322 = arith.andi %ne3A_318, %ne3A_321 : i1
        %sub3A_323 = arith.constant 1 : i32
        %sub3A_324 = arith.subi %div3A_303, %sub3A_323 : i32
        %select_n3A_325 = arith.select %and3A_322, %sub3A_324, %div3A_303 : i32
        %while3A_326 = arith.constant 0 : i32
        %while3A_327 = arith.constant 0 : i32
        %while3A_328 = arith.subi %select_n3A_325, %while3A_326 : i32
        %while3A_329 = arith.addi %while3A_326, %while3A_328 : i32
        %while3A_330 = arith.constant 1 : i32
        %while3A_331 = arith.divsi %while3A_328, %while3A_330 : i32
        %while3A_332 = arith.muli %while3A_331, %while3A_330 : i32
        %while3A_333 = arith.addi %while3A_326, %while3A_332 : i32
        %while3A_334 = arith.constant 1 : i32
        %while3A_335 = scf.for %while3A_339 = %while3A_326 to %while3A_333 step %while3A_334 iter_args(%while3A_340 = %while3A_327) -> (i32)  : i32 {
          %mul3A_341 = arith.constant 16 : i32
          %mul3A_342 = arith.muli %while3A_339, %mul3A_341 : i32
          %add3A_343 = arith.addi %mul3A_192, %mul3A_342 : i32
          %get3A_344 = arith.index_cast %add3A_343 : i32 to index
          %get3A_345 = tpu.vector_load %arg8[%get3A_344] {strides = array<i32>} : memref<28672xi32, #tpu.memory_space<vmem>>, vector<16xi32>,
          %sub3A_346 = vector.broadcast %mul3A_2 : i32 to vector<16xi32>
          %sub3A_347 = arith.subi %get3A_345, %sub3A_346 : vector<16xi32>
          %bitcast3A = vector.bitcast %sub3A_347 : vector<16xi32> to vector<16xi32>
          %lt3A_348 = arith.constant 16384 : i32
          %lt3A_349 = vector.broadcast %lt3A_348 : i32 to vector<16xi32>
          %lt3A_350 = arith.cmpi ult, %bitcast3A, %lt3A_349 : vector<16xi32>
          %mul3A_351 = arith.constant 16 : i32
          %mul3A_352 = arith.muli %while3A_339, %mul3A_351 : i32
          %add3A_353 = vector.broadcast %mul3A_352 : i32 to vector<16xi32>
          %add3A_354 = arith.addi %add3A_353, %iota3A : vector<16xi32>
          %lt3A_355 = vector.broadcast %min3A_299 : i32 to vector<16xi32>
          %lt3A_356 = arith.cmpi slt, %add3A_354, %lt3A_355 : vector<16xi32>
          %and3A_357 = arith.andi %lt3A_350, %lt3A_356 : vector<16xi1>
          %and3A_358 = arith.constant 1023 : i32
          %and3A_359 = vector.broadcast %and3A_358 : i32 to vector<16xi32>
          %and3A_360 = arith.andi %sub3A_347, %and3A_359 : vector<16xi32>
          %shift_right_arithmetic3A = arith.constant 10 : i32
          %shift_right_arithmetic3A_361 = vector.broadcast %shift_right_arithmetic3A : i32 to vector<16xi32>
          %shift_right_arithmetic3A_362 = arith.shrsi %sub3A_347, %shift_right_arithmetic3A_361 : vector<16xi32>
          %shift_left3A = arith.constant 11 : i32
          %shift_left3A_363 = vector.broadcast %shift_left3A : i32 to vector<16xi32>
          %shift_left3A_364 = arith.shli %shift_right_arithmetic3A_362, %shift_left3A_363 : vector<16xi32>
          %shift_right_arithmetic3A_365 = arith.constant 7 : i32
          %shift_right_arithmetic3A_366 = vector.broadcast %shift_right_arithmetic3A_365 : i32 to vector<16xi32>
          %shift_right_arithmetic3A_367 = arith.shrsi %and3A_360, %shift_right_arithmetic3A_366 : vector<16xi32>
          %shift_left3A_368 = arith.constant 8 : i32
          %shift_left3A_369 = vector.broadcast %shift_left3A_368 : i32 to vector<16xi32>
          %shift_left3A_370 = arith.shli %shift_right_arithmetic3A_367, %shift_left3A_369 : vector<16xi32>
          %add3A_371 = arith.addi %shift_left3A_364, %shift_left3A_370 : vector<16xi32>
          %and3A_372 = arith.constant 127 : i32
          %and3A_373 = vector.broadcast %and3A_372 : i32 to vector<16xi32>
          %and3A_374 = arith.andi %and3A_360, %and3A_373 : vector<16xi32>
          %add3A_375 = arith.addi %add3A_371, %and3A_374 : vector<16xi32>
          %get3A_376 = arith.index_cast %add3A_343 : i32 to index
          %get3A_377 = tpu.vector_load %arg9[%get3A_376] {strides = array<i32>} : memref<28672xf32, #tpu.memory_space<vmem>>, vector<16xf32>,
          %get3A_378 = arith.index_cast %add3A_343 : i32 to index
          %get3A_379 = tpu.vector_load %arg10[%get3A_378] {strides = array<i32>} : memref<28672xf32, #tpu.memory_space<vmem>>, vector<16xf32>,
          tpu.vector_store_idx %arg11[%add3A_375], %get3A_377 masked %and3A_357 : memref<32768xf32, #tpu.memory_space<vmem>>[vector<16xi32>], vector<16xf32>, vector<16xi1>
          %add3A_380 = arith.constant 128 : i32
          %add3A_381 = vector.broadcast %add3A_380 : i32 to vector<16xi32>
          %add3A_382 = arith.addi %add3A_375, %add3A_381 : vector<16xi32>
          tpu.vector_store_idx %arg11[%add3A_382], %get3A_379 masked %and3A_357 : memref<32768xf32, #tpu.memory_space<vmem>>[vector<16xi32>], vector<16xf32>, vector<16xi1>
          %while3A_383 = arith.constant 0 : i32
          scf.yield %while3A_383 : i32
        }
        %while3A_336 = arith.constant 1 : i32
        %while3A_337 = scf.for %while3A_339 = %while3A_333 to %while3A_329 step %while3A_336 iter_args(%while3A_340 = %while3A_335) -> (i32)  : i32 {
          %mul3A_341 = arith.constant 16 : i32
          %mul3A_342 = arith.muli %while3A_339, %mul3A_341 : i32
          %add3A_343 = arith.addi %mul3A_192, %mul3A_342 : i32
          %get3A_344 = arith.index_cast %add3A_343 : i32 to index
          %get3A_345 = tpu.vector_load %arg8[%get3A_344] {strides = array<i32>} : memref<28672xi32, #tpu.memory_space<vmem>>, vector<16xi32>,
          %sub3A_346 = vector.broadcast %mul3A_2 : i32 to vector<16xi32>
          %sub3A_347 = arith.subi %get3A_345, %sub3A_346 : vector<16xi32>
          %bitcast3A = vector.bitcast %sub3A_347 : vector<16xi32> to vector<16xi32>
          %lt3A_348 = arith.constant 16384 : i32
          %lt3A_349 = vector.broadcast %lt3A_348 : i32 to vector<16xi32>
          %lt3A_350 = arith.cmpi ult, %bitcast3A, %lt3A_349 : vector<16xi32>
          %mul3A_351 = arith.constant 16 : i32
          %mul3A_352 = arith.muli %while3A_339, %mul3A_351 : i32
          %add3A_353 = vector.broadcast %mul3A_352 : i32 to vector<16xi32>
          %add3A_354 = arith.addi %add3A_353, %iota3A : vector<16xi32>
          %lt3A_355 = vector.broadcast %min3A_299 : i32 to vector<16xi32>
          %lt3A_356 = arith.cmpi slt, %add3A_354, %lt3A_355 : vector<16xi32>
          %and3A_357 = arith.andi %lt3A_350, %lt3A_356 : vector<16xi1>
          %and3A_358 = arith.constant 1023 : i32
          %and3A_359 = vector.broadcast %and3A_358 : i32 to vector<16xi32>
          %and3A_360 = arith.andi %sub3A_347, %and3A_359 : vector<16xi32>
          %shift_right_arithmetic3A = arith.constant 10 : i32
          %shift_right_arithmetic3A_361 = vector.broadcast %shift_right_arithmetic3A : i32 to vector<16xi32>
          %shift_right_arithmetic3A_362 = arith.shrsi %sub3A_347, %shift_right_arithmetic3A_361 : vector<16xi32>
          %shift_left3A = arith.constant 11 : i32
          %shift_left3A_363 = vector.broadcast %shift_left3A : i32 to vector<16xi32>
          %shift_left3A_364 = arith.shli %shift_right_arithmetic3A_362, %shift_left3A_363 : vector<16xi32>
          %shift_right_arithmetic3A_365 = arith.constant 7 : i32
          %shift_right_arithmetic3A_366 = vector.broadcast %shift_right_arithmetic3A_365 : i32 to vector<16xi32>
          %shift_right_arithmetic3A_367 = arith.shrsi %and3A_360, %shift_right_arithmetic3A_366 : vector<16xi32>
          %shift_left3A_368 = arith.constant 8 : i32
          %shift_left3A_369 = vector.broadcast %shift_left3A_368 : i32 to vector<16xi32>
          %shift_left3A_370 = arith.shli %shift_right_arithmetic3A_367, %shift_left3A_369 : vector<16xi32>
          %add3A_371 = arith.addi %shift_left3A_364, %shift_left3A_370 : vector<16xi32>
          %and3A_372 = arith.constant 127 : i32
          %and3A_373 = vector.broadcast %and3A_372 : i32 to vector<16xi32>
          %and3A_374 = arith.andi %and3A_360, %and3A_373 : vector<16xi32>
          %add3A_375 = arith.addi %add3A_371, %and3A_374 : vector<16xi32>
          %get3A_376 = arith.index_cast %add3A_343 : i32 to index
          %get3A_377 = tpu.vector_load %arg9[%get3A_376] {strides = array<i32>} : memref<28672xf32, #tpu.memory_space<vmem>>, vector<16xf32>,
          %get3A_378 = arith.index_cast %add3A_343 : i32 to index
          %get3A_379 = tpu.vector_load %arg10[%get3A_378] {strides = array<i32>} : memref<28672xf32, #tpu.memory_space<vmem>>, vector<16xf32>,
          tpu.vector_store_idx %arg11[%add3A_375], %get3A_377 masked %and3A_357 : memref<32768xf32, #tpu.memory_space<vmem>>[vector<16xi32>], vector<16xf32>, vector<16xi1>
          %add3A_380 = arith.constant 128 : i32
          %add3A_381 = vector.broadcast %add3A_380 : i32 to vector<16xi32>
          %add3A_382 = arith.addi %add3A_375, %add3A_381 : vector<16xi32>
          tpu.vector_store_idx %arg11[%add3A_382], %get3A_379 masked %and3A_357 : memref<32768xf32, #tpu.memory_space<vmem>>[vector<16xi32>], vector<16xf32>, vector<16xi1>
          %while3A_383 = arith.constant 0 : i32
          scf.yield %while3A_383 : i32
        }
        %while3A_338 = arith.constant 0 : i32
        scf.yield %while3A_338 : i32
      }
      %add3A_284 = arith.constant 7 : i32
      %add3A_285 = arith.addi %scan3A_180, %add3A_284 : i32
      %lt3A_286 = arith.constant 32 : i32
      %lt3A_287 = arith.cmpi slt, %add3A_285, %lt3A_286 : i32
      %convert_element_type3A = arith.extui %lt3A_287 : i1 to i32
      %cond3A = arith.constant 0 : i32
      %cond3A_288 = arith.cmpi ne, %convert_element_type3A, %cond3A : i32
      scf.if %cond3A_288 {
        %add3A_290 = arith.constant 7 : i32
        %add3A_291 = arith.addi %scan3A_180, %add3A_290 : i32
        %mul3A_292 = arith.constant 32768 : i32
        %mul3A_293 = arith.muli %add3A_291, %mul3A_292 : i32
        %dma_start3A_294 = tpu.memref_slice %arg8[%mul3A_192] : memref<28672xi32, #tpu.memory_space<vmem>> -> memref<4096xi32, #tpu.memory_space<vmem>>
        %dma_start3A_295 = tpu.memref_slice %arg2[%mul3A_293] : memref<1048576xi32, #tpu.memory_space<hbm>> -> memref<4096xi32, #tpu.memory_space<hbm>>
        %dma_start3A_296 = tpu.memref_slice %arg8[%mul3A_192] : memref<28672xi32, #tpu.memory_space<vmem>> -> memref<4096xi32, #tpu.memory_space<vmem>>
        %dma_start3A_297 = tpu.memref_slice %arg2[%mul3A_293] : memref<1048576xi32, #tpu.memory_space<hbm>> -> memref<4096xi32, #tpu.memory_space<hbm>>
        tpu.enqueue_dma source(%dma_start3A_297 : memref<4096xi32, #tpu.memory_space<hbm>>) target(%dma_start3A_296 : memref<4096xi32, #tpu.memory_space<vmem>>) target_semaphore(%arg13 : memref<!tpu.dma_semaphore, #tpu.memory_space<semaphore_mem>>)
        %dma_start3A_298 = tpu.memref_slice %arg9[%mul3A_192] : memref<28672xf32, #tpu.memory_space<vmem>> -> memref<4096xf32, #tpu.memory_space<vmem>>
        %dma_start3A_299 = tpu.memref_slice %arg3[%mul3A_293] : memref<1048576xf32, #tpu.memory_space<hbm>> -> memref<4096xf32, #tpu.memory_space<hbm>>
        %dma_start3A_300 = tpu.memref_slice %arg9[%mul3A_192] : memref<28672xf32, #tpu.memory_space<vmem>> -> memref<4096xf32, #tpu.memory_space<vmem>>
        %dma_start3A_301 = tpu.memref_slice %arg3[%mul3A_293] : memref<1048576xf32, #tpu.memory_space<hbm>> -> memref<4096xf32, #tpu.memory_space<hbm>>
        tpu.enqueue_dma source(%dma_start3A_301 : memref<4096xf32, #tpu.memory_space<hbm>>) target(%dma_start3A_300 : memref<4096xf32, #tpu.memory_space<vmem>>) target_semaphore(%arg14 : memref<!tpu.dma_semaphore, #tpu.memory_space<semaphore_mem>>)
        %dma_start3A_302 = tpu.memref_slice %arg10[%mul3A_192] : memref<28672xf32, #tpu.memory_space<vmem>> -> memref<4096xf32, #tpu.memory_space<vmem>>
        %dma_start3A_303 = tpu.memref_slice %arg4[%mul3A_293] : memref<1048576xf32, #tpu.memory_space<hbm>> -> memref<4096xf32, #tpu.memory_space<hbm>>
        %dma_start3A_304 = tpu.memref_slice %arg10[%mul3A_192] : memref<28672xf32, #tpu.memory_space<vmem>> -> memref<4096xf32, #tpu.memory_space<vmem>>
        %dma_start3A_305 = tpu.memref_slice %arg4[%mul3A_293] : memref<1048576xf32, #tpu.memory_space<hbm>> -> memref<4096xf32, #tpu.memory_space<hbm>>
        tpu.enqueue_dma source(%dma_start3A_305 : memref<4096xf32, #tpu.memory_space<hbm>>) target(%dma_start3A_304 : memref<4096xf32, #tpu.memory_space<vmem>>) target_semaphore(%arg15 : memref<!tpu.dma_semaphore, #tpu.memory_space<semaphore_mem>>)
      } else {
      }
      %scan3A_289 = arith.constant 0 : i32
      scf.yield %scan3A_289 : i32
    }
    %scan3A_175 = arith.constant 32 : i32
    %mul3A_176 = arith.constant 2 : i32
    %mul3A_177 = arith.muli %add3A, %mul3A_176 : i32
    %mul3A_178 = arith.constant 16384 : i32
    %mul3A_179 = arith.muli %mul3A_177, %mul3A_178 : i32
    "tpu.region"() ({
      %run_scoped3A = tpu.sem_alloc : memref<!tpu.dma_semaphore, #tpu.memory_space<semaphore_mem>>
      %dma_start3A_180 = tpu.memref_slice %arg7[%mul3A_179] : memref<1048576xf32, #tpu.memory_space<hbm>> -> memref<32768xf32, #tpu.memory_space<hbm>>
      %dma_start3A_181 = tpu.memref_slice %arg7[%mul3A_179] : memref<1048576xf32, #tpu.memory_space<hbm>> -> memref<32768xf32, #tpu.memory_space<hbm>>
      tpu.enqueue_dma source(%arg11 : memref<32768xf32, #tpu.memory_space<vmem>>) target(%dma_start3A_181 : memref<32768xf32, #tpu.memory_space<hbm>>) target_semaphore(%run_scoped3A : memref<!tpu.dma_semaphore, #tpu.memory_space<semaphore_mem>>)
      %dma_wait3A = tpu.memref_slice %arg7[%mul3A_179] : memref<1048576xf32, #tpu.memory_space<hbm>> -> memref<32768xf32, #tpu.memory_space<hbm>>
      %dma_wait3A_182 = tpu.memref_slice %arg7[%mul3A_179] : memref<1048576xf32, #tpu.memory_space<hbm>> -> memref<32768xf32, #tpu.memory_space<hbm>>
      tpu.wait_dma2 semaphore(%run_scoped3A : memref<!tpu.dma_semaphore, #tpu.memory_space<semaphore_mem>>) src(%arg11 : memref<32768xf32, #tpu.memory_space<vmem>>) dst(%dma_wait3A_182 : memref<32768xf32, #tpu.memory_space<hbm>>)
      tpu.yield
    }) : () -> ()
    return
  }
}

</mosaic_0001>

<sc_bundles>
// kernel: kernel.4.cloned.1.call-start
scs
__scs_entry_jumppad:
0x0: {  	(pc) =	sbr.rel $0x88, $3  }
0x1: {  	(tag) =	ssettag $0x0;
	lr =	simm.s32 $0x1  }
0x2: {  	[smem:$0x3F9E] =	sst lr;
	_ =	strace $0xD0000000  }
0x3: {  	_ = 	snop  }
0x4: {  	_ = 	snop  }
0x5: {  	_ = 	snop  }
0x6: {  	_ = 	snop  }
0x7: {  	_ = 	snop  }
__scs_overlays_trampoline_lowered:
0x8: {  	[smem:$0x3FAD] =	sst s0  }
0x9: {  	[smem:$0x3FAE] =	sst s1  }
0xa: {  	[smem:$0x3FAF] =	sst s2  }
0xb: {  	[smem:$0x3FB0] =	sst s3  }
0xc: {  	[smem:$0x3FB1] =	sst s4  }
0xd: {  	[smem:$0x3FB2] =	sst s5  }
0xe: {  	[smem:$0x3FB3] =	sst s6  }
0xf: {  	[smem:$0x3FB4] =	sst s7  }
0x10: {  	[smem:$0x3FB5] =	sst s8  }
0x11: {  	[smem:$0x3FB6] =	sst s9;
	s0 =	simm.s32 @!p0 $0x0  }
0x12: {  	s1 =	sld [smem:$0x3F9C];
	s0 =	simm.s32 @p0 $0x1  }
0x13: {  	[smem:$0x3FB7] =	sst s0;
	s0 =	simm.s32 @!p1 $0x0  }
0x14: {  	s2 =	sld [smem:$0x3F9B];
	s0 =	simm.s32 @p1 $0x1  }
0x15: {  	[smem:$0x3FB8] =	sst s0;
	s0 =	simm.s32 @!p2 $0x0  }
0x16: {  	s3 =	sld [smem:$0x3FDB];
	s0 =	simm.s32 @p2 $0x1  }
0x17: {  	s4 =	simm.s32 $0x1BF5;
	[smem:$0x3FBA] =	sst s0  }
0x18: {  	s0 =	sld [smem:$0x3F9D];
	_ =	swait.ge [sflag:s4], $0x0  }
0x19: {  	s7 =	sld [smem:$0x3F9E]  }
0x1a: {  	s8 =	sadd.s32 $0xFFFFE003, lr  }
0x1b: {  	s9 =	sadd.s32 $0xFFFFFEF7, lr;
	s5 =	simm.s32 $0xFFFFFFFF;
	p2 =	slt.u32 s8, $0xFFFFF086  }
0x1c: {  	p1 =	slt.u32 s9, $0xF7A;
	s5 =	simm.s32 @!p2 $0x0  }
0x1d: {  	s5 =	simm.s32 @p1 $0x1;
	p0 =	seq.s32 s7, s2  }
0x1e: {  	s7 =	smul.u32 @!p0 $0xF7A, s2;
	p2 =	seq.s32 @!p0 s5, $0x0  }
0x1f: {  	s9 =	smul.u32 $0xF7A, s1;
	s8 =	simm.s32 @!p0 $0x1BF5;
	p2 =	por !p2, p0  }
0x20: {  	[sflag:s8] =	ssyncset.s32 @!p0 $0xFFFFF086;
	s6 =	sadd.s32 @!p0 s3, s7;
	s7 =	simm.s32 @!p0 $0x108  }
0x21: {  	s3 =	sadd.s32 s3, s9;
	s6 =	sadd.s32 @!p0 $0x88, s6;
	s7 =	simm.s32 @p2 $0x1082  }
0x22: {  	[simem:s7], [sflag:s8] =	dma.local @!p0 [hbm:s6], $0xF7A  }
0x23: {  	s9 =	sor.u32 $0xD0000000, s2;
	s6 =	simm.s32 $0x108;
	_ =	swait.ge @!p0 [sflag:s8], $0x0  }
0x24: {  	s3 =	sadd.s32 $0x88, s3;
	s6 =	simm.s32 @!p1 $0x1082;
	[sflag:s4] =	ssyncset.s32 $0xFFFFF086  }
0x25: {  	[simem:s6], [sflag:s4] =	dma.local [hbm:s3], $0xF7A  }
0x26: {  	[smem:$0x3F9E] =	sst s1;
	(tag) =	ssettag s2;
	_ =	strace s9  }
0x27: {  	s1 =	sld [smem:$0x3FAE]  }
0x28: {  	s2 =	sld [smem:$0x3FAF]  }
0x29: {  	s4 =	sld [smem:$0x3FB1]  }
0x2a: {  	p0 =	seq.s32 s5, $0x0;
	s5 =	sld [smem:$0x3FB2]  }
0x2b: {  	s6 =	sld [smem:$0x3FB3]  }
0x2c: {  	s7 =	sld [smem:$0x3FB4]  }
0x2d: {  	s3 =	simm.s32 $0x108;
	s8 =	sld [smem:$0x3FB5]  }
0x2e: {  	s3 =	simm.s32 @!p0 $0x1082;
	s9 =	sld [smem:$0x3FB6]  }
0x2f: {  	lr =	sadd.s32 s0, s3;
	s0 =	sld [smem:$0x3FAD]  }
0x30: {  	s3 =	sld [smem:$0x3FB0]  }
0x31: {  	[smem:$0x3FB9] =	sst s10  }
0x32: {  	s10 =	sld [smem:$0x3FB7];
	_ =	sdelay $0x3  }
0x33: {  	p0 =	seq.s32 s10, $0x1;
	s10 =	sld [smem:$0x3FB9];
	_ =	sdelay $0x3  }
0x34: {  	[smem:$0x3FB9] =	sst s10  }
0x35: {  	s10 =	sld [smem:$0x3FB8];
	_ =	sdelay $0x3  }
0x36: {  	p1 =	seq.s32 s10, $0x1;
	s10 =	sld [smem:$0x3FB9];
	_ =	sdelay $0x3  }
0x37: {  	[smem:$0x3FB9] =	sst s10  }
0x38: {  	s10 =	sld [smem:$0x3FBA]  }
0x39: {  	_ = 	snop;
	(pc) =	sbr.ind lr, $3  }
0x3a: {  	_ = 	snop  }
0x3b: {  	_ = 	snop  }
0x3c: {  	p2 =	seq.s32 s10, $0x1;
	s10 =	sld [smem:$0x3FB9]  }
0x3d: {  	_ =	shalt  }
0x3e: {  	_ =	shalt  }
0x3f: {  	_ =	shalt  }
0x40: {  	_ =	shalt  }
0x41: {  	_ =	shalt  }
0x42: {  	_ =	shalt  }
0x43: {  	_ =	shalt  }
0x44: {  	_ =	shalt  }
0x45: {  	_ =	shalt  }
0x46: {  	_ =	shalt  }
0x47: {  	_ =	shalt  }
0x48: {  	_ =	shalt  }
0x49: {  	_ =	shalt  }
0x4a: {  	_ =	shalt  }
0x4b: {  	_ =	shalt  }
0x4c: {  	_ =	shalt  }
0x4d: {  	_ =	shalt  }
0x4e: {  	_ =	shalt  }
0x4f: {  	_ =	shalt  }
0x50: {  	_ =	shalt  }
0x51: {  	_ =	shalt  }
0x52: {  	_ =	shalt  }
0x53: {  	_ =	shalt  }
0x54: {  	_ =	shalt  }
0x55: {  	_ =	shalt  }
0x56: {  	_ =	shalt  }
0x57: {  	_ =	shalt  }
0x58: {  	_ =	shalt  }
0x59: {  	_ =	shalt  }
0x5a: {  	_ =	shalt  }
0x5b: {  	_ =	shalt  }
0x5c: {  	_ =	shalt  }
0x5d: {  	_ =	shalt  }
0x5e: {  	_ =	shalt  }
0x5f: {  	_ =	shalt  }
0x60: {  	_ =	shalt  }
0x61: {  	_ =	shalt  }
0x62: {  	_ =	shalt  }
0x63: {  	_ =	shalt  }
0x64: {  	_ =	shalt  }
0x65: {  	_ =	shalt  }
0x66: {  	_ =	shalt  }
0x67: {  	_ =	shalt  }
0x68: {  	_ =	shalt  }
0x69: {  	_ =	shalt  }
0x6a: {  	_ =	shalt  }
0x6b: {  	_ =	shalt  }
0x6c: {  	_ =	shalt  }
0x6d: {  	_ =	shalt  }
0x6e: {  	_ =	shalt  }
0x6f: {  	_ =	shalt  }
0x70: {  	_ =	shalt  }
0x71: {  	_ =	shalt  }
0x72: {  	_ =	shalt  }
0x73: {  	_ =	shalt  }
0x74: {  	_ =	shalt  }
0x75: {  	_ =	shalt  }
0x76: {  	_ =	shalt  }
0x77: {  	_ =	shalt  }
0x78: {  	_ =	shalt  }
0x79: {  	_ =	shalt  }
0x7a: {  	_ =	shalt  }
0x7b: {  	_ =	shalt  }
0x7c: {  	_ =	shalt  }
0x7d: {  	_ =	shalt  }
0x7e: {  	_ =	shalt  }
0x7f: {  	_ =	shalt  }
0x80: {  	_ =	shalt  }
0x81: {  	_ =	shalt  }
0x82: {  	_ =	shalt  }
0x83: {  	_ =	shalt  }
0x84: {  	_ =	shalt  }
0x85: {  	_ =	shalt  }
0x86: {  	_ =	shalt  }
0x87: {  	_ =	shalt  }
.Lfunc_end0:
.L_simem_size_0:
called_computation_lowered:
.L_overlay_start_0:
0x88: {  	s2 =	sld [smem:$0x3FD9]  }
0x89: {  	s3 =	sld [smem:$0x3FFE];
	_ =	sdelay $0x1  }
0x8a: {  	s1 =	srdreg.scid  }
0x8b: {  	s0 =	sand.u32 $0x1, s1  }
0x8c: {  	s17 =	sshll.u32 s0, $0xA;
	s2 =	sadd.s32 s3, s2  }
0x8d: {  	s2 =	sadd.s32 s2, s17  }
0x8e: {  	[smem:$0x3FC5] =	sst s2  }
0x8f: {  	_ = 	snop  }
0x90: {  	s2 =	sld [smem:$0x3FD0];
	(tm) =	ssettm $0x1  }
0x91: {  	s18 =	sld [smem:$0x3FFB];
	_ =	sdelay $0x3  }
0x92: {  	_ =	strace s18  }
0x93: {  	s3 =	sld [smem:$0x3FFC];
	_ =	sdelay $0x3  }
0x94: {  	_ =	strace s3  }
0x95: {  	s3 =	sld [smem:$0x3FFD];
	_ =	sdelay $0x3  }
0x96: {  	_ =	strace s3  }
0x97: {  	_ =	strace $0x8FFFFFFF  }
0x98: {  	s19 =	sld [smem:$0x3FDB];
	_ =	sdelay $0x1  }
0x99: {  	s4 =	simm.s32 $_scs_section_size  }
0x9a: {  	s5 =	simm.s32 $_size__tile_overlayer_lowered;
	s6 =	simm.s32 $_tile_overlayer_lowered  }
0x9b: {  	s22 =	simm.s32 $0x1BFF;
	s21 =	sshll.u32 s6, $0x1;
	s3 =	sadd.s32 s4, s19  }
0x9c: {  	s7 =	simm.s32 $0x0;
	s20 =	sshll.u32 s5, $0x1;
	s5 =	sadd.s32 s21, s3  }
0x9d: {  	[timem:s7], [sflag:s22] =	dma.local [hbm:s5], s20  }
0x9e: {  	_ =	swait.ge [sflag:s22], s20  }
0x9f: {  	s4 =	ssub.s32 $0x0, s20;
	[sflag:s22] =	ssyncset.done $0x0  }
0xa0: {  	[sflag:s22] =	ssyncadd.s32 s4;
	_ =	sdelay $0x1  }
0xa1: {  	s23 =	simm.s32 $0x1B8B  }
0xa2: {  	_ =	swait.ge [sflag:s23], $0x1  }
0xa3: {  	[sflag:s23] =	ssyncset.done $0x0  }
0xa4: {  	s25 =	simm.s32 $0x1B8E;
	s24 =	sld [smem:$0x3FFE];
	[sflag:s23] =	ssyncadd.s32 $0xFFFFFFFF  }
0xa5: {  	s26 =	simm.s32 $execute0_lowered;
	[smem:$0x3FD2] =	sst s25  }
0xa6: {  	s5 =	sshll.u32 s26, $0x1;
	_ =	strace $0x80000046;
	[dreg:$0x1] =	wrdreg $0xFFFFFFFF  }
0xa7: {  	s28 =	simm.s32 $_size_execute0_lowered;
	s3 =	sadd.s32 s3, s5;
	[dreg:$0x0] =	wrdreg $0x0  }
0xa8: {  	s5 =	sshll.u32 s28, $0x1;
	[dreg:$0x2] =	wrdreg s3  }
0xa9: {  	[dreg:$0x3] =	wrdreg s5  }
0xaa: {  	[dreg:$0x4] =	wrdreg $0xC0  }
0xab: {  	_ =	task [dreg:s7], $0x5FFFF  }
0xac: {  	[dreg:$0x1] =	wrdreg $0xFFFFFFFF  }
0xad: {  	[dreg:$0x0] =	wrdreg $0x60  }
0xae: {  	[dreg:$0x2] =	wrdreg s24  }
0xaf: {  	[dreg:$0x3] =	wrdreg s2  }
0xb0: {  	[dreg:$0x4] =	wrdreg $0x9  }
0xb1: {  	_ =	task.clear_ibuf [dreg:s7], $0x5FFFF;
	_ =	strace $0x90000046  }
0xb2: {  	s29 =	simm.s32 $0x9;
	_ =	strace $0x80000048  }
0xb3: {  	_ =	swait.ge [sflag:s29], $0x1  }
0xb4: {  	[sflag:s29] =	ssyncadd.s32 $0xFFFFFFFF  }
0xb5: {  	_ =	strace $0x90000048  }
0xb6: {  	_ =	sfence  }
0xb7: {  	s30 =	sld [smem:$0x0];
	_ =	sdelay $0x2  }
0xb8: {  	s31 =	sshll.u32 s1, $0xD;
	s1 =	sshrl.u32 s1, $0x2  }
0xb9: {  	s3 =	sand.u32 $0x4000, s31;
	s1 =	sadd.s32 s1, s30  }
0xba: {  	s0 =	sor.u32 s3, s0;
	s1 =	sshll.u32 s1, $0x11  }
0xbb: {  	s0 =	sor.u32 s1, s0  }
0xbc: {  	s0 =	sadd.s32 $0x8F2B, s0  }
0xbd: {  	[sflag:s0] =	ssyncadd.remote.s32 $0x1  }
0xbe: {  	_ =	sfence.sel $0xFFFF  }
0xbf: {  	[dreg:$0x0] =	wrdreg $0xFFFFFFFF;
	(pc) =	sbr.abs _section_cstart, $3  }
0xc0: {  	[dreg:$0x1] =	wrdreg $0xFFFFFFFF  }
0xc1: {  	_ =	task.clear_ibuf [dreg:s7], $0x2FFFF;
	_ =	strace $0x9FFFFFFF  }
0xc2: {  	(tm) =	ssettm $0x7FFFFFFF  }
0xc3: {  	_ =	shalt  }
tec
execute0_lowered:
.L_overlay_start_1:
0x0: {  	(tag) =	ssettag $0x1  }
0x1: {  	s0 =	rddreg [dreg:$0x0]  }
0x2: {  	s1 =	rddreg [dreg:$0x1];
	s2 =	simm.s32 $0x0;
	s7 =	srdreg.scid  }
0x3: {  	s15 =	stileid.u32;
	[smem:$0x7FF] =	sst s2  }
0x4: {  	s3 =	sadd.s32 $0x41A00, s0;
	s4 =	sadd.s32 $0x21A00, s0;
	s6 =	sadd.s32 $0x1800, s0  }
0x5: {  	s5 =	sadd.s32 $0x21800, s0;
	s9 =	sadd.s32 $0x81A00, s0;
	s7 =	sand.u32 $0x1, s7  }
0x6: {  	s8 =	sshll.u32 s15, $0x1;
	s10 =	sadd.s32 $0xA1A00, s0;
	s26 =	sshll.u32 s15, $0x10  }
0x7: {  	_ =	strace $0x80000047;
	[dreg:$0x3] =	wrdreg s5;
	s8 =	sor.u32 s7, s8  }
0x8: {  	s11 =	ssub.s32 $0x2, s7;
	s7 =	sshll.u32 s7, $0xF;
	s14 =	sshll.u32 s8, $0xC  }
0x9: {  	s5 =	sadd.s32 $0x61A00, s0;
	s7 =	sor.u32 s7, s26;
	s18 =	sor.u32 $0x200, s14  }
0xa: {  	s12 =	sshll.u32 s8, $0x1;
	[dreg:$0xc] =	wrdreg s7;
	s19 =	sadd.s32 s5, s18  }
0xb: {  	s0 =	sadd.s32 s12, s0;
	s16 =	sadd.s32 s9, s18;
	[dreg:$0x4] =	wrdreg s19  }
0xc: {  	s20 =	sor.u32 $0x400, s14;
	s12 =	sadd.s32 s10, s18;
	[dreg:$0x5] =	wrdreg s16  }
0xd: {  	s21 =	sadd.s32 s5, s20;
	[dreg:$0x6] =	wrdreg s12  }
0xe: {  	s22 =	sadd.s32 s9, s20;
	[dreg:$0x7] =	wrdreg s21  }
0xf: {  	s24 =	sor.u32 $0x600, s14;
	s23 =	sadd.s32 s10, s20;
	[dreg:$0x8] =	wrdreg s22  }
0x10: {  	s13 =	sshrl.u32 s11, $0x1;
	s25 =	sadd.s32 s5, s24;
	[dreg:$0x9] =	wrdreg s23  }
0x11: {  	s31 =	sor.u32 $0x800, s14;
	s29 =	sadd.s32 s9, s24;
	[dreg:$0xa] =	wrdreg s25  }
0x12: {  	s11 =	ssub.s32 s11, s13;
	s13 =	sadd.s32 s5, s31;
	[dreg:$0xb] =	wrdreg s29  }
0x13: {  	s15 =	sor.u32 $0xA00, s14;
	s7 =	sadd.s32 s10, s31;
	[dreg:$0xe] =	wrdreg s13  }
0x14: {  	s8 =	sshll.u32 s8, $0xF;
	s17 =	sadd.s32 s5, s15;
	[dreg:$0x10] =	wrdreg s7  }
0x15: {  	s18 =	sadd.s32 s9, s15;
	s20 =	sor.u32 $0xC00, s14;
	[dreg:$0x11] =	wrdreg s17  }
0x16: {  	s28 =	sadd.s32 $0xC1A00, s0;
	s12 =	sadd.s32 s10, s24;
	[dreg:$0x12] =	wrdreg s18  }
0x17: {  	s30 =	smax.u32 s11, $0x1;
	s16 =	sadd.s32 s9, s31;
	[dreg:$0xd] =	wrdreg s12  }
0x18: {  	s0 =	simm.s32 $0x5;
	s19 =	sadd.s32 s10, s15;
	[dreg:$0xf] =	wrdreg s16  }
0x19: {  	s11 =	simm.s32 $0x4180;
	s21 =	sadd.s32 s5, s20;
	[dreg:$0x13] =	wrdreg s19  }
0x1a: {  	s22 =	sadd.s32 s9, s20;
	s23 =	sor.u32 $0xE00, s14;
	[dreg:$0x14] =	wrdreg s21  }
0x1b: {  	s7 =	sadd.s32 s10, s20;
	s24 =	sadd.s32 s5, s14;
	[dreg:$0x15] =	wrdreg s22  }
0x1c: {  	s25 =	sadd.s32 s9, s14;
	s31 =	sadd.s32 s10, s14;
	[dreg:$0x16] =	wrdreg s7  }
0x1d: {  	s13 =	simm.s32 $0x14180;
	[dreg:$0x17] =	wrdreg s24;
	s5 =	sadd.s32 s5, s23  }
0x1e: {  	[dreg:$0x19] =	wrdreg s25;
	s26 =	sadd.s32 s9, s23;
	s29 =	sadd.s32 s10, s23  }
.Ltmp0:
0x1f: {  	[dreg:$0x1c] =	wrdreg s31;
	s23 =	sadd.s32 s3, s14;
	(pc) =	sbr.rel .LBB2_1-.Ltmp0, $4  }
0x20: {  	s24 =	sadd.s32 s4, s14;
	s25 =	sadd.s32 s1, s14;
	[dreg:$0x18] =	wrdreg s5  }
0x21: {  	s7 =	simm.s32 $0x2;
	s9 =	simm.s32 $0x3;
	[dreg:$0x1a] =	wrdreg s26  }
0x22: {  	s10 =	simm.s32 $0x4;
	s12 =	simm.s32 $0xC180;
	[dreg:$0x1b] =	wrdreg s29  }
0x23: {  	vm0 =	vmxor vm0, vm0;
	v0 =	vimm.s32 $0x0;
	s26 =	sadd.s32 s6, s14;
	s5 =	simm.s32 $0x1;
	s14 =	simm.s32 $0x0  }
.LBB2_8:
0x24: {  	s14 =	sadd.s32 $0x1, s14  }
0x25: {  	p0 =	sne.s32 s14, s30  }
.Ltmp1:
0x26: {  	_ = 	snop;
	(pc) =	sbr.rel @!p0 .LBB2_9-.Ltmp1, $1  }
0x27: {  	_ =	sdelay $0x3  }
.LBB2_1:
0x28: {  	s15 =	rddreg [dreg:$0x3]  }
0x29: {  	[tilespmem:s2], [sflag:$0x5] =	stream.linear.gather [hbm4b:s15+s2], $0x180, $0x38;
	[tilespmem:$0x1C200] =	vst v63  }
0x2a: {  	_ =	swait.ge [sflag:s0], $0x180  }
0x2b: {  	[sflag:s0] =	ssyncset.done $0x0  }
0x2c: {  	[sflag:s0] =	ssyncadd.s32 $0xFFFFFE80  }
0x2d: {  	v1 =	vld [tilespmem:$0x0]  }
0x2e: {  	v2 =	vld [tilespmem:$0x10]  }
0x2f: {  	v3 =	vld [tilespmem:$0x20]  }
0x30: {  	v4 =	vld [tilespmem:$0x30]  }
0x31: {  	v5 =	vld [tilespmem:$0x40]  }
0x32: {  	v6 =	vld [tilespmem:$0x50]  }
0x33: {  	v7 =	vld [tilespmem:$0x60]  }
0x34: {  	v8 =	vld [tilespmem:$0x70]  }
0x35: {  	v9 =	vld [tilespmem:$0x80]  }
0x36: {  	v10 =	vld [tilespmem:$0x90]  }
0x37: {  	v11 =	vld [tilespmem:$0xA0]  }
0x38: {  	v12 =	vld [tilespmem:$0xB0]  }
0x39: {  	v13 =	vld [tilespmem:$0xC0]  }
0x3a: {  	v14 =	vld [tilespmem:$0xD0]  }
0x3b: {  	v15 =	vld [tilespmem:$0xE0]  }
0x3c: {  	v16 =	vld [tilespmem:$0xF0]  }
0x3d: {  	s21 =	simm.s32 $0x180;
	v17 =	vld [tilespmem:$0x100]  }
0x3e: {  	v18 =	vld [tilespmem:$0x110];
	[tilespmem:s21], [sflag:$0x1] =	stream.linear.gather [hbm4b:s23+s2], $0x800, $0x38  }
0x3f: {  	s22 =	simm.s32 $0x1180  }
0x40: {  	[tilespmem:s22], [sflag:$0x2] =	stream.linear.gather [hbm4b:s24+s2], $0x800, $0x38;
	[tilespmem:$0x1C200] =	vst v63  }
0x41: {  	s29 =	simm.s32 $0x2180;
	s31 =	simm.s32 $0x3180  }
0x42: {  	[tilespmem:s29], [sflag:$0x3] =	stream.linear.gather [hbm4b:s25+s2], $0x800, $0x38;
	[tilespmem:$0x1C200] =	vst v63  }
0x43: {  	s18 =	simm.s32 $0x0;
	s15 =	simm.s32 $0x0;
	s17 =	rddreg [dreg:$0xc]  }
0x44: {  	v19 =	vimm.s32 $0x0;
	[tilespmem:s31], [sflag:$0x4] =	stream.linear.gather [hbm4b:s26+s2], $0x800, $0x38;
	[tilespmem:$0x1C200] =	vst v63  }
.LBB2_3:
0x45: {  	s16 =	smov.u32 s18  }
0x46: {  	s18 =	sadd.s32 $0x1, s18;
	p0 =	seq.s32 s16, $0xF  }
0x47: {  	s16 =	sshll.u32 s16, $0xB;
	s19 =	sshll.u32 @!p0 s18, $0xB  }
0x48: {  	s16 =	sxor.u32 @!p0 $0xFFFFFFFF, s16;
	s19 =	sadd.s32 @!p0 s8, s19  }
0x49: {  	s16 =	sand.u32 @!p0 $0x800, s16;
	s19 =	sshrl.u32 @!p0 s19, $0x3  }
0x4a: {  	s29 =	simm.s32 @!p0 $0x0;
	s20 =	sor.u32 @!p0 $0x180, s16;
	s21 =	sadd.s32 @!p0 s3, s19  }
0x4b: {  	[tilespmem:s20], [sflag:$0x1] =	stream.linear.gather @!p0 [hbm4b:s21+s29], $0x800, $0x38;
	[tilespmem:$0x1C200] =	vst v63  }
0x4c: {  	s20 =	sor.u32 @!p0 $0x1180, s16;
	s21 =	sadd.s32 @!p0 s4, s19  }
0x4d: {  	[tilespmem:s20], [sflag:$0x2] =	stream.linear.gather @!p0 [hbm4b:s21+s29], $0x800, $0x38;
	[tilespmem:$0x1C200] =	vst v63  }
0x4e: {  	s20 =	sor.u32 @!p0 $0x2180, s16;
	s21 =	sadd.s32 @!p0 s1, s19  }
0x4f: {  	[tilespmem:s20], [sflag:$0x3] =	stream.linear.gather @!p0 [hbm4b:s21+s29], $0x800, $0x38;
	[tilespmem:$0x1C200] =	vst v63  }
0x50: {  	s16 =	sor.u32 @!p0 $0x3180, s16;
	s19 =	sadd.s32 @!p0 s6, s19  }
0x51: {  	[tilespmem:s16], [sflag:$0x4] =	stream.linear.gather @!p0 [hbm4b:s19+s29], $0x800, $0x38;
	[tilespmem:$0x1C200] =	vst v63  }
0x52: {  	_ =	swait.ge [sflag:s5], $0x800  }
0x53: {  	[sflag:s5] =	ssyncset.done $0x0  }
0x54: {  	[sflag:s5] =	ssyncadd.s32 $0xFFFFF800  }
0x55: {  	_ =	swait.ge [sflag:s7], $0x800  }
0x56: {  	[sflag:s7] =	ssyncset.done $0x0  }
0x57: {  	[sflag:s7] =	ssyncadd.s32 $0xFFFFF800  }
0x58: {  	_ =	swait.ge [sflag:s9], $0x800  }
0x59: {  	[sflag:s9] =	ssyncset.done $0x0  }
0x5a: {  	[sflag:s9] =	ssyncadd.s32 $0xFFFFF800  }
0x5b: {  	s20 =	simm.s32 $0x0;
	s21 =	sadd.s32 $0x0, s15;
	_ =	swait.ge [sflag:s10], $0x800  }
0x5c: {  	s19 =	sand.u32 $0xF80, s21;
	s16 =	sand.u32 $0x70, s20;
	[sflag:s10] =	ssyncset.done $0x0  }
0x5d: {  	s19 =	sor.u32 s16, s19;
	[sflag:s10] =	ssyncadd.s32 $0xFFFFF800  }
0x5e: {  	v20 =	vld [tilespmem:s19+$0x1180]  }
0x5f: {  	v21 =	vld [tilespmem:s19+$0x180];
	_ =	sdelay $0x1  }
0x60: {  	v22 =	vld [tilespmem:s19+$0x2180];
	_ =	sdelay $0x1  }
0x61: {  	v23 =	vmul.f32 v20, v10;
	v24 =	vmul.f32 v20, v2  }
0x62: {  	v25 =	vmul.f32 v21, v9;
	v27 =	vmul.f32 v21, v1  }
0x63: {  	v21 =	vmul.f32 v21, v5;
	v20 =	vmul.f32 v20, v6  }
0x64: {  	v26 =	vmul.f32 v22, v11  }
0x65: {  	v23 =	vadd.f32 v23, v25;
	v20 =	vadd.f32 v20, v21;
	v21 =	vmul.f32 v22, v7  }
0x66: {  	v25 =	vmul.f32 v22, v3;
	v24 =	vadd.f32 v24, v27  }
0x67: {  	v22 =	vadd.f32 v26, v23;
	v21 =	vadd.f32 v21, v20  }
0x68: {  	v23 =	vadd.f32 v25, v24  }
0x69: {  	v20 =	vadd.f32 v22, v12;
	v21 =	vadd.f32 v21, v8  }
0x6a: {  	v22 =	vadd.f32 v23, v4  }
0x6b: {  	v23 =	vand.u32 $0x7FFFFFFF, v20;
	v24 =	vshrl.u32 v21, $0x10  }
0x6c: {  	vm1 =	vgt.f32 v23, $9.999999970e-07;
	v23 =	vshrl.u32 v22, $0x10;
	v24 =	vand.u32 $0x1, v24  }
0x6d: {  	v25 =	vnsel vm1, $0x358637BD, v20;
	v23 =	vand.u32 $0x1, v23;
	v21 =	vadd.s32 v24, v21  }
0x6e: {  	(erf) = vrcp.f32 v25;
	v25 =	vshrl.u32 v20, $0x10;
	v22 =	vadd.s32 v23, v22  }
0x6f: {  	s22 =	sadd.s32 $0x10, s15;
	s21 =	simm.s32 $0x10;
	v21 =	vadd.s32 $0x7FFF, v21;
	v23 =	vand.u32 $0x1, v25;
	v22 =	vadd.s32 $0x7FFF, v22  }
0x70: {  	s16 =	sand.u32 $0xF80, s22;
	s29 =	sand.u32 $0x70, s21;
	v21 =	vand.u32 $0xFFFF0000, v21;
	v23 =	vadd.s32 v23, v20;
	v22 =	vand.u32 $0xFFFF0000, v22  }
0x71: {  	s20 =	sor.u32 s29, s16;
	v25 =	vmul.f32 v21, v14;
	v23 =	vadd.s32 $0x7FFF, v23;
	v24 =	vmul.f32 v22, v13  }
0x72: {  	v27 =	vld [tilespmem:s20+$0x1180];
	v21 =	vmul.f32 v21, v17;
	v23 =	vand.u32 $0xFFFF0000, v23  }
0x73: {  	v26 =	vld [tilespmem:s20+$0x2180];
	v22 =	vmul.f32 v22, v16;
	v24 =	vadd.f32 v25, v24;
	v25 =	vmul.f32 v23, v15;
	_ =	sdelay $0x1  }
0x74: {  	v21 =	vadd.f32 v21, v22;
	v22 =	vmul.f32 v23, v18;
	v23 =	vld [tilespmem:s20+$0x180]  }
0x75: {  	v24 =	vadd.f32 v24, v25  }
0x76: {  	v28 =	vmul.f32 v27, v2;
	v21 =	vadd.f32 v21, v22;
	v25 =	vpop (erf)  }
0x77: {  	v31 =	vmul.f32 v26, v11;
	v22 =	vmul.f32 v24, v25  }
0x78: {  	v21 =	vmul.f32 v21, v25;
	v25 =	vmul.f32 v27, v10  }
0x79: {  	v29 =	vmul.f32 v23, v1;
	v30 =	vmul.f32 v23, v9  }
0x7a: {  	vm4 =	vgt.f32 v20, $1.000000010e-01;
	v23 =	vmul.f32 v23, v5;
	v27 =	vmul.f32 v27, v6  }
0x7b: {  	vm1 =	vmmov vm0;
	v24 =	vmul.f32 v26, v3;
	v28 =	vadd.f32 v28, v29  }
0x7c: {  	v26 =	vmul.f32 v26, v7;
	v25 =	vadd.f32 v25, v30;
	v23 =	vadd.f32 v27, v23  }
0x7d: {  	vm5 =	vge.f32 v22, $0.0e+00;
	vm3 =	vge.f32 v21, $0.0e+00;
	v24 =	vadd.f32 v24, v28  }
0x7e: {  	vm2 =	vlt.f32 v21, $5.120000000e+02;
	v25 =	vadd.f32 v31, v25;
	v23 =	vadd.f32 v26, v23  }
0x7f: {  	s31 =	sadd.s32 $0x0, s17;
	vm4 =	vmand vm4, vm5;
	vm5 =	vlt.f32 v22, $1.024000000e+03;
	v24 =	vadd.f32 v24, v4  }
0x80: {  	p0 =	slt.u32 s31, $0xF4240;
	v26 =	vmax.f32 v21, $0.0e+00;
	v21 =	vadd.f32 v25, v12;
	v23 =	vadd.f32 v23, v8  }
0x81: {  	vm1 =	vmneg @p0 vm1;
	vm5 =	vmand vm5, vm4;
	v28 =	vmin.f32 v26, $5.110000000e+02  }
0x82: {  	v25 =	vshrl.u32 v24, $0x10;
	v27 =	vand.u32 $0x7FFFFFFF, v21;
	v29 =	vshrl.u32 v23, $0x10  }
0x83: {  	v26 =	vshrl.u32 v21, $0x10;
	vm4 =	vgt.f32 v27, $9.999999970e-07;
	v27 =	vand.u32 $0x1, v29  }
0x84: {  	v26 =	vand.u32 $0x1, v26;
	v25 =	vand.u32 $0x1, v25;
	v23 =	vadd.s32 v27, v23  }
0x85: {  	v29 =	vnsel vm4, $0x358637BD, v21;
	v24 =	vadd.s32 v25, v24;
	v25 =	vadd.s32 v26, v21  }
0x86: {  	(erf) = vrcp.f32 v29;
	v24 =	vadd.s32 $0x7FFF, v24;
	v25 =	vadd.s32 $0x7FFF, v25  }
0x87: {  	s16 =	simm.s32 $0x20;
	v27 =	vadd.s32 $0x7FFF, v23;
	v26 =	vand.u32 $0xFFFF0000, v24;
	v24 =	vtrunc.f32 v28;
	v23 =	vmovc v19  }
.LBB2_4:
0x88: {  	s29 =	sadd.s32 s16, s15;
	v27 =	vand.u32 $0xFFFF0000, v27  }
0x89: {  	p0 =	seq.s32 s16, $0x7F0;
	v28 =	vmul.f32 v26, v13;
	v26 =	vmul.f32 v26, v16;
	s31 =	smov.u32 s16;
	s16 =	sadd.s32 $0x10, s16;
	vm3 =	vmand vm3, vm5  }
0x8a: {  	v22 =	vmax.f32 v22, $0.0e+00;
	s29 =	sand.u32 $0xF80, s29;
	s22 =	sand.u32 $0x70, s31;
	v29 =	vmul.f32 v27, v14;
	v27 =	vmul.f32 v27, v17  }
0x8b: {  	v25 =	vand.u32 $0xFFFF0000, v25;
	vm2 =	vmand vm2, vm3;
	v22 =	vmin.f32 v22, $1.023000000e+03;
	s29 =	sor.u32 s22, s29  }
0x8c: {  	v30 =	vld [tilespmem:s29+$0x2180];
	v28 =	vadd.f32 v29, v28;
	v29 =	vmul.f32 v25, v15;
	v33 =	vadd.f32 v27, v26  }
0x8d: {  	s22 =	sadd.s32 s21, s17;
	vm4 =	vmand vm1, vm2;
	s21 =	smov.u32 s31;
	vm1 =	vmmov vm0;
	v25 =	vmul.f32 v25, v18;
	v27 =	vld [tilespmem:s29+$0x1180]  }
0x8e: {  	p1 =	slt.u32 s22, $0xF4240;
	v32 =	vmpcnt.ones.xlane vm4;
	v31 =	vld [tilespmem:s29+$0x180];
	v28 =	vadd.f32 v28, v29;
	v29 =	vsel vm4, $0x1, v0  }
0x8f: {  	vm1 =	vmneg @p1 vm1;
	v25 =	vadd.f32 v33, v25;
	v33 =	vtrunc.f32 v22;
	v26 =	vpop (erf);
	(xrf0) =	vadd.scan.msk.s32 $0xffff, v29  }
0x90: {  	v19 =	vadd.s32 v19, v32;
	v22 =	vmul.f32 v28, v26;
	v28 =	vcvt.f32.s32 v33  }
0x91: {  	vm5 =	vgt.f32 v21, $1.000000010e-01;
	v24 =	vcvt.f32.s32 v24;
	v25 =	vmul.f32 v25, v26  }
0x92: {  	v26 =	vmul.f32 v30, v3;
	v32 =	vmul.f32 v27, v10;
	vm6 =	vge.f32 v22, $0.0e+00  }
0x93: {  	v34 =	vmul.f32 v30, v11;
	v33 =	vmul.f32 v27, v2;
	vm3 =	vge.f32 v25, $0.0e+00  }
0x94: {  	vm2 =	vlt.f32 v25, $5.120000000e+02;
	v35 =	vmul.f32 v31, v1;
	v36 =	vmul.f32 v31, v9  }
0x95: {  	v24 =	vshll.u32 v24, $0xA;
	v27 =	vmul.f32 v27, v6;
	v31 =	vmul.f32 v31, v5;
	v37, _, _ =	vpop (xrf0)  }
0x96: {  	v33 =	vadd.f32 v33, v35;
	v32 =	vadd.f32 v32, v36;
	v29 =	vsub.s32 v37, v29  }
0x97: {  	v30 =	vmul.f32 v30, v7;
	v27 =	vadd.f32 v27, v31;
	v29 =	vadd.s32 v23, v29;
	v23 =	vmovc v19  }
0x98: {  	vm5 =	vmand vm5, vm6;
	v26 =	vadd.f32 v26, v33;
	v31 =	vadd.f32 v34, v32  }
0x99: {  	v25 =	vmax.f32 v25, $0.0e+00;
	vm6 =	vlt.f32 v22, $1.024000000e+03;
	v27 =	vadd.f32 v30, v27;
	v30 =	vld [tilespmem:s19+$0x3180];
	s19 =	smov.u32 s20;
	s20 =	smov.u32 s29  }
0x9a: {  	v24 =	vadd.s32 v28, v24;
	v26 =	vadd.f32 v26, v4;
	v31 =	vadd.f32 v31, v12  }
0x9b: {  	v28 =	vmin.f32 v25, $5.110000000e+02;
	vm5 =	vmand vm6, vm5;
	v27 =	vadd.f32 v27, v8  }
0x9c: {  	v25 =	vshrl.u32 v26, $0x10;
	v32 =	vshrl.u32 v31, $0x10;
	v33 =	vand.u32 $0x7FFFFFFF, v31;
	[tilespmem:v29+s11+$0x0] =	vst.idx.msk vm4, v24  }
.Ltmp2:
0x9d: {  	v24 =	vshrl.u32 v27, $0x10;
	v32 =	vand.u32 $0x1, v32;
	vm6 =	vgt.f32 v33, $9.999999970e-07;
	[tilespmem:v29+s12+$0x0] =	vst.idx.msk vm4, v20;
	v20 =	vmovc v21;
	v21 =	vmovc v31;
	(pc) =	sbr.rel @!p0 .LBB2_4-.Ltmp2, $4  }
0x9e: {  	v25 =	vand.u32 $0x1, v25;
	v24 =	vand.u32 $0x1, v24;
	v31 =	vnsel vm6, $0x358637BD, v21;
	[tilespmem:v29+s13+$0x0] =	vst.idx.msk vm4, v30  }
0x9f: {  	v25 =	vadd.s32 v25, v26;
	v26 =	vadd.s32 v32, v21;
	(erf) = vrcp.f32 v31  }
0xa0: {  	v29 =	vadd.s32 $0x7FFF, v25;
	v24 =	vadd.s32 v24, v27;
	v25 =	vadd.s32 $0x7FFF, v26  }
0xa1: {  	v26 =	vand.u32 $0xFFFF0000, v29;
	v27 =	vadd.s32 $0x7FFF, v24;
	v24 =	vtrunc.f32 v28  }
0xa2: {  	v27 =	vand.u32 $0xFFFF0000, v27  }
0xa3: {  	v28 =	vmul.f32 v26, v13;
	v29 =	vmul.f32 v27, v14  }
0xa4: {  	v50 =	vmul.f32 v26, v16;
	v25 =	vand.u32 $0xFFFF0000, v25  }
0xa5: {  	v27 =	vmul.f32 v27, v17;
	v51 =	vmul.f32 v25, v15;
	v28 =	vadd.f32 v29, v28;
	_ =	sdelay $0x1  }
0xa6: {  	v25 =	vmul.f32 v25, v18;
	v26 =	vadd.f32 v27, v50;
	v52 =	vadd.f32 v28, v51  }
0xa7: {  	v53 =	vpop (erf)  }
0xa8: {  	v25 =	vadd.f32 v26, v25;
	v54 =	vmul.f32 v52, v53  }
0xa9: {  	vm3 =	vmand vm3, vm5;
	vm4 =	vgt.f32 v21, $1.000000010e-01  }
0xaa: {  	vm2 =	vmand vm2, vm3;
	v25 =	vmul.f32 v25, v53;
	vm13 =	vge.f32 v54, $0.0e+00  }
0xab: {  	vm1 =	vmand vm1, vm2;
	vm14 =	vlt.f32 v54, $1.024000000e+03;
	vm3 =	vmand vm4, vm13  }
0xac: {  	s16 =	sadd.s32 s21, s17;
	v55 =	vsel vm1, $0x1, v0;
	vm2 =	vge.f32 v25, $0.0e+00;
	vm3 =	vmand vm14, vm3  }
0xad: {  	p0 =	slt.u32 s16, $0xF4240;
	vm15 =	vlt.f32 v25, $5.120000000e+02;
	vm4 =	vmmov vm0;
	vm2 =	vmand vm2, vm3  }
0xae: {  	(xrf0) =	vadd.scan.msk.s32 $0xffff, v55;
	vm4 =	vmneg @p0 vm4;
	vm2 =	vmand vm15, vm2  }
0xaf: {  	vm2 =	vmand vm4, vm2  }
0xb0: {  	v56 =	vsel vm2, $0x1, v0  }
0xb1: {  	(xrf0) =	vadd.scan.msk.s32 $0xffff, v56;
	_ =	sdelay $0x2  }
0xb2: {  	v22 =	vmax.f32 v22, $0.0e+00;
	v24 =	vcvt.f32.s32 v24;
	v57, _, _ =	vpop (xrf0)  }
0xb3: {  	v22 =	vmin.f32 v22, $1.023000000e+03;
	v30 =	vmpcnt.ones.xlane vm1;
	v27 =	vsub.s32 v57, v55  }
0xb4: {  	v22 =	vtrunc.f32 v22;
	v24 =	vshll.u32 v24, $0xA;
	v23 =	vadd.s32 v23, v27  }
0xb5: {  	v22 =	vcvt.f32.s32 v22;
	v19 =	vadd.s32 v19, v30;
	v25 =	vmax.f32 v25, $0.0e+00;
	v58, _, _ =	vpop (xrf0)  }
0xb6: {  	v59 =	vld [tilespmem:s19+$0x3180];
	v26 =	vmax.f32 v54, $0.0e+00;
	v25 =	vmin.f32 v25, $5.110000000e+02;
	v27 =	vsub.s32 v58, v56  }
0xb7: {  	v26 =	vmin.f32 v26, $1.023000000e+03;
	v25 =	vtrunc.f32 v25;
	v27 =	vadd.s32 v19, v27  }
0xb8: {  	v22 =	vadd.s32 v22, v24;
	v60 =	vtrunc.f32 v26;
	v25 =	vcvt.f32.s32 v25  }
0xb9: {  	v62 =	vld [tilespmem:s20+$0x3180];
	v61 =	vcvt.f32.s32 v60;
	[tilespmem:v23+s11+$0x0] =	vst.idx.msk vm1, v22  }
0xba: {  	[tilespmem:v23+s12+$0x0] =	vst.idx.msk vm1, v20;
	v20 =	vshll.u32 v25, $0xA  }
0xbb: {  	[tilespmem:v23+s13+$0x0] =	vst.idx.msk vm1, v59;
	v20 =	vadd.s32 v61, v20  }
0xbc: {  	v63 =	vmpcnt.ones.xlane vm2;
	[tilespmem:v27+s11+$0x0] =	vst.idx.msk vm2, v20  }
0xbd: {  	[tilespmem:v27+s12+$0x0] =	vst.idx.msk vm2, v21  }
0xbe: {  	v19 =	vadd.s32 v19, v63;
	[tilespmem:v27+s13+$0x0] =	vst.idx.msk vm2, v62  }
0xbf: {  	p0 =	seq.s32 s18, $0x10  }
.Ltmp3:
0xc0: {  	_ = 	snop;
	(pc) =	sbr.rel @!p0 .LBB2_3-.Ltmp3, $2  }
0xc1: {  	_ =	sdelay $0x2  }
0xc2: {  	s17 =	sadd.s32 $0x800, s17;
	s15 =	sadd.s32 $0x800, s15  }
0xc3: {  	[tilespmem:$0x1C180] =	vst v19;
	s15 =	simm.s32 $0x1C180  }
0xc4: {  	[hbm4b:s28+s2] =	stream.linear.scatter [tilespmem:s15], [sflag:$0x5], $0x10, $0x38;
	[tilespmem:$0x1C200] =	vst v63  }
0xc5: {  	_ =	swait.ge [sflag:s0], $0x10  }
0xc6: {  	(v2sf) =	vpush v19, $0x0;
	_ =	sdelay $0xe  }
0xc7: {  	s15 =	spop (v2sf)  }
0xc8: {  	[sflag:s0] =	ssyncset.done $0x0;
	s18 =	rddreg [dreg:$0x17];
	p0 =	slt.s32 s15, $0x1  }
0xc9: {  	[sflag:s0] =	ssyncadd.s32 $0xFFFFFFF0;
	s16 =	simm.s32 @!p0 $0x0;
	s17 =	simm.s32 @!p0 $0x4180  }
0xca: {  	[hbm4b:s18+s16] =	stream.linear.scatter @!p0 [tilespmem:s17], [sflag:$0x5], $0x1000, $0x38;
	[tilespmem:$0x1C200] =	vst v63  }
0xcb: {  	s17 =	simm.s32 @!p0 $0x5  }
0xcc: {  	_ =	swait.ge @!p0 [sflag:s17], $0x1000  }
0xcd: {  	[sflag:s17] =	ssyncset.done @!p0 $0x0  }
0xce: {  	s18 =	simm.s32 @!p0 $0xC180;
	s19 =	rddreg [dreg:$0x19];
	[sflag:s17] =	ssyncadd.s32 @!p0 $0xFFFFF000  }
0xcf: {  	[hbm4b:s19+s16] =	stream.linear.scatter @!p0 [tilespmem:s18], [sflag:$0x5], $0x1000, $0x38;
	[tilespmem:$0x1C200] =	vst v63  }
0xd0: {  	_ =	swait.ge @!p0 [sflag:s17], $0x1000  }
0xd1: {  	p1 =	slt.u32 @!p0 s15, $0x1001;
	[sflag:s17] =	ssyncset.done @!p0 $0x0  }
0xd2: {  	s18 =	simm.s32 @!p0 $0x14180;
	s19 =	rddreg [dreg:$0x1c];
	[sflag:s17] =	ssyncadd.s32 @!p0 $0xFFFFF000  }
0xd3: {  	[hbm4b:s19+s16] =	stream.linear.scatter @!p0 [tilespmem:s18], [sflag:$0x5], $0x1000, $0x38;
	[tilespmem:$0x1C200] =	vst v63  }
0xd4: {  	p1 =	por p0, p1;
	_ =	swait.ge @!p0 [sflag:s17], $0x1000  }
0xd5: {  	s16 =	simm.s32 @!p1 $0x0;
	[sflag:s17] =	ssyncset.done @!p0 $0x0  }
0xd6: {  	s18 =	rddreg [dreg:$0x4];
	[sflag:s17] =	ssyncadd.s32 @!p0 $0xFFFFF000;
	s17 =	simm.s32 @!p1 $0x5180  }
0xd7: {  	[hbm4b:s18+s16] =	stream.linear.scatter @!p1 [tilespmem:s17], [sflag:$0x5], $0x1000, $0x38;
	[tilespmem:$0x1C200] =	vst v63  }
0xd8: {  	s17 =	simm.s32 @!p1 $0x5  }
0xd9: {  	_ =	swait.ge @!p1 [sflag:s17], $0x1000  }
0xda: {  	[sflag:s17] =	ssyncset.done @!p1 $0x0  }
0xdb: {  	s18 =	simm.s32 @!p1 $0xD180;
	s19 =	rddreg [dreg:$0x5];
	[sflag:s17] =	ssyncadd.s32 @!p1 $0xFFFFF000  }
0xdc: {  	[hbm4b:s19+s16] =	stream.linear.scatter @!p1 [tilespmem:s18], [sflag:$0x5], $0x1000, $0x38;
	[tilespmem:$0x1C200] =	vst v63  }
0xdd: {  	_ =	swait.ge @!p1 [sflag:s17], $0x1000  }
0xde: {  	p0 =	slt.u32 @!p1 s15, $0x2001;
	[sflag:s17] =	ssyncset.done @!p1 $0x0  }
0xdf: {  	s18 =	simm.s32 @!p1 $0x15180;
	s19 =	rddreg [dreg:$0x6];
	[sflag:s17] =	ssyncadd.s32 @!p1 $0xFFFFF000  }
0xe0: {  	[hbm4b:s19+s16] =	stream.linear.scatter @!p1 [tilespmem:s18], [sflag:$0x5], $0x1000, $0x38;
	[tilespmem:$0x1C200] =	vst v63  }
0xe1: {  	p0 =	por p1, p0;
	_ =	swait.ge @!p1 [sflag:s17], $0x1000  }
0xe2: {  	s16 =	simm.s32 @!p0 $0x0;
	[sflag:s17] =	ssyncset.done @!p1 $0x0  }
0xe3: {  	s18 =	rddreg [dreg:$0x7];
	[sflag:s17] =	ssyncadd.s32 @!p1 $0xFFFFF000;
	s17 =	simm.s32 @!p0 $0x6180  }
0xe4: {  	[hbm4b:s18+s16] =	stream.linear.scatter @!p0 [tilespmem:s17], [sflag:$0x5], $0x1000, $0x38;
	[tilespmem:$0x1C200] =	vst v63  }
0xe5: {  	s17 =	simm.s32 @!p0 $0x5  }
0xe6: {  	_ =	swait.ge @!p0 [sflag:s17], $0x1000  }
0xe7: {  	[sflag:s17] =	ssyncset.done @!p0 $0x0  }
0xe8: {  	s18 =	simm.s32 @!p0 $0xE180;
	s19 =	rddreg [dreg:$0x8];
	[sflag:s17] =	ssyncadd.s32 @!p0 $0xFFFFF000  }
0xe9: {  	[hbm4b:s19+s16] =	stream.linear.scatter @!p0 [tilespmem:s18], [sflag:$0x5], $0x1000, $0x38;
	[tilespmem:$0x1C200] =	vst v63  }
0xea: {  	_ =	swait.ge @!p0 [sflag:s17], $0x1000  }
0xeb: {  	p1 =	slt.u32 @!p0 s15, $0x3001;
	[sflag:s17] =	ssyncset.done @!p0 $0x0  }
0xec: {  	s18 =	simm.s32 @!p0 $0x16180;
	s19 =	rddreg [dreg:$0x9];
	[sflag:s17] =	ssyncadd.s32 @!p0 $0xFFFFF000  }
0xed: {  	[hbm4b:s19+s16] =	stream.linear.scatter @!p0 [tilespmem:s18], [sflag:$0x5], $0x1000, $0x38;
	[tilespmem:$0x1C200] =	vst v63  }
0xee: {  	p1 =	por p0, p1;
	_ =	swait.ge @!p0 [sflag:s17], $0x1000  }
0xef: {  	s16 =	simm.s32 @!p1 $0x0;
	[sflag:s17] =	ssyncset.done @!p0 $0x0  }
0xf0: {  	s18 =	rddreg [dreg:$0xa];
	[sflag:s17] =	ssyncadd.s32 @!p0 $0xFFFFF000;
	s17 =	simm.s32 @!p1 $0x7180  }
0xf1: {  	[hbm4b:s18+s16] =	stream.linear.scatter @!p1 [tilespmem:s17], [sflag:$0x5], $0x1000, $0x38;
	[tilespmem:$0x1C200] =	vst v63  }
0xf2: {  	s17 =	simm.s32 @!p1 $0x5  }
0xf3: {  	_ =	swait.ge @!p1 [sflag:s17], $0x1000  }
0xf4: {  	[sflag:s17] =	ssyncset.done @!p1 $0x0  }
0xf5: {  	s18 =	simm.s32 @!p1 $0xF180;
	s19 =	rddreg [dreg:$0xb];
	[sflag:s17] =	ssyncadd.s32 @!p1 $0xFFFFF000  }
0xf6: {  	[hbm4b:s19+s16] =	stream.linear.scatter @!p1 [tilespmem:s18], [sflag:$0x5], $0x1000, $0x38;
	[tilespmem:$0x1C200] =	vst v63  }
0xf7: {  	_ =	swait.ge @!p1 [sflag:s17], $0x1000  }
0xf8: {  	p0 =	slt.u32 @!p1 s15, $0x4001;
	[sflag:s17] =	ssyncset.done @!p1 $0x0  }
0xf9: {  	s18 =	simm.s32 @!p1 $0x17180;
	s19 =	rddreg [dreg:$0xd];
	[sflag:s17] =	ssyncadd.s32 @!p1 $0xFFFFF000  }
0xfa: {  	[hbm4b:s19+s16] =	stream.linear.scatter @!p1 [tilespmem:s18], [sflag:$0x5], $0x1000, $0x38;
	[tilespmem:$0x1C200] =	vst v63  }
0xfb: {  	p0 =	por p1, p0;
	_ =	swait.ge @!p1 [sflag:s17], $0x1000  }
0xfc: {  	s16 =	simm.s32 @!p0 $0x0;
	[sflag:s17] =	ssyncset.done @!p1 $0x0  }
0xfd: {  	s18 =	rddreg [dreg:$0xe];
	[sflag:s17] =	ssyncadd.s32 @!p1 $0xFFFFF000;
	s17 =	simm.s32 @!p0 $0x8180  }
0xfe: {  	[hbm4b:s18+s16] =	stream.linear.scatter @!p0 [tilespmem:s17], [sflag:$0x5], $0x1000, $0x38;
	[tilespmem:$0x1C200] =	vst v63  }
0xff: {  	s17 =	simm.s32 @!p0 $0x5  }
0x100: {  	_ =	swait.ge @!p0 [sflag:s17], $0x1000  }
0x101: {  	[sflag:s17] =	ssyncset.done @!p0 $0x0  }
0x102: {  	s18 =	simm.s32 @!p0 $0x10180;
	s19 =	rddreg [dreg:$0xf];
	[sflag:s17] =	ssyncadd.s32 @!p0 $0xFFFFF000  }
0x103: {  	[hbm4b:s19+s16] =	stream.linear.scatter @!p0 [tilespmem:s18], [sflag:$0x5], $0x1000, $0x38;
	[tilespmem:$0x1C200] =	vst v63  }
0x104: {  	p1 =	slt.u32 @!p0 s15, $0x5001;
	_ =	swait.ge @!p0 [sflag:s17], $0x1000  }
0x105: {  	p1 =	por p0, p1;
	s18 =	simm.s32 @!p0 $0x18180;
	[sflag:s17] =	ssyncset.done @!p0 $0x0  }
.Ltmp4:
0x106: {  	s19 =	rddreg [dreg:$0x10];
	[sflag:s17] =	ssyncadd.s32 @!p0 $0xFFFFF000;
	(pc) =	sbr.rel @p1 .LBB2_8-.Ltmp4, $4  }
0x107: {  	[hbm4b:s19+s16] =	stream.linear.scatter @!p0 [tilespmem:s18], [sflag:$0x5], $0x1000, $0x38;
	[tilespmem:$0x1C200] =	vst v63  }
0x108: {  	_ =	swait.ge @!p0 [sflag:s17], $0x1000  }
0x109: {  	[sflag:s17] =	ssyncset.done @!p0 $0x0  }
0x10a: {  	[sflag:s17] =	ssyncadd.s32 @!p0 $0xFFFFF000  }
0x10b: {  	s16 =	rddreg [dreg:$0x11];
	s17 =	simm.s32 $0x9180  }
0x10c: {  	[hbm4b:s16+s2] =	stream.linear.scatter [tilespmem:s17], [sflag:$0x5], $0x1000, $0x38;
	[tilespmem:$0x1C200] =	vst v63  }
0x10d: {  	_ =	swait.ge [sflag:s0], $0x1000  }
0x10e: {  	[sflag:s0] =	ssyncset.done $0x0  }
0x10f: {  	s22 =	simm.s32 $0x11180;
	s21 =	rddreg [dreg:$0x12];
	[sflag:s0] =	ssyncadd.s32 $0xFFFFF000  }
0x110: {  	[hbm4b:s21+s2] =	stream.linear.scatter [tilespmem:s22], [sflag:$0x5], $0x1000, $0x38;
	[tilespmem:$0x1C200] =	vst v63  }
0x111: {  	_ =	swait.ge [sflag:s0], $0x1000  }
0x112: {  	[sflag:s0] =	ssyncset.done $0x0  }
0x113: {  	s31 =	simm.s32 $0x19180;
	s29 =	rddreg [dreg:$0x13];
	[sflag:s0] =	ssyncadd.s32 $0xFFFFF000  }
0x114: {  	[hbm4b:s29+s2] =	stream.linear.scatter [tilespmem:s31], [sflag:$0x5], $0x1000, $0x38;
	[tilespmem:$0x1C200] =	vst v63  }
0x115: {  	p0 =	slt.u32 s15, $0x6001;
	_ =	swait.ge [sflag:s0], $0x1000  }
0x116: {  	s16 =	simm.s32 @!p0 $0x0;
	[sflag:s0] =	ssyncset.done $0x0  }
0x117: {  	s17 =	simm.s32 @!p0 $0xA180;
	s18 =	rddreg [dreg:$0x14];
	[sflag:s0] =	ssyncadd.s32 $0xFFFFF000  }
0x118: {  	[hbm4b:s18+s16] =	stream.linear.scatter @!p0 [tilespmem:s17], [sflag:$0x5], $0x1000, $0x38;
	[tilespmem:$0x1C200] =	vst v63  }
0x119: {  	s17 =	simm.s32 @!p0 $0x5  }
0x11a: {  	_ =	swait.ge @!p0 [sflag:s17], $0x1000  }
0x11b: {  	[sflag:s17] =	ssyncset.done @!p0 $0x0  }
0x11c: {  	s18 =	simm.s32 @!p0 $0x12180;
	s19 =	rddreg [dreg:$0x15];
	[sflag:s17] =	ssyncadd.s32 @!p0 $0xFFFFF000  }
0x11d: {  	[hbm4b:s19+s16] =	stream.linear.scatter @!p0 [tilespmem:s18], [sflag:$0x5], $0x1000, $0x38;
	[tilespmem:$0x1C200] =	vst v63  }
0x11e: {  	_ =	swait.ge @!p0 [sflag:s17], $0x1000  }
0x11f: {  	p1 =	slt.u32 @!p0 s15, $0x7001;
	[sflag:s17] =	ssyncset.done @!p0 $0x0  }
0x120: {  	s18 =	simm.s32 @!p0 $0x1A180;
	s19 =	rddreg [dreg:$0x16];
	[sflag:s17] =	ssyncadd.s32 @!p0 $0xFFFFF000  }
0x121: {  	[hbm4b:s19+s16] =	stream.linear.scatter @!p0 [tilespmem:s18], [sflag:$0x5], $0x1000, $0x38;
	[tilespmem:$0x1C200] =	vst v63  }
0x122: {  	p1 =	por p1, p0;
	_ =	swait.ge @!p0 [sflag:s17], $0x1000  }
0x123: {  	s15 =	simm.s32 @!p1 $0x0;
	[sflag:s17] =	ssyncset.done @!p0 $0x0  }
0x124: {  	s16 =	simm.s32 @!p1 $0xB180;
	[sflag:s17] =	ssyncadd.s32 @!p0 $0xFFFFF000;
	s17 =	rddreg [dreg:$0x18]  }
0x125: {  	[hbm4b:s17+s15] =	stream.linear.scatter @!p1 [tilespmem:s16], [sflag:$0x5], $0x1000, $0x38;
	[tilespmem:$0x1C200] =	vst v63  }
0x126: {  	s16 =	simm.s32 @!p1 $0x5  }
0x127: {  	_ =	swait.ge @!p1 [sflag:s16], $0x1000  }
0x128: {  	[sflag:s16] =	ssyncset.done @!p1 $0x0  }
0x129: {  	s17 =	simm.s32 @!p1 $0x13180;
	s18 =	rddreg [dreg:$0x1a];
	[sflag:s16] =	ssyncadd.s32 @!p1 $0xFFFFF000  }
0x12a: {  	[hbm4b:s18+s15] =	stream.linear.scatter @!p1 [tilespmem:s17], [sflag:$0x5], $0x1000, $0x38;
	[tilespmem:$0x1C200] =	vst v63  }
0x12b: {  	_ =	swait.ge @!p1 [sflag:s16], $0x1000  }
0x12c: {  	s17 =	simm.s32 @!p1 $0x1B180;
	[sflag:s16] =	ssyncset.done @!p1 $0x0  }
.Ltmp5:
0x12d: {  	s18 =	rddreg [dreg:$0x1b];
	[sflag:s16] =	ssyncadd.s32 @!p1 $0xFFFFF000;
	(pc) =	sbr.rel .LBB2_8-.Ltmp5, $4  }
0x12e: {  	[hbm4b:s18+s15] =	stream.linear.scatter @!p1 [tilespmem:s17], [sflag:$0x5], $0x1000, $0x38;
	[tilespmem:$0x1C200] =	vst v63  }
0x12f: {  	_ =	swait.ge @!p1 [sflag:s16], $0x1000  }
0x130: {  	[sflag:s16] =	ssyncset.done @!p1 $0x0  }
0x131: {  	[sflag:s16] =	ssyncadd.s32 @!p1 $0xFFFFF000  }
.LBB2_9:
0x132: {  	_ =	sfence.sel $0x180000  }
0x133: {  	[bflag:$0x0] =	sbarrier.arrive $0xFFFF  }
0x134: {  	_ =	strace $0x90000047  }
0x135: {  	s0 =	stileid.u32;
	[bflag:$0x2] =	sbarrier.arrive $0xFFFF  }
0x136: {  	p0 =	sne.s32 s0, $0x0;
	s0 =	rddreg [dreg:$0x2]  }
0x137: {  	s0 =	sadd.s32 @!p0 $0x100000, s0  }
0x138: {  	[sflag:s0] =	ssyncadd.tile.s32 @!p0 $0x1;
	_ =	shalt  }
.Lfunc_end2:
_tile_overlayer_lowered:
.L_overlay_start_2:
0x139: {  	(tag) =	ssettag $0x2  }
0x13a: {  	s0 =	rddreg [dreg:$0x0];
	s2 =	stileid.u32  }
0x13b: {  	s1 =	rddreg [dreg:$0x1];
	p0 =	sne.s32 s2, $0x0  }
0x13c: {  	s3 =	rddreg [dreg:$0x2];
	[bflag:$0x3] =	sbarrier.arrive $0xFFFF;
	s2 =	simm.s32 @!p0 $0x1C05  }
0x13d: {  	[timem:s3], [sflag:s2] =	dma.local @!p0 [hbm:s0], s1  }
0x13e: {  	s0 =	simm.s32 @!p0 $0x5  }
0x13f: {  	_ =	swait.ge @!p0 [sflag:s0], s1  }
0x140: {  	s1 =	ssub.s32 @!p0 $0x0, s1;
	[sflag:s0] =	ssyncset.done @!p0 $0x0  }
0x141: {  	[sflag:s0] =	ssyncadd.s32 @!p0 s1  }
0x142: {  	[bflag:$0x3] =	sbarrier.arrive $0xFFFF  }
0x143: {  	_ =	shalt  }

// kernel: kernel.7.cloned.1.call-start
scs
__scs_entry_jumppad:
0x0: {  	(pc) =	sbr.rel $0x88, $3  }
0x1: {  	(tag) =	ssettag $0x0;
	lr =	simm.s32 $0x1  }
0x2: {  	[smem:$0x3F9E] =	sst lr;
	_ =	strace $0xD0000000  }
0x3: {  	_ = 	snop  }
0x4: {  	_ = 	snop  }
0x5: {  	_ = 	snop  }
0x6: {  	_ = 	snop  }
0x7: {  	_ = 	snop  }
__scs_overlays_trampoline_lowered:
0x8: {  	[smem:$0x3FAD] =	sst s0  }
0x9: {  	[smem:$0x3FAE] =	sst s1  }
0xa: {  	[smem:$0x3FAF] =	sst s2  }
0xb: {  	[smem:$0x3FB0] =	sst s3  }
0xc: {  	[smem:$0x3FB1] =	sst s4  }
0xd: {  	[smem:$0x3FB2] =	sst s5  }
0xe: {  	[smem:$0x3FB3] =	sst s6  }
0xf: {  	[smem:$0x3FB4] =	sst s7  }
0x10: {  	[smem:$0x3FB5] =	sst s8  }
0x11: {  	[smem:$0x3FB6] =	sst s9;
	s0 =	simm.s32 @!p0 $0x0  }
0x12: {  	s1 =	sld [smem:$0x3F9C];
	s0 =	simm.s32 @p0 $0x1  }
0x13: {  	[smem:$0x3FB7] =	sst s0;
	s0 =	simm.s32 @!p1 $0x0  }
0x14: {  	s2 =	sld [smem:$0x3F9B];
	s0 =	simm.s32 @p1 $0x1  }
0x15: {  	[smem:$0x3FB8] =	sst s0;
	s0 =	simm.s32 @!p2 $0x0  }
0x16: {  	s3 =	sld [smem:$0x3FDB];
	s0 =	simm.s32 @p2 $0x1  }
0x17: {  	s4 =	simm.s32 $0x1BF5;
	[smem:$0x3FBA] =	sst s0  }
0x18: {  	s0 =	sld [smem:$0x3F9D];
	_ =	swait.ge [sflag:s4], $0x0  }
0x19: {  	s7 =	sld [smem:$0x3F9E]  }
0x1a: {  	s8 =	sadd.s32 $0xFFFFE003, lr  }
0x1b: {  	s9 =	sadd.s32 $0xFFFFFEF7, lr;
	s5 =	simm.s32 $0xFFFFFFFF;
	p2 =	slt.u32 s8, $0xFFFFF086  }
0x1c: {  	p1 =	slt.u32 s9, $0xF7A;
	s5 =	simm.s32 @!p2 $0x0  }
0x1d: {  	s5 =	simm.s32 @p1 $0x1;
	p0 =	seq.s32 s7, s2  }
0x1e: {  	s7 =	smul.u32 @!p0 $0xF7A, s2;
	p2 =	seq.s32 @!p0 s5, $0x0  }
0x1f: {  	s9 =	smul.u32 $0xF7A, s1;
	s8 =	simm.s32 @!p0 $0x1BF5;
	p2 =	por !p2, p0  }
0x20: {  	[sflag:s8] =	ssyncset.s32 @!p0 $0xFFFFF086;
	s6 =	sadd.s32 @!p0 s3, s7;
	s7 =	simm.s32 @!p0 $0x108  }
0x21: {  	s3 =	sadd.s32 s3, s9;
	s6 =	sadd.s32 @!p0 $0x88, s6;
	s7 =	simm.s32 @p2 $0x1082  }
0x22: {  	[simem:s7], [sflag:s8] =	dma.local @!p0 [hbm:s6], $0xF7A  }
0x23: {  	s9 =	sor.u32 $0xD0000000, s2;
	s6 =	simm.s32 $0x108;
	_ =	swait.ge @!p0 [sflag:s8], $0x0  }
0x24: {  	s3 =	sadd.s32 $0x88, s3;
	s6 =	simm.s32 @!p1 $0x1082;
	[sflag:s4] =	ssyncset.s32 $0xFFFFF086  }
0x25: {  	[simem:s6], [sflag:s4] =	dma.local [hbm:s3], $0xF7A  }
0x26: {  	[smem:$0x3F9E] =	sst s1;
	(tag) =	ssettag s2;
	_ =	strace s9  }
0x27: {  	s1 =	sld [smem:$0x3FAE]  }
0x28: {  	s2 =	sld [smem:$0x3FAF]  }
0x29: {  	s4 =	sld [smem:$0x3FB1]  }
0x2a: {  	p0 =	seq.s32 s5, $0x0;
	s5 =	sld [smem:$0x3FB2]  }
0x2b: {  	s6 =	sld [smem:$0x3FB3]  }
0x2c: {  	s7 =	sld [smem:$0x3FB4]  }
0x2d: {  	s3 =	simm.s32 $0x108;
	s8 =	sld [smem:$0x3FB5]  }
0x2e: {  	s3 =	simm.s32 @!p0 $0x1082;
	s9 =	sld [smem:$0x3FB6]  }
0x2f: {  	lr =	sadd.s32 s0, s3;
	s0 =	sld [smem:$0x3FAD]  }
0x30: {  	s3 =	sld [smem:$0x3FB0]  }
0x31: {  	[smem:$0x3FB9] =	sst s10  }
0x32: {  	s10 =	sld [smem:$0x3FB7];
	_ =	sdelay $0x3  }
0x33: {  	p0 =	seq.s32 s10, $0x1;
	s10 =	sld [smem:$0x3FB9];
	_ =	sdelay $0x3  }
0x34: {  	[smem:$0x3FB9] =	sst s10  }
0x35: {  	s10 =	sld [smem:$0x3FB8];
	_ =	sdelay $0x3  }
0x36: {  	p1 =	seq.s32 s10, $0x1;
	s10 =	sld [smem:$0x3FB9];
	_ =	sdelay $0x3  }
0x37: {  	[smem:$0x3FB9] =	sst s10  }
0x38: {  	s10 =	sld [smem:$0x3FBA]  }
0x39: {  	_ = 	snop;
	(pc) =	sbr.ind lr, $3  }
0x3a: {  	_ = 	snop  }
0x3b: {  	_ = 	snop  }
0x3c: {  	p2 =	seq.s32 s10, $0x1;
	s10 =	sld [smem:$0x3FB9]  }
0x3d: {  	_ =	shalt  }
0x3e: {  	_ =	shalt  }
0x3f: {  	_ =	shalt  }
0x40: {  	_ =	shalt  }
0x41: {  	_ =	shalt  }
0x42: {  	_ =	shalt  }
0x43: {  	_ =	shalt  }
0x44: {  	_ =	shalt  }
0x45: {  	_ =	shalt  }
0x46: {  	_ =	shalt  }
0x47: {  	_ =	shalt  }
0x48: {  	_ =	shalt  }
0x49: {  	_ =	shalt  }
0x4a: {  	_ =	shalt  }
0x4b: {  	_ =	shalt  }
0x4c: {  	_ =	shalt  }
0x4d: {  	_ =	shalt  }
0x4e: {  	_ =	shalt  }
0x4f: {  	_ =	shalt  }
0x50: {  	_ =	shalt  }
0x51: {  	_ =	shalt  }
0x52: {  	_ =	shalt  }
0x53: {  	_ =	shalt  }
0x54: {  	_ =	shalt  }
0x55: {  	_ =	shalt  }
0x56: {  	_ =	shalt  }
0x57: {  	_ =	shalt  }
0x58: {  	_ =	shalt  }
0x59: {  	_ =	shalt  }
0x5a: {  	_ =	shalt  }
0x5b: {  	_ =	shalt  }
0x5c: {  	_ =	shalt  }
0x5d: {  	_ =	shalt  }
0x5e: {  	_ =	shalt  }
0x5f: {  	_ =	shalt  }
0x60: {  	_ =	shalt  }
0x61: {  	_ =	shalt  }
0x62: {  	_ =	shalt  }
0x63: {  	_ =	shalt  }
0x64: {  	_ =	shalt  }
0x65: {  	_ =	shalt  }
0x66: {  	_ =	shalt  }
0x67: {  	_ =	shalt  }
0x68: {  	_ =	shalt  }
0x69: {  	_ =	shalt  }
0x6a: {  	_ =	shalt  }
0x6b: {  	_ =	shalt  }
0x6c: {  	_ =	shalt  }
0x6d: {  	_ =	shalt  }
0x6e: {  	_ =	shalt  }
0x6f: {  	_ =	shalt  }
0x70: {  	_ =	shalt  }
0x71: {  	_ =	shalt  }
0x72: {  	_ =	shalt  }
0x73: {  	_ =	shalt  }
0x74: {  	_ =	shalt  }
0x75: {  	_ =	shalt  }
0x76: {  	_ =	shalt  }
0x77: {  	_ =	shalt  }
0x78: {  	_ =	shalt  }
0x79: {  	_ =	shalt  }
0x7a: {  	_ =	shalt  }
0x7b: {  	_ =	shalt  }
0x7c: {  	_ =	shalt  }
0x7d: {  	_ =	shalt  }
0x7e: {  	_ =	shalt  }
0x7f: {  	_ =	shalt  }
0x80: {  	_ =	shalt  }
0x81: {  	_ =	shalt  }
0x82: {  	_ =	shalt  }
0x83: {  	_ =	shalt  }
0x84: {  	_ =	shalt  }
0x85: {  	_ =	shalt  }
0x86: {  	_ =	shalt  }
0x87: {  	_ =	shalt  }
.Lfunc_end0:
.L_simem_size_0:
called_computation.1_lowered:
.L_overlay_start_0:
0x88: {  	s2 =	sld [smem:$0x3FD9]  }
0x89: {  	s3 =	sld [smem:$0x3FFE];
	_ =	sdelay $0x1  }
0x8a: {  	s1 =	srdreg.scid  }
0x8b: {  	s0 =	sand.u32 $0x1, s1  }
0x8c: {  	s17 =	sshll.u32 s0, $0xA;
	s2 =	sadd.s32 s3, s2  }
0x8d: {  	s2 =	sadd.s32 s2, s17  }
0x8e: {  	[smem:$0x3FC5] =	sst s2  }
0x8f: {  	_ = 	snop  }
0x90: {  	s2 =	sld [smem:$0x3FD0];
	(tm) =	ssettm $0x1  }
0x91: {  	s18 =	sld [smem:$0x3FFB];
	_ =	sdelay $0x3  }
0x92: {  	_ =	strace s18  }
0x93: {  	s3 =	sld [smem:$0x3FFC];
	_ =	sdelay $0x3  }
0x94: {  	_ =	strace s3  }
0x95: {  	s3 =	sld [smem:$0x3FFD];
	_ =	sdelay $0x3  }
0x96: {  	_ =	strace s3  }
0x97: {  	_ =	strace $0x8FFFFFFF  }
0x98: {  	s19 =	sld [smem:$0x3FDB];
	_ =	sdelay $0x1  }
0x99: {  	s4 =	simm.s32 $_scs_section_size  }
0x9a: {  	s5 =	simm.s32 $_size__tile_overlayer_lowered;
	s6 =	simm.s32 $_tile_overlayer_lowered  }
0x9b: {  	s22 =	simm.s32 $0x1BFF;
	s21 =	sshll.u32 s6, $0x1;
	s3 =	sadd.s32 s4, s19  }
0x9c: {  	s7 =	simm.s32 $0x0;
	s20 =	sshll.u32 s5, $0x1;
	s5 =	sadd.s32 s21, s3  }
0x9d: {  	[timem:s7], [sflag:s22] =	dma.local [hbm:s5], s20  }
0x9e: {  	_ =	swait.ge [sflag:s22], s20  }
0x9f: {  	s4 =	ssub.s32 $0x0, s20;
	[sflag:s22] =	ssyncset.done $0x0  }
0xa0: {  	[sflag:s22] =	ssyncadd.s32 s4;
	_ =	sdelay $0x1  }
0xa1: {  	s23 =	simm.s32 $0x1B8B  }
0xa2: {  	_ =	swait.ge [sflag:s23], $0x1  }
0xa3: {  	[sflag:s23] =	ssyncset.done $0x0  }
0xa4: {  	s25 =	simm.s32 $0x1B8E;
	s24 =	sld [smem:$0x3FFE];
	[sflag:s23] =	ssyncadd.s32 $0xFFFFFFFF  }
0xa5: {  	s26 =	simm.s32 $execute0_lowered;
	[smem:$0x3FD2] =	sst s25  }
0xa6: {  	s5 =	sshll.u32 s26, $0x1;
	_ =	strace $0x80000049;
	[dreg:$0x1] =	wrdreg $0xFFFFFFFF  }
0xa7: {  	s28 =	simm.s32 $_size_execute0_lowered;
	s3 =	sadd.s32 s3, s5;
	[dreg:$0x0] =	wrdreg $0x0  }
0xa8: {  	s5 =	sshll.u32 s28, $0x1;
	[dreg:$0x2] =	wrdreg s3  }
0xa9: {  	[dreg:$0x3] =	wrdreg s5  }
0xaa: {  	[dreg:$0x4] =	wrdreg $0xC0  }
0xab: {  	_ =	task [dreg:s7], $0x5FFFF  }
0xac: {  	[dreg:$0x1] =	wrdreg $0xFFFFFFFF  }
0xad: {  	[dreg:$0x0] =	wrdreg $0x60  }
0xae: {  	[dreg:$0x2] =	wrdreg s24  }
0xaf: {  	[dreg:$0x3] =	wrdreg s2  }
0xb0: {  	[dreg:$0x4] =	wrdreg $0x9  }
0xb1: {  	_ =	task.clear_ibuf [dreg:s7], $0x5FFFF;
	_ =	strace $0x90000049  }
0xb2: {  	s29 =	simm.s32 $0x9;
	_ =	strace $0x8000004B  }
0xb3: {  	_ =	swait.ge [sflag:s29], $0x1  }
0xb4: {  	[sflag:s29] =	ssyncadd.s32 $0xFFFFFFFF  }
0xb5: {  	_ =	strace $0x9000004B  }
0xb6: {  	_ =	sfence  }
0xb7: {  	s30 =	sld [smem:$0x0];
	_ =	sdelay $0x2  }
0xb8: {  	s31 =	sshll.u32 s1, $0xD;
	s1 =	sshrl.u32 s1, $0x2  }
0xb9: {  	s3 =	sand.u32 $0x4000, s31;
	s1 =	sadd.s32 s1, s30  }
0xba: {  	s0 =	sor.u32 s3, s0;
	s1 =	sshll.u32 s1, $0x11  }
0xbb: {  	s0 =	sor.u32 s1, s0  }
0xbc: {  	s0 =	sadd.s32 $0x8F2B, s0  }
0xbd: {  	[sflag:s0] =	ssyncadd.remote.s32 $0x1  }
0xbe: {  	_ =	sfence.sel $0xFFFF  }
0xbf: {  	[dreg:$0x0] =	wrdreg $0xFFFFFFFF;
	(pc) =	sbr.abs _section_cstart, $3  }
0xc0: {  	[dreg:$0x1] =	wrdreg $0xFFFFFFFF  }
0xc1: {  	_ =	task.clear_ibuf [dreg:s7], $0x2FFFF;
	_ =	strace $0x9FFFFFFF  }
0xc2: {  	(tm) =	ssettm $0x7FFFFFFF  }
0xc3: {  	_ =	shalt  }
tec
execute0_lowered:
.L_overlay_start_1:
0x0: {  	(tag) =	ssettag $0x1  }
0x1: {  	s0 =	rddreg [dreg:$0x0]  }
0x2: {  	s2 =	rddreg [dreg:$0x1];
	s1 =	simm.s32 $0x0  }
0x3: {  	[smem:$0x7FF] =	sst s1;
	s9 =	sadd.s32 $0xC1A00, s0  }
0x4: {  	s12 =	sadd.s32 $0x1800, s0;
	_ =	strace $0x8000004A;
	[dreg:$0x3] =	wrdreg s9  }
0x5: {  	s14 =	sadd.s32 $0x62A00, s0;
	[dreg:$0x4] =	wrdreg s12  }
0x6: {  	s15 =	sadd.s32 $0x82A00, s0;
	[dreg:$0x5] =	wrdreg s14  }
0x7: {  	s16 =	sadd.s32 $0xA2A00, s0;
	[dreg:$0x6] =	wrdreg s15  }
0x8: {  	s5 =	srdreg.scid;
	s17 =	sadd.s32 $0x63A00, s0;
	[dreg:$0x7] =	wrdreg s16  }
0x9: {  	s8 =	stileid.u32;
	s18 =	sadd.s32 $0x83A00, s0;
	[dreg:$0x8] =	wrdreg s17  }
0xa: {  	s29 =	simm.s32 $0x15000;
	s19 =	sadd.s32 $0xA3A00, s0;
	[dreg:$0x9] =	wrdreg s18  }
0xb: {  	s30 =	simm.s32 $0x4;
	s20 =	sadd.s32 $0x64A00, s0;
	[dreg:$0xa] =	wrdreg s19  }
0xc: {  	s31 =	simm.s32 $0x1;
	s21 =	sadd.s32 $0x84A00, s0;
	[dreg:$0xb] =	wrdreg s20  }
0xd: {  	s3 =	sadd.s32 $0x61A00, s0;
	s22 =	sadd.s32 $0xA4A00, s0;
	[dreg:$0xc] =	wrdreg s21  }
0xe: {  	s4 =	sadd.s32 $0x81A00, s0;
	s23 =	sadd.s32 $0x65A00, s0;
	[dreg:$0xd] =	wrdreg s22  }
0xf: {  	s6 =	sand.u32 $0x1, s5;
	s24 =	sadd.s32 $0x85A00, s0;
	[dreg:$0xe] =	wrdreg s23  }
0x10: {  	s5 =	sadd.s32 $0xA1A00, s0;
	s25 =	sadd.s32 $0xA5A00, s0;
	[dreg:$0xf] =	wrdreg s24  }
0x11: {  	s8 =	sshll.u32 s8, $0x1;
	s26 =	sadd.s32 $0x66A00, s0;
	[dreg:$0x10] =	wrdreg s25  }
0x12: {  	s7 =	ssub.s32 $0x2, s6;
	s6 =	sor.u32 s6, s8;
	[dreg:$0x11] =	wrdreg s26  }
.Ltmp0:
0x13: {  	s22 =	sadd.s32 $0x86A00, s0;
	s23 =	sadd.s32 $0xA6A00, s0;
	(pc) =	sbr.rel .LBB2_1-.Ltmp0, $4  }
0x14: {  	s24 =	sadd.s32 $0x67A00, s0;
	s25 =	sadd.s32 $0x87A00, s0;
	s26 =	sadd.s32 $0xA7A00, s0  }
0x15: {  	s11 =	sshrl.u32 s7, $0x1;
	s13 =	sshll.u32 s6, $0xE;
	s6 =	sshll.u32 s6, $0xC  }
0x16: {  	s0 =	simm.s32 $0x2;
	s7 =	ssub.s32 s7, s11;
	s21 =	sadd.s32 s2, s6  }
0x17: {  	v1 =	vlaneseq.u32;
	v0 =	vmov s13;
	s2 =	simm.s32 $0x3;
	s6 =	simm.s32 $0x0;
	s28 =	smax.u32 s7, $0x1  }
.LBB2_18:
0x18: {  	s6 =	sadd.s32 $0x1, s6  }
0x19: {  	p0 =	sne.s32 s6, s28  }
.Ltmp1:
0x1a: {  	_ = 	snop;
	(pc) =	sbr.rel @!p0 .LBB2_19-.Ltmp1, $4  }
0x1b: {  	[hbm4b:s21+s1] =	stream.linear.scatter [tilespmem:s29], [sflag:$0x4], $0x8000, $0x38;
	[tilespmem:$0x1D200] =	vst v63  }
0x1c: {  	_ =	swait.ge [sflag:s30], $0x8000  }
0x1d: {  	[sflag:s30] =	ssyncset.done $0x0  }
0x1e: {  	[sflag:s30] =	ssyncadd.s32 $0xFFFF8000  }
.LBB2_1:
0x1f: {  	s7 =	rddreg [dreg:$0x4]  }
0x20: {  	[tilespmem:s29], [sflag:$0x4] =	stream.linear.gather [hbm4b:s7+s1], $0x8000, $0x38;
	[tilespmem:$0x1D200] =	vst v63  }
0x21: {  	_ =	swait.ge [sflag:s30], $0x8000  }
0x22: {  	[sflag:s30] =	ssyncset.done $0x0  }
0x23: {  	s8 =	simm.s32 $0x1D000;
	s12 =	rddreg [dreg:$0x3];
	[sflag:s30] =	ssyncadd.s32 $0xFFFF8000  }
0x24: {  	[tilespmem:s8], [sflag:$0x4] =	stream.linear.gather [hbm4b:s12+s1], $0x200, $0x38;
	[tilespmem:$0x1D200] =	vst v63  }
0x25: {  	_ =	swait.ge [sflag:s30], $0x200  }
0x26: {  	[sflag:s30] =	ssyncset.done $0x0  }
0x27: {  	[sflag:s30] =	ssyncadd.s32 $0xFFFFFE00  }
0x28: {  	[tilespmem:s1], [sflag:$0x1] =	stream.linear.gather [hbm4b:s3+s1], $0x1000, $0x38;
	[tilespmem:$0x1D200] =	vst v63  }
0x29: {  	s13 =	simm.s32 $0x7000  }
0x2a: {  	[tilespmem:s13], [sflag:$0x2] =	stream.linear.gather [hbm4b:s4+s1], $0x1000, $0x38;
	[tilespmem:$0x1D200] =	vst v63  }
0x2b: {  	s14 =	simm.s32 $0xE000  }
0x2c: {  	[tilespmem:s14], [sflag:$0x3] =	stream.linear.gather [hbm4b:s5+s1], $0x1000, $0x38;
	[tilespmem:$0x1D200] =	vst v63  }
0x2d: {  	s16 =	simm.s32 $0x1000;
	s15 =	rddreg [dreg:$0x5]  }
0x2e: {  	[tilespmem:s16], [sflag:$0x1] =	stream.linear.gather [hbm4b:s15+s1], $0x1000, $0x38;
	[tilespmem:$0x1D200] =	vst v63  }
0x2f: {  	s18 =	simm.s32 $0x8000;
	s17 =	rddreg [dreg:$0x6]  }
0x30: {  	[tilespmem:s18], [sflag:$0x2] =	stream.linear.gather [hbm4b:s17+s1], $0x1000, $0x38;
	[tilespmem:$0x1D200] =	vst v63  }
0x31: {  	s20 =	simm.s32 $0xF000;
	s19 =	rddreg [dreg:$0x7]  }
0x32: {  	[tilespmem:s20], [sflag:$0x3] =	stream.linear.gather [hbm4b:s19+s1], $0x1000, $0x38;
	[tilespmem:$0x1D200] =	vst v63  }
0x33: {  	s10 =	simm.s32 $0x2000;
	s9 =	rddreg [dreg:$0x8]  }
0x34: {  	[tilespmem:s10], [sflag:$0x1] =	stream.linear.gather [hbm4b:s9+s1], $0x1000, $0x38;
	[tilespmem:$0x1D200] =	vst v63  }
0x35: {  	s12 =	simm.s32 $0x9000;
	s11 =	rddreg [dreg:$0x9]  }
0x36: {  	[tilespmem:s12], [sflag:$0x2] =	stream.linear.gather [hbm4b:s11+s1], $0x1000, $0x38;
	[tilespmem:$0x1D200] =	vst v63  }
0x37: {  	s13 =	rddreg [dreg:$0xa];
	s14 =	simm.s32 $0x10000  }
0x38: {  	[tilespmem:s14], [sflag:$0x3] =	stream.linear.gather [hbm4b:s13+s1], $0x1000, $0x38;
	[tilespmem:$0x1D200] =	vst v63  }
0x39: {  	s15 =	rddreg [dreg:$0xb];
	s16 =	simm.s32 $0x3000  }
0x3a: {  	[tilespmem:s16], [sflag:$0x1] =	stream.linear.gather [hbm4b:s15+s1], $0x1000, $0x38;
	[tilespmem:$0x1D200] =	vst v63  }
0x3b: {  	s17 =	rddreg [dreg:$0xc];
	s18 =	simm.s32 $0xA000  }
0x3c: {  	[tilespmem:s18], [sflag:$0x2] =	stream.linear.gather [hbm4b:s17+s1], $0x1000, $0x38;
	[tilespmem:$0x1D200] =	vst v63  }
0x3d: {  	s19 =	rddreg [dreg:$0xd];
	s20 =	simm.s32 $0x11000  }
0x3e: {  	[tilespmem:s20], [sflag:$0x3] =	stream.linear.gather [hbm4b:s19+s1], $0x1000, $0x38;
	[tilespmem:$0x1D200] =	vst v63  }
0x3f: {  	s8 =	rddreg [dreg:$0xe];
	s9 =	simm.s32 $0x4000  }
0x40: {  	[tilespmem:s9], [sflag:$0x1] =	stream.linear.gather [hbm4b:s8+s1], $0x1000, $0x38;
	[tilespmem:$0x1D200] =	vst v63  }
0x41: {  	s10 =	rddreg [dreg:$0xf];
	s11 =	simm.s32 $0xB000  }
0x42: {  	[tilespmem:s11], [sflag:$0x2] =	stream.linear.gather [hbm4b:s10+s1], $0x1000, $0x38;
	[tilespmem:$0x1D200] =	vst v63  }
0x43: {  	s12 =	rddreg [dreg:$0x10];
	s13 =	simm.s32 $0x12000  }
0x44: {  	[tilespmem:s13], [sflag:$0x3] =	stream.linear.gather [hbm4b:s12+s1], $0x1000, $0x38;
	[tilespmem:$0x1D200] =	vst v63  }
0x45: {  	s14 =	rddreg [dreg:$0x11];
	s15 =	simm.s32 $0x5000  }
0x46: {  	[tilespmem:s15], [sflag:$0x1] =	stream.linear.gather [hbm4b:s14+s1], $0x1000, $0x38;
	[tilespmem:$0x1D200] =	vst v63  }
0x47: {  	s16 =	simm.s32 $0xC000  }
0x48: {  	[tilespmem:s16], [sflag:$0x2] =	stream.linear.gather [hbm4b:s22+s1], $0x1000, $0x38;
	[tilespmem:$0x1D200] =	vst v63  }
0x49: {  	s17 =	simm.s32 $0x13000  }
0x4a: {  	[tilespmem:s17], [sflag:$0x3] =	stream.linear.gather [hbm4b:s23+s1], $0x1000, $0x38;
	[tilespmem:$0x1D200] =	vst v63  }
0x4b: {  	s18 =	simm.s32 $0x6000  }
0x4c: {  	[tilespmem:s18], [sflag:$0x1] =	stream.linear.gather [hbm4b:s24+s1], $0x1000, $0x38;
	[tilespmem:$0x1D200] =	vst v63  }
.Ltmp2:
0x4d: {  	_ = 	snop;
	(pc) =	sbr.rel .LBB2_2-.Ltmp2, $4  }
0x4e: {  	s19 =	simm.s32 $0xD000  }
0x4f: {  	[tilespmem:s19], [sflag:$0x2] =	stream.linear.gather [hbm4b:s25+s1], $0x1000, $0x38;
	[tilespmem:$0x1D200] =	vst v63  }
0x50: {  	s7 =	simm.s32 $0x0;
	s20 =	simm.s32 $0x14000;
	s8 =	simm.s32 $0x0  }
0x51: {  	[tilespmem:s20], [sflag:$0x3] =	stream.linear.gather [hbm4b:s26+s1], $0x1000, $0x38;
	[tilespmem:$0x1D200] =	vst v63  }
.LBB2_17:
0x52: {  	p0 =	sgt.u32 s8, $0x18  }
0x53: {  	s9 =	sshll.u32 @!p0 s8, $0xC  }
0x54: {  	s9 =	sadd.s32 @!p0 $0x7000, s9  }
0x55: {  	s14 =	simm.s32 @!p0 $0x0;
	s10 =	sadd.s32 @!p0 s3, s9  }
0x56: {  	[tilespmem:s12], [sflag:$0x1] =	stream.linear.gather @!p0 [hbm4b:s10+s14], $0x1000, $0x38;
	[tilespmem:$0x1D200] =	vst v63  }
0x57: {  	s10 =	sadd.s32 @!p0 s4, s9  }
0x58: {  	[tilespmem:s13], [sflag:$0x2] =	stream.linear.gather @!p0 [hbm4b:s10+s14], $0x1000, $0x38;
	[tilespmem:$0x1D200] =	vst v63  }
0x59: {  	s8 =	sadd.s32 $0x1, s8;
	s9 =	sadd.s32 @!p0 s5, s9  }
0x5a: {  	[tilespmem:s11], [sflag:$0x3] =	stream.linear.gather @!p0 [hbm4b:s9+s14], $0x1000, $0x38;
	[tilespmem:$0x1D200] =	vst v63  }
0x5b: {  	p0 =	sne.s32 s8, $0x20  }
.Ltmp3:
0x5c: {  	_ = 	snop;
	(pc) =	sbr.rel @!p0 .LBB2_18-.Ltmp3, $2  }
0x5d: {  	_ =	sdelay $0x2  }
0x5e: {  	s7 =	sadd.s32 $0x1000, s7  }
.LBB2_2:
0x5f: {  	_ =	swait.ge [sflag:s31], $0x1000  }
0x60: {  	[sflag:s31] =	ssyncset.done $0x0  }
0x61: {  	[sflag:s31] =	ssyncadd.s32 $0xFFFFF000  }
0x62: {  	_ =	swait.ge [sflag:s0], $0x1000  }
0x63: {  	[sflag:s0] =	ssyncset.done $0x0  }
0x64: {  	[sflag:s0] =	ssyncadd.s32 $0xFFFFF000  }
0x65: {  	_ =	swait.ge [sflag:s2], $0x1000  }
0x66: {  	s9 =	sshll.u32 s8, $0x4;
	[sflag:s2] =	ssyncset.done $0x0  }
0x67: {  	s9 =	sand.u32 $0x3FFFFFF0, s9;
	[sflag:s2] =	ssyncadd.s32 $0xFFFFF000  }
0x68: {  	v2 =	vld [tilespmem:s9+$0x1D000];
	_ =	sdelay $0x4  }
0x69: {  	(v2sf) =	vpush v2, $0x0;
	_ =	sdelay $0xe  }
0x6a: {  	s9 =	spop (v2sf)  }
0x6b: {  	s10 =	smulhi.u32 $0x24924925, s8;
	p0 =	slt.s32 s9, $0x1000;
	s12 =	smov.u32 s9  }
0x6c: {  	s12 =	simm.s32 @!p0 $0x1000  }
0x6d: {  	s11 =	ssub.s32 s8, s10;
	s13 =	sadd.s32 $0xF, s12  }
0x6e: {  	s11 =	sshrl.u32 s11, $0x1;
	s14 =	sand.u32 $0xF, s13  }
0x6f: {  	p1 =	slt.s32 s9, $0xFFFFFFF2;
	s19 =	sshra.s32 s13, $0x1F;
	p6 =	sne.s32 s14, $0x0  }
0x70: {  	s10 =	sadd.s32 s10, s11;
	s20 =	sshrl.u32 s19, $0x1C;
	p0 =	por !p1, !p6  }
0x71: {  	s11 =	sadd.s32 s20, s13;
	s13 =	simm.s32 $0x1;
	p0 =	por !p0, !p0  }
0x72: {  	s11 =	sshra.s32 s11, $0x4;
	s13 =	simm.s32 @!p0 $0x0  }
0x73: {  	s14 =	ssub.s32 s11, s13  }
0x74: {  	p0 =	slt.s32 s14, $0x1  }
.Ltmp4:
0x75: {  	_ = 	snop;
	(pc) =	sbr.rel @p0 .LBB2_8-.Ltmp4, $3  }
0x76: {  	s10 =	sshrl.u32 s10, $0x2  }
0x77: {  	s10 =	smul.u32 $0x7000, s10;
	_ =	sdelay $0x1  }
0x78: {  	s10 =	ssub.s32 s7, s10  }
0x79: {  	p1 =	sne.s32 s14, $0x1  }
.Ltmp5:
0x7a: {  	_ = 	snop;
	(pc) =	sbr.rel @!p1 .LBB2_4-.Ltmp5, $3  }
0x7b: {  	_ =	sdelay $0x1  }
0x7c: {  	s11 =	simm.s32 $0x0  }
0x7d: {  	v2 =	vmov s12;
	s13 =	sadd.s32 $0x0, s10;
	s12 =	sadd.s32 $0xFFFFFFFF, s14;
	p0 =	por $0x0, $0x0  }
0x7e: {  	s13 =	sand.u32 $0xFFFFFF80, s13;
	s14 =	sand.u32 $0x70, s11  }
0x7f: {  	s13 =	sor.u32 s14, s13  }
0x80: {  	v3 =	vld [tilespmem:s13+$0x0];
	_ =	sdelay $0x4  }
0x81: {  	v4 =	vsub.s32 v3, v0  }
0x82: {  	v6 =	vshll.u32 v3, $0x1;
	v5 =	vshll.u32 v4, $0x1  }
0x83: {  	v6 =	vand.u32 $0x700, v6;
	v5 =	vand.u32 $0xFFFFF800, v5  }
0x84: {  	v5 =	vor.u32 v6, v5;
	v6 =	vor.u32 s11, v1  }
0x85: {  	vm1 =	vlt.u32 v4, $0x4000;
	vm0 =	vlt.s32 v6, v2  }
0x86: {  	p1 =	sne.s32 s12, $0x1;
	v7 =	vand.u32 $0x7F, v3;
	vm0 =	vmand vm0, vm1  }
.Ltmp6:
0x87: {  	v3 =	vld [tilespmem:s13+$0x7000];
	v4 =	vor.u32 v7, v5;
	(pc) =	sbr.rel @!p1 .LBB2_7-.Ltmp6, $3  }
0x88: {  	v5 =	vld [tilespmem:s13+$0xE000];
	v6 =	vor.u32 $0x80, v4;
	_ =	sdelay $0x1  }
0x89: {  	s12 =	sadd.s32 $0xFFFFFFFF, s12  }
0x8a: {  	p0 =	por $0x1, $0x1;
	s11 =	simm.s32 $0x10;
	s13 =	sadd.s32 $0x10, s10  }
.LBB2_6:
0x8b: {  	p1 =	sne.s32 s12, $0x1;
	s13 =	sand.u32 $0xFFFFFF80, s13;
	s14 =	sand.u32 $0x70, s11;
	[tilespmem:v4+s29+$0x0] =	vst.idx.msk vm0, v3  }
0x8c: {  	s13 =	sor.u32 s14, s13;
	[tilespmem:v6+s29+$0x0] =	vst.idx.msk vm0, v5  }
0x8d: {  	v3 =	vld [tilespmem:s13+$0x0];
	_ =	sdelay $0x4  }
0x8e: {  	v5 =	vor.u32 s11, v1;
	v4 =	vsub.s32 v3, v0  }
0x8f: {  	vm0 =	vlt.s32 v5, v2;
	v6 =	vshll.u32 v3, $0x1;
	v5 =	vshll.u32 v4, $0x1  }
0x90: {  	vm1 =	vlt.u32 v4, $0x4000;
	v4 =	vand.u32 $0xFFFFF800, v5;
	v5 =	vand.u32 $0x700, v6  }
0x91: {  	vm0 =	vmand vm0, vm1;
	v4 =	vor.u32 v5, v4;
	v5 =	vand.u32 $0x7F, v3  }
.Ltmp7:
0x92: {  	v3 =	vld [tilespmem:s13+$0x7000];
	v4 =	vor.u32 v5, v4;
	(pc) =	sbr.rel @p1 .LBB2_6-.Ltmp7, $3  }
0x93: {  	v5 =	vld [tilespmem:s13+$0xE000];
	v6 =	vor.u32 $0x80, v4;
	_ =	sdelay $0x1  }
0x94: {  	s11 =	sadd.s32 $0x10, s11  }
0x95: {  	s12 =	sadd.s32 $0xFFFFFFFF, s12;
	s13 =	sadd.s32 s11, s10  }
.LBB2_7:
0x96: {  	_ =	sdelay $0x4  }
0x97: {  	s12 =	sand.u32 $0xFFFFFF80, s13;
	s20 =	sand.u32 $0x70, s11;
	[tilespmem:v4+s29+$0x0] =	vst.idx.msk @p0 vm0, v3  }
0x98: {  	s12 =	sor.u32 s20, s12;
	[tilespmem:v6+s29+$0x0] =	vst.idx.msk @p0 vm0, v5  }
0x99: {  	v3 =	vld [tilespmem:s12+$0x0];
	_ =	sdelay $0x4  }
0x9a: {  	v59 =	vor.u32 s11, v1;
	v58 =	vsub.s32 v3, v0  }
0x9b: {  	vm15 =	vlt.s32 v59, v2;
	v60 =	vshll.u32 v3, $0x1;
	v2 =	vshll.u32 v58, $0x1  }
0x9c: {  	vm1 =	vlt.u32 v58, $0x4000;
	v61 =	vand.u32 $0x700, v60;
	v2 =	vand.u32 $0xFFFFF800, v2  }
0x9d: {  	v3 =	vand.u32 $0x7F, v3;
	vm0 =	vmand vm15, vm1;
	v2 =	vor.u32 v61, v2  }
0x9e: {  	v62 =	vld [tilespmem:s12+$0x7000];
	v2 =	vor.u32 v3, v2  }
0x9f: {  	v3 =	vld [tilespmem:s12+$0xE000];
	v63 =	vor.u32 $0x80, v2;
	_ =	sdelay $0x3  }
0xa0: {  	[tilespmem:v2+s29+$0x0] =	vst.idx.msk vm0, v62  }
0xa1: {  	[tilespmem:v63+s29+$0x0] =	vst.idx.msk vm0, v3  }
.LBB2_8:
0xa2: {  	s11 =	smul.u32 $0x25, s8  }
0xa3: {  	s19 =	sadd.s32 $0xFFF, s9  }
0xa4: {  	s13 =	sand.u32 $0xFFF, s19;
	s11 =	sshrl.u32 s11, $0x8  }
0xa5: {  	s14 =	sshra.s32 s19, $0x1F;
	p0 =	slt.s32 s19, $0x1;
	s12 =	ssub.s32 s8, s11  }
0xa6: {  	p1 =	sne.s32 s13, $0x0;
	s20 =	sshrl.u32 s14, $0x14;
	s12 =	sand.u32 $0xFE, s12  }
0xa7: {  	s13 =	simm.s32 $0x1;
	p0 =	por !p0, !p1;
	s12 =	sshrl.u32 s12, $0x1  }
0xa8: {  	p0 =	por !p0, !p0;
	s11 =	sadd.s32 s11, s12;
	s12 =	sadd.s32 s20, s19  }
0xa9: {  	s13 =	simm.s32 @!p0 $0x0;
	s11 =	sand.u32 $0xFC, s11;
	s12 =	sshra.s32 s12, $0xC  }
0xaa: {  	s11 =	sshrl.u32 s11, $0x2;
	s14 =	ssub.s32 s12, s13  }
0xab: {  	s11 =	smul.u32 $0x7, s11;
	p0 =	slt.s32 s14, $0x2  }
.Ltmp8:
0xac: {  	_ = 	snop;
	(pc) =	sbr.rel @p0 .LBB2_17-.Ltmp8, $4  }
0xad: {  	s11 =	ssub.s32 s8, s11  }
0xae: {  	s11 =	sand.u32 $0xFF, s11  }
0xaf: {  	s12 =	sshll.u32 s11, $0xC  }
0xb0: {  	s13 =	sadd.s32 $0x7000, s12;
	s11 =	sadd.s32 $0xE000, s12  }
.Ltmp9:
0xb1: {  	(pc) =	sbr.rel .LBB2_10-.Ltmp9, $2  }
0xb2: {  	_ =	sdelay $0x2  }
0xb3: {  	s15 =	sshll.u32 s8, $0xF;
	s16 =	simm.s32 $0x1  }
.LBB2_12:
0xb4: {  	_ = 	snop  }
.LBB2_15:
0xb5: {  	_ =	sdelay $0x4  }
0xb6: {  	s18 =	sand.u32 $0xFFFFFF80, s19;
	s20 =	sand.u32 $0x70, s17;
	[tilespmem:v4+s29+$0x0] =	vst.idx.msk @p0 vm0, v3  }
0xb7: {  	s18 =	sor.u32 s20, s18;
	[tilespmem:v6+s29+$0x0] =	vst.idx.msk @p0 vm0, v5  }
0xb8: {  	v3 =	vld [tilespmem:s18+$0x0];
	_ =	sdelay $0x4  }
0xb9: {  	v59 =	vor.u32 s17, v1;
	v58 =	vsub.s32 v3, v0  }
0xba: {  	vm15 =	vlt.s32 v59, v2;
	v60 =	vshll.u32 v3, $0x1;
	v2 =	vshll.u32 v58, $0x1  }
0xbb: {  	vm1 =	vlt.u32 v58, $0x4000;
	v61 =	vand.u32 $0x700, v60;
	v2 =	vand.u32 $0xFFFFF800, v2  }
0xbc: {  	v3 =	vand.u32 $0x7F, v3;
	vm0 =	vmand vm15, vm1;
	v2 =	vor.u32 v61, v2  }
0xbd: {  	v62 =	vld [tilespmem:s18+$0x7000];
	v2 =	vor.u32 v3, v2  }
0xbe: {  	v3 =	vld [tilespmem:s18+$0xE000];
	v63 =	vor.u32 $0x80, v2;
	_ =	sdelay $0x3  }
0xbf: {  	[tilespmem:v2+s29+$0x0] =	vst.idx.msk vm0, v62  }
0xc0: {  	[tilespmem:v63+s29+$0x0] =	vst.idx.msk vm0, v3  }
.LBB2_16:
0xc1: {  	s16 =	sadd.s32 $0x1, s16  }
0xc2: {  	p0 =	sne.s32 s16, s14  }
.Ltmp10:
0xc3: {  	_ = 	snop;
	(pc) =	sbr.rel @!p0 .LBB2_17-.Ltmp10, $1  }
0xc4: {  	_ =	sdelay $0x3  }
.LBB2_10:
0xc5: {  	s17 =	sshll.u32 s16, $0xC  }
0xc6: {  	s18 =	sadd.s32 s15, s17  }
0xc7: {  	s18 =	sshrl.u32 s18, $0x3  }
0xc8: {  	s19 =	sadd.s32 s3, s18  }
0xc9: {  	[tilespmem:s12], [sflag:$0x4] =	stream.linear.gather [hbm4b:s19+s1], $0x1000, $0x38;
	[tilespmem:$0x1D200] =	vst v63  }
0xca: {  	_ =	swait.ge [sflag:s30], $0x1000  }
0xcb: {  	[sflag:s30] =	ssyncset.done $0x0  }
0xcc: {  	s20 =	sadd.s32 s4, s18;
	[sflag:s30] =	ssyncadd.s32 $0xFFFFF000  }
0xcd: {  	[tilespmem:s13], [sflag:$0x4] =	stream.linear.gather [hbm4b:s20+s1], $0x1000, $0x38;
	[tilespmem:$0x1D200] =	vst v63  }
0xce: {  	_ =	swait.ge [sflag:s30], $0x1000  }
0xcf: {  	[sflag:s30] =	ssyncset.done $0x0  }
0xd0: {  	s18 =	sadd.s32 s5, s18;
	[sflag:s30] =	ssyncadd.s32 $0xFFFFF000  }
0xd1: {  	[tilespmem:s11], [sflag:$0x4] =	stream.linear.gather [hbm4b:s18+s1], $0x1000, $0x38;
	[tilespmem:$0x1D200] =	vst v63  }
0xd2: {  	s18 =	ssub.s32 s9, s17  }
0xd3: {  	p0 =	slt.s32 s18, $0x1000  }
0xd4: {  	p1 =	slt.s32 s18, $0xFFFFFFF2;
	s18 =	simm.s32 @!p0 $0x1000  }
0xd5: {  	s17 =	sadd.s32 $0xF, s18  }
0xd6: {  	s20 =	sand.u32 $0xF, s17  }
0xd7: {  	p6 =	sne.s32 s20, $0x0;
	s20 =	sshra.s32 s17, $0x1F  }
0xd8: {  	s19 =	sshrl.u32 s20, $0x1C;
	p0 =	por !p1, !p6  }
0xd9: {  	s17 =	sadd.s32 s19, s17;
	p0 =	por !p0, !p0;
	s19 =	simm.s32 $0x1  }
0xda: {  	s17 =	sshra.s32 s17, $0x4;
	s19 =	simm.s32 @!p0 $0x0  }
0xdb: {  	s20 =	ssub.s32 s17, s19  }
0xdc: {  	p0 =	slt.s32 s20, $0x1  }
.Ltmp11:
0xdd: {  	_ = 	snop;
	(pc) =	sbr.rel @p0 .LBB2_16-.Ltmp11, $4  }
0xde: {  	_ = 	snop  }
0xdf: {  	_ =	swait.ge [sflag:s30], $0x1000  }
0xe0: {  	[sflag:s30] =	ssyncset.done $0x0  }
0xe1: {  	[sflag:s30] =	ssyncadd.s32 $0xFFFFF000  }
0xe2: {  	p1 =	sne.s32 s20, $0x1  }
.Ltmp12:
0xe3: {  	_ = 	snop;
	(pc) =	sbr.rel @!p1 .LBB2_12-.Ltmp12, $3  }
0xe4: {  	_ =	sdelay $0x1  }
0xe5: {  	s17 =	simm.s32 $0x0  }
0xe6: {  	v2 =	vmov s18;
	s19 =	sadd.s32 $0x0, s10;
	s18 =	sadd.s32 $0xFFFFFFFF, s20;
	p0 =	por $0x0, $0x0  }
0xe7: {  	s19 =	sand.u32 $0xFFFFFF80, s19;
	s20 =	sand.u32 $0x70, s17  }
0xe8: {  	s19 =	sor.u32 s20, s19  }
0xe9: {  	v3 =	vld [tilespmem:s19+$0x0];
	_ =	sdelay $0x4  }
0xea: {  	v4 =	vsub.s32 v3, v0  }
0xeb: {  	v6 =	vshll.u32 v3, $0x1;
	v5 =	vshll.u32 v4, $0x1  }
0xec: {  	v6 =	vand.u32 $0x700, v6;
	v5 =	vand.u32 $0xFFFFF800, v5  }
0xed: {  	v5 =	vor.u32 v6, v5;
	v6 =	vor.u32 s17, v1  }
0xee: {  	vm1 =	vlt.u32 v4, $0x4000;
	vm0 =	vlt.s32 v6, v2  }
0xef: {  	p1 =	sne.s32 s18, $0x1;
	v7 =	vand.u32 $0x7F, v3;
	vm0 =	vmand vm0, vm1  }
.Ltmp13:
0xf0: {  	v3 =	vld [tilespmem:s19+$0x7000];
	v4 =	vor.u32 v7, v5;
	(pc) =	sbr.rel @!p1 .LBB2_15-.Ltmp13, $3  }
0xf1: {  	v5 =	vld [tilespmem:s19+$0xE000];
	v6 =	vor.u32 $0x80, v4;
	_ =	sdelay $0x1  }
0xf2: {  	s18 =	sadd.s32 $0xFFFFFFFF, s18  }
0xf3: {  	p0 =	por $0x1, $0x1;
	s17 =	simm.s32 $0x10;
	s19 =	sadd.s32 $0x10, s10  }
.LBB2_14:
0xf4: {  	p1 =	sne.s32 s18, $0x1;
	s19 =	sand.u32 $0xFFFFFF80, s19;
	s20 =	sand.u32 $0x70, s17;
	[tilespmem:v4+s29+$0x0] =	vst.idx.msk vm0, v3  }
0xf5: {  	s19 =	sor.u32 s20, s19;
	[tilespmem:v6+s29+$0x0] =	vst.idx.msk vm0, v5  }
0xf6: {  	v3 =	vld [tilespmem:s19+$0x0];
	_ =	sdelay $0x4  }
0xf7: {  	v5 =	vor.u32 s17, v1;
	v4 =	vsub.s32 v3, v0  }
0xf8: {  	vm0 =	vlt.s32 v5, v2;
	v6 =	vshll.u32 v3, $0x1;
	v5 =	vshll.u32 v4, $0x1  }
0xf9: {  	vm1 =	vlt.u32 v4, $0x4000;
	v4 =	vand.u32 $0xFFFFF800, v5;
	v5 =	vand.u32 $0x700, v6  }
0xfa: {  	vm0 =	vmand vm0, vm1;
	v4 =	vor.u32 v5, v4;
	v5 =	vand.u32 $0x7F, v3  }
.Ltmp14:
0xfb: {  	v3 =	vld [tilespmem:s19+$0x7000];
	v4 =	vor.u32 v5, v4;
	(pc) =	sbr.rel @p1 .LBB2_14-.Ltmp14, $3  }
0xfc: {  	v5 =	vld [tilespmem:s19+$0xE000];
	v6 =	vor.u32 $0x80, v4;
	_ =	sdelay $0x1  }
0xfd: {  	s17 =	sadd.s32 $0x10, s17  }
0xfe: {  	s18 =	sadd.s32 $0xFFFFFFFF, s18;
	s19 =	sadd.s32 s17, s10  }
.Ltmp15:
0xff: {  	_ = 	snop;
	(pc) =	sbr.rel .LBB2_15-.Ltmp15, $1  }
0x100: {  	_ =	sdelay $0x3  }
.LBB2_4:
.Ltmp16:
0x101: {  	(pc) =	sbr.rel .LBB2_7-.Ltmp16, $2  }
0x102: {  	_ =	sdelay $0x2  }
0x103: {  	_ = 	snop  }
.LBB2_19:
0x104: {  	_ =	sfence.sel $0x180000  }
0x105: {  	[bflag:$0x0] =	sbarrier.arrive $0xFFFF  }
0x106: {  	_ =	strace $0x9000004A  }
0x107: {  	s0 =	stileid.u32;
	[bflag:$0x2] =	sbarrier.arrive $0xFFFF  }
0x108: {  	p0 =	sne.s32 s0, $0x0;
	s0 =	rddreg [dreg:$0x2]  }
0x109: {  	s0 =	sadd.s32 @!p0 $0x100000, s0  }
0x10a: {  	[sflag:s0] =	ssyncadd.tile.s32 @!p0 $0x1;
	_ =	shalt  }
.Lfunc_end2:
_tile_overlayer_lowered:
.L_overlay_start_2:
0x10b: {  	(tag) =	ssettag $0x2  }
0x10c: {  	s0 =	rddreg [dreg:$0x0];
	s2 =	stileid.u32  }
0x10d: {  	s1 =	rddreg [dreg:$0x1];
	p0 =	sne.s32 s2, $0x0  }
0x10e: {  	s3 =	rddreg [dreg:$0x2];
	[bflag:$0x3] =	sbarrier.arrive $0xFFFF;
	s2 =	simm.s32 @!p0 $0x1C04  }
0x10f: {  	[timem:s3], [sflag:s2] =	dma.local @!p0 [hbm:s0], s1  }
0x110: {  	s0 =	simm.s32 @!p0 $0x4  }
0x111: {  	_ =	swait.ge @!p0 [sflag:s0], s1  }
0x112: {  	s1 =	ssub.s32 @!p0 $0x0, s1;
	[sflag:s0] =	ssyncset.done @!p0 $0x0  }
0x113: {  	[sflag:s0] =	ssyncadd.s32 @!p0 s1  }
0x114: {  	[bflag:$0x3] =	sbarrier.arrive $0xFFFF  }
0x115: {  	_ =	shalt  }

</sc_bundles>
